<compile_context>
chip_gen: v7x
topology: tpu7x:2x2x1
jax: 0.10.2.dev20260603
libtpu: 0.0.44.dev20260713+nightly
codegen_flags: <defaults>
</compile_context>

<pallas_src>
import functools

import jax
import jax.numpy as jnp
from jax import lax
from jax.experimental import pallas as pl
from jax.experimental.pallas import tpu as pltpu
from jax.experimental.pallas import tpu_sc as plsc

_B, _T, _K, _H = 64, 256, 128, 128
_N = _B * _T
_E = 262144
_IN = 2 * _K
_NC, _NS = 2, 16
_CH = 128
_DW = 8
_RPT = _N // _NS


def _sc_degree(dst2d, ones_rows, zeros_rows):
    mesh = plsc.VectorSubcoreMesh(core_axis_name="c", subcore_axis_name="s")

    @functools.partial(
        pl.kernel,
        mesh=mesh,
        out_type=jax.ShapeDtypeStruct((_NC * _N, _DW), jnp.float32),
        scratch_types=[
            pltpu.VMEM((_E // (_NC * _NS * _CH), _CH), jnp.int32),
            pltpu.VMEM((_CH, _DW), jnp.float32),
            pltpu.VMEM_SHARED((_N, _DW), jnp.float32),
            pltpu.SemaphoreType.DMA,
        ],
        compiler_params=pltpu.CompilerParams(use_tc_tiling_on_sc=False),
    )
    def k(dst_hbm, ones_hbm, zeros_hbm, out_hbm, idx_all, ones_v, deg_sh, sem):
        c = lax.axis_index("c")
        s = lax.axis_index("s")
        cpt = _E // (_NC * _NS * _CH)
        chunk0 = (c * _NS + s) * cpt
        pltpu.sync_copy(zeros_hbm, deg_sh.at[pl.ds(s * _RPT, _RPT)])
        pltpu.sync_copy(dst_hbm.at[pl.ds(chunk0, cpt)], idx_all)
        pltpu.sync_copy(ones_hbm, ones_v)
        plsc.subcore_barrier()

        def fire(i, carry):
            pltpu.async_copy(ones_v, deg_sh.at[idx_all.at[i]], sem, add=True)
            return carry

        lax.fori_loop(0, cpt, fire, 0)

        def drain(i, carry):
            pltpu.make_async_copy(ones_v, deg_sh.at[idx_all.at[i]], sem).wait()
            return carry

        lax.fori_loop(0, cpt, drain, 0)
        plsc.subcore_barrier()
        pltpu.sync_copy(deg_sh.at[pl.ds(s * _RPT, _RPT)],
                        out_hbm.at[pl.ds(c * _N + s * _RPT, _RPT)])

    return k(dst2d, ones_rows, zeros_rows)


def _sc_scatter(src2d, dst2d, y_flat, zeros_rows):
    mesh = plsc.VectorSubcoreMesh(core_axis_name="c", subcore_axis_name="s")

    @functools.partial(
        pl.kernel,
        mesh=mesh,
        out_type=jax.ShapeDtypeStruct((_NC * _N, _H // 2), jnp.float32),
        scratch_types=[
            pltpu.VMEM((_E // (_NS * _CH), _CH), jnp.int32),
            pltpu.VMEM((_E // (_NS * _CH), _CH), jnp.int32),
            pltpu.VMEM((4, _CH, _H // 2), jnp.float32),
            pltpu.VMEM_SHARED((_N, _H // 2), jnp.float32),
            pltpu.SemaphoreType.DMA,
            pltpu.SemaphoreType.DMA,
        ],
        compiler_params=pltpu.CompilerParams(use_tc_tiling_on_sc=False),
    )
    def k(src_hbm, dst_hbm, y_hbm, zeros_hbm, out_hbm,
          sidx, didx, rows, z_sh, gsem, ssem):
        c = lax.axis_index("c")
        s = lax.axis_index("s")
        cpt = _E // (_NS * _CH)
        chunk0 = s * cpt
        pltpu.sync_copy(zeros_hbm, z_sh.at[pl.ds(s * _RPT, _RPT)])
        pltpu.sync_copy(src_hbm.at[pl.ds(chunk0, cpt)], sidx)
        pltpu.sync_copy(dst_hbm.at[pl.ds(chunk0, cpt)], didx)
        yoff = c * _N

        def addoff(j, carry):
            for u in range(_CH // 16):
                sl = pl.ds(u * 16, 16)
                sidx[j, sl] = sidx[j, sl] + yoff
            return carry

        lax.fori_loop(0, cpt, addoff, 0)
        plsc.subcore_barrier()

        for kk in range(3):
            pltpu.async_copy(y_hbm.at[sidx.at[kk]], rows.at[kk], gsem)

        def body(i, carry):
            p = lax.rem(i, 4)
            pn = lax.rem(i + 3, 4)
            pltpu.make_async_copy(y_hbm.at[sidx.at[i]], rows.at[p], gsem).wait()
            pltpu.async_copy(rows.at[p], z_sh.at[didx.at[i]], ssem, add=True)

            @pl.when(i > 0)
            def _():
                pltpu.make_async_copy(
                    rows.at[pn], z_sh.at[didx.at[i - 1]], ssem).wait()

            @pl.when(i + 3 < cpt)
            def _():
                pltpu.async_copy(y_hbm.at[sidx.at[i + 3]], rows.at[pn], gsem)

            return carry

        lax.fori_loop(0, cpt, body, 0)
        pltpu.make_async_copy(
            rows.at[(cpt - 1) % 4], z_sh.at[didx.at[cpt - 1]], ssem).wait()
        plsc.subcore_barrier()
        pltpu.sync_copy(z_sh.at[pl.ds(s * _RPT, _RPT)],
                        out_hbm.at[pl.ds(c * _N + s * _RPT, _RPT)])

    return k(src2d, dst2d, y_flat, zeros_rows)


_BLK = 1024


def _prep_body(x_ref, w_ref, dp_ref, y2_ref, dinv_ref):
    xw = jnp.dot(x_ref[...], w_ref[...], preferred_element_type=jnp.float32)
    deg = dp_ref[0, :, 0] + dp_ref[1, :, 0] + 1.0
    dinv = lax.rsqrt(deg)
    y = xw * dinv[:, None]
    y2_ref[0] = y[:, : _H // 2]
    y2_ref[1] = y[:, _H // 2:]
    dinv_ref[...] = jnp.broadcast_to(dinv[:, None], (_BLK, _DW))


def _tc_prep(x, gcn_W, deg_parts):
    grid = (_N // _BLK,)
    return pl.pallas_call(
        _prep_body,
        grid=grid,
        in_specs=[
            pl.BlockSpec((_BLK, _IN), lambda i: (i, 0)),
            pl.BlockSpec((_IN, _H), lambda i: (0, 0)),
            pl.BlockSpec((_NC, _BLK, _DW), lambda i: (0, i, 0)),
        ],
        out_specs=[
            pl.BlockSpec((_NC, _BLK, _H // 2), lambda i: (0, i, 0)),
            pl.BlockSpec((_BLK, _DW), lambda i: (i, 0)),
        ],
        out_shape=[
            jax.ShapeDtypeStruct((_NC, _N, _H // 2), jnp.float32),
            jax.ShapeDtypeStruct((_N, _DW), jnp.float32),
        ],
    )(x, gcn_W, deg_parts)


_UNROLL = 32


def _gru_body(z0_ref, z1_ref, y0_ref, y1_ref, dv_ref, gb_ref, wih_ref,
              bih_ref, whh_ref, bhh_ref, f1_ref, b1_ref, f2_ref, b2_ref,
              f3_ref, b3_ref, f4_ref, b4_ref, out_ref, h_ref, hsum_ref):
    t = pl.program_id(0)

    @pl.when(t == 0)
    def _():
        h_ref[...] = jnp.zeros_like(h_ref)
        hsum_ref[...] = jnp.zeros_like(hsum_ref)

    zz = jnp.concatenate([z0_ref[...], z1_ref[...]], axis=-1)
    yy = jnp.concatenate([y0_ref[...], y1_ref[...]], axis=-1)
    dv = dv_ref[..., 0:1]
    g = dv * (zz + yy) + gb_ref[...]
    gt = jnp.swapaxes(g, 0, 1).reshape(_UNROLL * _B, _H)
    gi_all = jnp.dot(gt, wih_ref[...], preferred_element_type=jnp.float32)
    gi_all = (gi_all + bih_ref[...]).reshape(_UNROLL, _B, 3 * _H)

    h = h_ref[...]
    hs = hsum_ref[...]
    for u in range(_UNROLL):
        gi = gi_all[u]
        gh = jnp.dot(h, whh_ref[...], preferred_element_type=jnp.float32)
        gh = gh + bhh_ref[...]
        i_r, i_z, i_n = gi[:, :_H], gi[:, _H:2 * _H], gi[:, 2 * _H:]
        h_r, h_z, h_n = gh[:, :_H], gh[:, _H:2 * _H], gh[:, 2 * _H:]
        r = jax.nn.sigmoid(i_r + h_r)
        z = jax.nn.sigmoid(i_z + h_z)
        n = jnp.tanh(i_n + r * h_n)
        h = (1.0 - z) * n + z * h
        hs = hs + h
    h_ref[...] = h
    hsum_ref[...] = hs

    @pl.when(t == _T // _UNROLL - 1)
    def _():
        pooled = hsum_ref[...] * (1.0 / _T)
        a = jnp.dot(pooled, f1_ref[...], preferred_element_type=jnp.float32)
        a = jnp.maximum(a + b1_ref[...], 0.0)
        a = jnp.dot(a, f2_ref[...], preferred_element_type=jnp.float32)
        a = jnp.maximum(a + b2_ref[...], 0.0)
        a = jnp.dot(a, f3_ref[...], preferred_element_type=jnp.float32)
        a = jnp.maximum(a + b3_ref[...], 0.0)
        a = jnp.dot(a, f4_ref[...], preferred_element_type=jnp.float32)
        out_ref[...] = a + b4_ref[...]


def _tc_gru(z0r, z1r, y0r, y1r, dinvr, gcn_b2, wihT, bih2,
            whhT, bhh2, f1T, b1, f2T, b2, f3T, b3, f4T, b4):
    def full(shape):
        return pl.BlockSpec(shape, lambda t: tuple(0 for _ in shape))

    half = pl.BlockSpec((_B, _UNROLL, _H // 2), lambda t: (0, t, 0))
    return pl.pallas_call(
        _gru_body,
        grid=(_T // _UNROLL,),
        in_specs=[
            half, half, half, half,
            pl.BlockSpec((_B, _UNROLL, _DW), lambda t: (0, t, 0)),
            full((1, _H)),
            full((_H, 3 * _H)),
            full((1, 3 * _H)),
            full((_H, 3 * _H)),
            full((1, 3 * _H)),
            full((_H, 64)),
            full((1, 64)),
            full((64, 32)),
            full((1, 32)),
            full((32, 16)),
            full((1, 16)),
            full((16, _DW)),
            full((1, _DW)),
        ],
        out_specs=pl.BlockSpec((_B, _DW), lambda t: (0, 0)),
        out_shape=jax.ShapeDtypeStruct((_B, _DW), jnp.float32),
        scratch_shapes=[
            pltpu.VMEM((_B, _H), jnp.float32),
            pltpu.VMEM((_B, _H), jnp.float32),
        ],
        compiler_params=pltpu.CompilerParams(
            dimension_semantics=("arbitrary",)),
    )(z0r, z1r, y0r, y1r, dinvr, gcn_b2, wihT, bih2,
      whhT, bhh2, f1T, b1, f2T, b2, f3T, b3, f4T, b4)


def kernel(keypoints, edge_index, gcn_W, gcn_b, gru_W_ih, gru_W_hh, gru_b_ih,
           gru_b_hh, fc1_W, fc1_b, fc2_W, fc2_b, fc3_W, fc3_b, fc4_W, fc4_b):
    x = keypoints.reshape(_N, _IN)
    ei = edge_index.astype(jnp.int32)
    src2d = ei[0].reshape(_E // _CH, _CH)
    dst2d = ei[1].reshape(_E // _CH, _CH)

    ones_rows = jnp.zeros((_CH, _DW), jnp.float32).at[:, 0].set(1.0)
    zeros_deg = jnp.zeros((_RPT, _DW), jnp.float32)
    zeros_z = jnp.zeros((_RPT, _H // 2), jnp.float32)

    deg_parts = _sc_degree(dst2d, ones_rows, zeros_deg).reshape(_NC, _N, _DW)
    y2, dinv8 = _tc_prep(x, gcn_W, deg_parts)
    z2 = _sc_scatter(src2d, dst2d, y2.reshape(_NC * _N, _H // 2), zeros_z)

    shp = (_B, _T, _H // 2)
    z2 = z2.reshape(_NC, _N, _H // 2)

    f4T = jnp.pad(fc4_W.T, ((0, 0), (0, _DW - 1)))
    b4 = jnp.broadcast_to(fc4_b.reshape(1, 1), (1, _DW))
    out8 = _tc_gru(
        z2[0].reshape(shp), z2[1].reshape(shp),
        y2[0].reshape(shp), y2[1].reshape(shp),
        dinv8.reshape(_B, _T, _DW),
        gcn_b.reshape(1, _H),
        gru_W_ih.T,
        gru_b_ih.reshape(1, 3 * _H),
        gru_W_hh.T, gru_b_hh.reshape(1, 3 * _H),
        fc1_W.T, fc1_b.reshape(1, 64),
        fc2_W.T, fc2_b.reshape(1, 32),
        fc3_W.T, fc3_b.reshape(1, 16),
        f4T, b4,
    )
    return out8[:, :1]

# --- scband reference (transcript-rebuilt; emitter-appended) ---
"""Pipeline reference for scband-bird-behavior-classifier-23356032155955 (READ-ONLY COPY).

The authoritative reference and input builder live on the scoring server;
editing this copy changes nothing except your own understanding.
"""

import jax, jax.numpy as jnp
import numpy as np

B, T, K, H = 64, 256, 128, 128
N = B * T
E = 262144
IN_DIM = K * 2


def gcn_conv(x, edge_index, W, b, num_nodes):
    # x' = x @ W; add self loops; symmetric normalization; scatter-add; + bias
    x = x @ W
    src = edge_index[0]
    dst = edge_index[1]
    loop = jnp.arange(num_nodes, dtype=edge_index.dtype)
    src = jnp.concatenate([src, loop])
    dst = jnp.concatenate([dst, loop])
    ew = jnp.ones(src.shape[0], dtype=x.dtype)
    deg = jnp.zeros((num_nodes,), dtype=x.dtype).at[dst].add(ew)
    dinv = jnp.where(deg > 0, 1.0 / jnp.sqrt(deg), 0.0)
    norm = dinv[src] * dinv[dst]
    out = jnp.zeros((num_nodes, x.shape[1]), dtype=x.dtype).at[dst].add(norm[:, None] * x[src])
    return out + b


def gru_layer(x, W_ih, W_hh, b_ih, b_hh):
    # x: [B, T, H], batch_first PyTorch GRU, 1 layer, h0 = 0
    Bsz = x.shape[0]
    Hd = W_hh.shape[1]

    def step(h, xt):
        gi = xt @ W_ih.T + b_ih
        gh = h @ W_hh.T + b_hh
        i_r, i_z, i_n = jnp.split(gi, 3, axis=-1)
        h_r, h_z, h_n = jnp.split(gh, 3, axis=-1)
        r = jax.nn.sigmoid(i_r + h_r)
        z = jax.nn.sigmoid(i_z + h_z)
        n = jnp.tanh(i_n + r * h_n)
        h_new = (1.0 - z) * n + z * h
        return h_new, h_new

    h0 = jnp.zeros((Bsz, Hd), dtype=x.dtype)
    _, ys = jax.lax.scan(step, h0, jnp.swapaxes(x, 0, 1))
    return jnp.swapaxes(ys, 0, 1)


def setup_inputs(seed: int = 0) -> dict:
    key = jax.random.key(seed)
    ks = jax.random.split(key, 16)
    keypoints = jax.random.normal(ks[0], (B, T, K, 2), dtype=jnp.float32)
    edge_index = jax.random.randint(ks[1], (2, E), 0, N, dtype=jnp.int64)
    s = 0.05
    params = {
        'gcn_W': jax.random.normal(ks[2], (IN_DIM, H), jnp.float32) * s,
        'gcn_b': jnp.zeros((H,), jnp.float32),
        'gru_W_ih': jax.random.normal(ks[3], (3 * H, H), jnp.float32) * s,
        'gru_W_hh': jax.random.normal(ks[4], (3 * H, H), jnp.float32) * s,
        'gru_b_ih': jnp.zeros((3 * H,), jnp.float32),
        'gru_b_hh': jnp.zeros((3 * H,), jnp.float32),
        'fc1_W': jax.random.normal(ks[5], (64, H), jnp.float32) * s,
        'fc1_b': jnp.zeros((64,), jnp.float32),
        'fc2_W': jax.random.normal(ks[6], (32, 64), jnp.float32) * s,
        'fc2_b': jnp.zeros((32,), jnp.float32),
        'fc3_W': jax.random.normal(ks[7], (16, 32), jnp.float32) * s,
        'fc3_b': jnp.zeros((16,), jnp.float32),
        'fc4_W': jax.random.normal(ks[8], (1, 16), jnp.float32) * s,
        'fc4_b': jnp.zeros((1,), jnp.float32),
    }
    return {'keypoints': keypoints, 'edge_index': edge_index, **params}


def reference(keypoints, edge_index, gcn_W, gcn_b, gru_W_ih, gru_W_hh, gru_b_ih, gru_b_hh,
              fc1_W, fc1_b, fc2_W, fc2_b, fc3_W, fc3_b, fc4_W, fc4_b):
    bsz, t, k, _ = keypoints.shape
    x = keypoints.reshape(bsz * t, k * 2)
    gcn_out = gcn_conv(x, edge_index, gcn_W, gcn_b, bsz * t)
    gcn_out = gcn_out.reshape(bsz, t, H)
    temporal_out = gru_layer(gcn_out, gru_W_ih, gru_W_hh, gru_b_ih, gru_b_hh)
    pooled = temporal_out.mean(axis=1)
    # dropout in eval mode = identity
    h1 = jax.nn.relu(pooled @ fc1_W.T + fc1_b)
    h2 = jax.nn.relu(h1 @ fc2_W.T + fc2_b)
    h3 = jax.nn.relu(h2 @ fc3_W.T + fc3_b)
    logits = h3 @ fc4_W.T + fc4_b
    return logits.astype(jnp.float32)

if __name__ == "__main__":
    import jax
    _d = setup_inputs()
    print(jax.jit(kernel)(*tuple(_d.values())))

</pallas_src>

<mosaic_0001>
#map = affine_map<(d0, d1) -> (0, 0)>
module attributes {stable_mosaic.version = 14 : i64} {
  func.func @k(%arg0: i32, %arg1: i32, %arg2: memref<2048x128xi32, #tpu.memory_space<hbm>>, %arg3: memref<2048x128xi32, #tpu.memory_space<hbm>>, %arg4: memref<32768x64xf32, #tpu.memory_space<hbm>>, %arg5: memref<1024x64xf32, #tpu.memory_space<hbm>>, %arg6: memref<32768x64xf32, #tpu.memory_space<hbm>>, %arg7: memref<128x128xi32, #tpu.memory_space<vmem>>, %arg8: memref<128x128xi32, #tpu.memory_space<vmem>>, %arg9: memref<4x128x64xf32, #tpu.memory_space<vmem>>, %arg10: memref<16384x64xf32, #tpu.memory_space<vmem_shared>>, %arg11: memref<!tpu.dma_semaphore, #tpu.memory_space<semaphore_mem>>, %arg12: memref<!tpu.dma_semaphore, #tpu.memory_space<semaphore_mem>>) attributes {dimension_semantics = [#tpu.dimension_semantics<core_parallel>, #tpu.dimension_semantics<subcore_parallel>], iteration_bounds = array<i64: 2, 16>, scalar_prefetch = 0 : i64, scratch_operands = 6 : i64, tpu.core_type = #tpu.core_type<sc_vector_subcore>, window_params = [{transform_indices = #map}, {transform_indices = #map}, {transform_indices = #map}, {transform_indices = #map}, {transform_indices = #map}]} {
    %mul3A = arith.constant 128 : i32
    %mul3A_0 = arith.muli %arg1, %mul3A : i32
    %mul3A_1 = arith.constant 1024 : i32
    %mul3A_2 = arith.muli %arg1, %mul3A_1 : i32
    "tpu.region"() ({
      %run_scoped3A = tpu.sem_alloc : memref<!tpu.dma_semaphore, #tpu.memory_space<semaphore_mem>>
      %dma_start3A_69 = arith.constant 0 : i32
      %dma_start3A_70 = tpu.memref_slice %arg10[%mul3A_2, %dma_start3A_69] : memref<16384x64xf32, #tpu.memory_space<vmem_shared>> -> memref<1024x64xf32, #tpu.memory_space<vmem_shared>>
      tpu.enqueue_dma source(%arg5 : memref<1024x64xf32, #tpu.memory_space<hbm>>) target(%dma_start3A_70 : memref<1024x64xf32, #tpu.memory_space<vmem_shared>>) target_semaphore(%run_scoped3A : memref<!tpu.dma_semaphore, #tpu.memory_space<semaphore_mem>>)
      %dma_wait3A_71 = arith.constant 0 : i32
      %dma_wait3A_72 = tpu.memref_slice %arg10[%mul3A_2, %dma_wait3A_71] : memref<16384x64xf32, #tpu.memory_space<vmem_shared>> -> memref<1024x64xf32, #tpu.memory_space<vmem_shared>>
      tpu.wait_dma2 semaphore(%run_scoped3A : memref<!tpu.dma_semaphore, #tpu.memory_space<semaphore_mem>>) src(%arg5 : memref<1024x64xf32, #tpu.memory_space<hbm>>) dst(%dma_wait3A_72 : memref<1024x64xf32, #tpu.memory_space<vmem_shared>>)
      tpu.yield
    }) : () -> ()
    "tpu.region"() ({
      %run_scoped3A = tpu.sem_alloc : memref<!tpu.dma_semaphore, #tpu.memory_space<semaphore_mem>>
      %dma_start3A_69 = arith.constant 0 : i32
      %dma_start3A_70 = tpu.memref_slice %arg2[%mul3A_0, %dma_start3A_69] : memref<2048x128xi32, #tpu.memory_space<hbm>> -> memref<128x128xi32, #tpu.memory_space<hbm>>
      %dma_start3A_71 = arith.constant 0 : i32
      %dma_start3A_72 = tpu.memref_slice %arg2[%mul3A_0, %dma_start3A_71] : memref<2048x128xi32, #tpu.memory_space<hbm>> -> memref<128x128xi32, #tpu.memory_space<hbm>>
      tpu.enqueue_dma source(%dma_start3A_72 : memref<128x128xi32, #tpu.memory_space<hbm>>) target(%arg7 : memref<128x128xi32, #tpu.memory_space<vmem>>) target_semaphore(%run_scoped3A : memref<!tpu.dma_semaphore, #tpu.memory_space<semaphore_mem>>)
      %dma_wait3A_73 = arith.constant 0 : i32
      %dma_wait3A_74 = tpu.memref_slice %arg2[%mul3A_0, %dma_wait3A_73] : memref<2048x128xi32, #tpu.memory_space<hbm>> -> memref<128x128xi32, #tpu.memory_space<hbm>>
      %dma_wait3A_75 = arith.constant 0 : i32
      %dma_wait3A_76 = tpu.memref_slice %arg2[%mul3A_0, %dma_wait3A_75] : memref<2048x128xi32, #tpu.memory_space<hbm>> -> memref<128x128xi32, #tpu.memory_space<hbm>>
      tpu.wait_dma2 semaphore(%run_scoped3A : memref<!tpu.dma_semaphore, #tpu.memory_space<semaphore_mem>>) src(%dma_wait3A_76 : memref<128x128xi32, #tpu.memory_space<hbm>>) dst(%arg7 : memref<128x128xi32, #tpu.memory_space<vmem>>)
      tpu.yield
    }) : () -> ()
    "tpu.region"() ({
      %run_scoped3A = tpu.sem_alloc : memref<!tpu.dma_semaphore, #tpu.memory_space<semaphore_mem>>
      %dma_start3A_69 = arith.constant 0 : i32
      %dma_start3A_70 = tpu.memref_slice %arg3[%mul3A_0, %dma_start3A_69] : memref<2048x128xi32, #tpu.memory_space<hbm>> -> memref<128x128xi32, #tpu.memory_space<hbm>>
      %dma_start3A_71 = arith.constant 0 : i32
      %dma_start3A_72 = tpu.memref_slice %arg3[%mul3A_0, %dma_start3A_71] : memref<2048x128xi32, #tpu.memory_space<hbm>> -> memref<128x128xi32, #tpu.memory_space<hbm>>
      tpu.enqueue_dma source(%dma_start3A_72 : memref<128x128xi32, #tpu.memory_space<hbm>>) target(%arg8 : memref<128x128xi32, #tpu.memory_space<vmem>>) target_semaphore(%run_scoped3A : memref<!tpu.dma_semaphore, #tpu.memory_space<semaphore_mem>>)
      %dma_wait3A_73 = arith.constant 0 : i32
      %dma_wait3A_74 = tpu.memref_slice %arg3[%mul3A_0, %dma_wait3A_73] : memref<2048x128xi32, #tpu.memory_space<hbm>> -> memref<128x128xi32, #tpu.memory_space<hbm>>
      %dma_wait3A_75 = arith.constant 0 : i32
      %dma_wait3A_76 = tpu.memref_slice %arg3[%mul3A_0, %dma_wait3A_75] : memref<2048x128xi32, #tpu.memory_space<hbm>> -> memref<128x128xi32, #tpu.memory_space<hbm>>
      tpu.wait_dma2 semaphore(%run_scoped3A : memref<!tpu.dma_semaphore, #tpu.memory_space<semaphore_mem>>) src(%dma_wait3A_76 : memref<128x128xi32, #tpu.memory_space<hbm>>) dst(%arg8 : memref<128x128xi32, #tpu.memory_space<vmem>>)
      tpu.yield
    }) : () -> ()
    %mul3A_3 = arith.constant 16384 : i32
    %mul3A_4 = arith.muli %arg0, %mul3A_3 : i32
    %scan3A = arith.constant 0 : i32
    %scan3A_5 = arith.constant 0 : i32
    %scan3A_6 = arith.constant 128 : i32
    %scan3A_7 = arith.addi %scan3A_5, %scan3A_6 : i32
    %scan3A_8 = arith.constant 1 : i32
    scf.for %scan3A_69 = %scan3A_5 to %scan3A_7 step %scan3A_8  : i32 {
      %get3A = arith.index_cast %scan3A_69 : i32 to index
      %get3A_70 = arith.constant 0 : index
      %get3A_71 = tpu.vector_load %arg7[%get3A, %get3A_70] {strides = array<i32>} : memref<128x128xi32, #tpu.memory_space<vmem>>, vector<1x16xi32>,
      %get3A_72 = vector.shape_cast %get3A_71 : vector<1x16xi32> to vector<16xi32>
      %add3A_73 = vector.broadcast %mul3A_4 : i32 to vector<16xi32>
      %add3A_74 = arith.addi %get3A_72, %add3A_73 : vector<16xi32>
      %swap3A = arith.index_cast %scan3A_69 : i32 to index
      %swap3A_75 = arith.constant 0 : index
      %swap3A_76 = tpu.vector_load %arg7[%swap3A, %swap3A_75] {strides = array<i32>} : memref<128x128xi32, #tpu.memory_space<vmem>>, vector<1x16xi32>,
      %swap3A_77 = vector.shape_cast %swap3A_76 : vector<1x16xi32> to vector<16xi32>
      %swap3A_78 = vector.shape_cast %add3A_74 : vector<16xi32> to vector<1x16xi32>
      tpu.vector_store %arg7[%swap3A, %swap3A_75], %swap3A_78 {strides = array<i32>} : memref<128x128xi32, #tpu.memory_space<vmem>>, vector<1x16xi32>,
      %get3A_79 = arith.index_cast %scan3A_69 : i32 to index
      %get3A_80 = arith.constant 16 : index
      %get3A_81 = tpu.vector_load %arg7[%get3A_79, %get3A_80] {strides = array<i32>} : memref<128x128xi32, #tpu.memory_space<vmem>>, vector<1x16xi32>,
      %get3A_82 = vector.shape_cast %get3A_81 : vector<1x16xi32> to vector<16xi32>
      %add3A_83 = vector.broadcast %mul3A_4 : i32 to vector<16xi32>
      %add3A_84 = arith.addi %get3A_82, %add3A_83 : vector<16xi32>
      %swap3A_85 = arith.index_cast %scan3A_69 : i32 to index
      %swap3A_86 = arith.constant 16 : index
      %swap3A_87 = tpu.vector_load %arg7[%swap3A_85, %swap3A_86] {strides = array<i32>} : memref<128x128xi32, #tpu.memory_space<vmem>>, vector<1x16xi32>,
      %swap3A_88 = vector.shape_cast %swap3A_87 : vector<1x16xi32> to vector<16xi32>
      %swap3A_89 = vector.shape_cast %add3A_84 : vector<16xi32> to vector<1x16xi32>
      tpu.vector_store %arg7[%swap3A_85, %swap3A_86], %swap3A_89 {strides = array<i32>} : memref<128x128xi32, #tpu.memory_space<vmem>>, vector<1x16xi32>,
      %get3A_90 = arith.index_cast %scan3A_69 : i32 to index
      %get3A_91 = arith.constant 32 : index
      %get3A_92 = tpu.vector_load %arg7[%get3A_90, %get3A_91] {strides = array<i32>} : memref<128x128xi32, #tpu.memory_space<vmem>>, vector<1x16xi32>,
      %get3A_93 = vector.shape_cast %get3A_92 : vector<1x16xi32> to vector<16xi32>
      %add3A_94 = vector.broadcast %mul3A_4 : i32 to vector<16xi32>
      %add3A_95 = arith.addi %get3A_93, %add3A_94 : vector<16xi32>
      %swap3A_96 = arith.index_cast %scan3A_69 : i32 to index
      %swap3A_97 = arith.constant 32 : index
      %swap3A_98 = tpu.vector_load %arg7[%swap3A_96, %swap3A_97] {strides = array<i32>} : memref<128x128xi32, #tpu.memory_space<vmem>>, vector<1x16xi32>,
      %swap3A_99 = vector.shape_cast %swap3A_98 : vector<1x16xi32> to vector<16xi32>
      %swap3A_100 = vector.shape_cast %add3A_95 : vector<16xi32> to vector<1x16xi32>
      tpu.vector_store %arg7[%swap3A_96, %swap3A_97], %swap3A_100 {strides = array<i32>} : memref<128x128xi32, #tpu.memory_space<vmem>>, vector<1x16xi32>,
      %get3A_101 = arith.index_cast %scan3A_69 : i32 to index
      %get3A_102 = arith.constant 48 : index
      %get3A_103 = tpu.vector_load %arg7[%get3A_101, %get3A_102] {strides = array<i32>} : memref<128x128xi32, #tpu.memory_space<vmem>>, vector<1x16xi32>,
      %get3A_104 = vector.shape_cast %get3A_103 : vector<1x16xi32> to vector<16xi32>
      %add3A_105 = vector.broadcast %mul3A_4 : i32 to vector<16xi32>
      %add3A_106 = arith.addi %get3A_104, %add3A_105 : vector<16xi32>
      %swap3A_107 = arith.index_cast %scan3A_69 : i32 to index
      %swap3A_108 = arith.constant 48 : index
      %swap3A_109 = tpu.vector_load %arg7[%swap3A_107, %swap3A_108] {strides = array<i32>} : memref<128x128xi32, #tpu.memory_space<vmem>>, vector<1x16xi32>,
      %swap3A_110 = vector.shape_cast %swap3A_109 : vector<1x16xi32> to vector<16xi32>
      %swap3A_111 = vector.shape_cast %add3A_106 : vector<16xi32> to vector<1x16xi32>
      tpu.vector_store %arg7[%swap3A_107, %swap3A_108], %swap3A_111 {strides = array<i32>} : memref<128x128xi32, #tpu.memory_space<vmem>>, vector<1x16xi32>,
      %get3A_112 = arith.index_cast %scan3A_69 : i32 to index
      %get3A_113 = arith.constant 64 : index
      %get3A_114 = tpu.vector_load %arg7[%get3A_112, %get3A_113] {strides = array<i32>} : memref<128x128xi32, #tpu.memory_space<vmem>>, vector<1x16xi32>,
      %get3A_115 = vector.shape_cast %get3A_114 : vector<1x16xi32> to vector<16xi32>
      %add3A_116 = vector.broadcast %mul3A_4 : i32 to vector<16xi32>
      %add3A_117 = arith.addi %get3A_115, %add3A_116 : vector<16xi32>
      %swap3A_118 = arith.index_cast %scan3A_69 : i32 to index
      %swap3A_119 = arith.constant 64 : index
      %swap3A_120 = tpu.vector_load %arg7[%swap3A_118, %swap3A_119] {strides = array<i32>} : memref<128x128xi32, #tpu.memory_space<vmem>>, vector<1x16xi32>,
      %swap3A_121 = vector.shape_cast %swap3A_120 : vector<1x16xi32> to vector<16xi32>
      %swap3A_122 = vector.shape_cast %add3A_117 : vector<16xi32> to vector<1x16xi32>
      tpu.vector_store %arg7[%swap3A_118, %swap3A_119], %swap3A_122 {strides = array<i32>} : memref<128x128xi32, #tpu.memory_space<vmem>>, vector<1x16xi32>,
      %get3A_123 = arith.index_cast %scan3A_69 : i32 to index
      %get3A_124 = arith.constant 80 : index
      %get3A_125 = tpu.vector_load %arg7[%get3A_123, %get3A_124] {strides = array<i32>} : memref<128x128xi32, #tpu.memory_space<vmem>>, vector<1x16xi32>,
      %get3A_126 = vector.shape_cast %get3A_125 : vector<1x16xi32> to vector<16xi32>
      %add3A_127 = vector.broadcast %mul3A_4 : i32 to vector<16xi32>
      %add3A_128 = arith.addi %get3A_126, %add3A_127 : vector<16xi32>
      %swap3A_129 = arith.index_cast %scan3A_69 : i32 to index
      %swap3A_130 = arith.constant 80 : index
      %swap3A_131 = tpu.vector_load %arg7[%swap3A_129, %swap3A_130] {strides = array<i32>} : memref<128x128xi32, #tpu.memory_space<vmem>>, vector<1x16xi32>,
      %swap3A_132 = vector.shape_cast %swap3A_131 : vector<1x16xi32> to vector<16xi32>
      %swap3A_133 = vector.shape_cast %add3A_128 : vector<16xi32> to vector<1x16xi32>
      tpu.vector_store %arg7[%swap3A_129, %swap3A_130], %swap3A_133 {strides = array<i32>} : memref<128x128xi32, #tpu.memory_space<vmem>>, vector<1x16xi32>,
      %get3A_134 = arith.index_cast %scan3A_69 : i32 to index
      %get3A_135 = arith.constant 96 : index
      %get3A_136 = tpu.vector_load %arg7[%get3A_134, %get3A_135] {strides = array<i32>} : memref<128x128xi32, #tpu.memory_space<vmem>>, vector<1x16xi32>,
      %get3A_137 = vector.shape_cast %get3A_136 : vector<1x16xi32> to vector<16xi32>
      %add3A_138 = vector.broadcast %mul3A_4 : i32 to vector<16xi32>
      %add3A_139 = arith.addi %get3A_137, %add3A_138 : vector<16xi32>
      %swap3A_140 = arith.index_cast %scan3A_69 : i32 to index
      %swap3A_141 = arith.constant 96 : index
      %swap3A_142 = tpu.vector_load %arg7[%swap3A_140, %swap3A_141] {strides = array<i32>} : memref<128x128xi32, #tpu.memory_space<vmem>>, vector<1x16xi32>,
      %swap3A_143 = vector.shape_cast %swap3A_142 : vector<1x16xi32> to vector<16xi32>
      %swap3A_144 = vector.shape_cast %add3A_139 : vector<16xi32> to vector<1x16xi32>
      tpu.vector_store %arg7[%swap3A_140, %swap3A_141], %swap3A_144 {strides = array<i32>} : memref<128x128xi32, #tpu.memory_space<vmem>>, vector<1x16xi32>,
      %get3A_145 = arith.index_cast %scan3A_69 : i32 to index
      %get3A_146 = arith.constant 112 : index
      %get3A_147 = tpu.vector_load %arg7[%get3A_145, %get3A_146] {strides = array<i32>} : memref<128x128xi32, #tpu.memory_space<vmem>>, vector<1x16xi32>,
      %get3A_148 = vector.shape_cast %get3A_147 : vector<1x16xi32> to vector<16xi32>
      %add3A_149 = vector.broadcast %mul3A_4 : i32 to vector<16xi32>
      %add3A_150 = arith.addi %get3A_148, %add3A_149 : vector<16xi32>
      %swap3A_151 = arith.index_cast %scan3A_69 : i32 to index
      %swap3A_152 = arith.constant 112 : index
      %swap3A_153 = tpu.vector_load %arg7[%swap3A_151, %swap3A_152] {strides = array<i32>} : memref<128x128xi32, #tpu.memory_space<vmem>>, vector<1x16xi32>,
      %swap3A_154 = vector.shape_cast %swap3A_153 : vector<1x16xi32> to vector<16xi32>
      %swap3A_155 = vector.shape_cast %add3A_150 : vector<16xi32> to vector<1x16xi32>
      tpu.vector_store %arg7[%swap3A_151, %swap3A_152], %swap3A_155 {strides = array<i32>} : memref<128x128xi32, #tpu.memory_space<vmem>>, vector<1x16xi32>,
    }
    %scan3A_9 = arith.constant 128 : i32
    %barrier3A = arith.constant 0 : index
    tpu.barrier barrier_id(%barrier3A)
    %dma_start3A = arith.constant 0 : i32
    %dma_start3A_10 = arith.constant 0 : i32
    %dma_start3A_11 = arith.constant 0 : i32
    %dma_start3A_12 = arith.constant 0 : i32
    %dma_start3A_13 = tpu.memref_slice %arg9[%dma_start3A_10, %dma_start3A_11, %dma_start3A_12] : memref<4x128x64xf32, #tpu.memory_space<vmem>> -> memref<1x128x64xf32, #tpu.memory_space<vmem>>
    %dma_start3A_14 = tpu.memref_squeeze %dma_start3A_13 : memref<1x128x64xf32, #tpu.memory_space<vmem>> -> memref<128x64xf32, #tpu.memory_space<vmem>>
    %dma_start3A_15 = arith.constant 0 : i32
    %dma_start3A_16 = tpu.memref_slice %arg7[%dma_start3A, %dma_start3A_15] : memref<128x128xi32, #tpu.memory_space<vmem>> -> memref<1x128xi32, #tpu.memory_space<vmem>>
    %dma_start3A_17 = tpu.memref_squeeze %dma_start3A_16 : memref<1x128xi32, #tpu.memory_space<vmem>> -> memref<128xi32, #tpu.memory_space<vmem>>
    %dma_start3A_18 = arith.constant 0 : i32
    %dma_start3A_19 = arith.constant 0 : i32
    %dma_start3A_20 = tpu.memref_slice %arg4[%dma_start3A_18, %dma_start3A_19] : memref<32768x64xf32, #tpu.memory_space<hbm>> -> memref<32768x64xf32, #tpu.memory_space<hbm>>
    tpu.enqueue_indirect_dma source(%dma_start3A_20 : memref<32768x64xf32, #tpu.memory_space<hbm>>) target(%dma_start3A_14 : memref<128x64xf32, #tpu.memory_space<vmem>>) offsets(%dma_start3A_17 : memref<128xi32, #tpu.memory_space<vmem>>) semaphore(%arg11 : memref<!tpu.dma_semaphore, #tpu.memory_space<semaphore_mem>>)
    %dma_start3A_21 = arith.constant 1 : i32
    %dma_start3A_22 = arith.constant 1 : i32
    %dma_start3A_23 = arith.constant 0 : i32
    %dma_start3A_24 = arith.constant 0 : i32
    %dma_start3A_25 = tpu.memref_slice %arg9[%dma_start3A_22, %dma_start3A_23, %dma_start3A_24] : memref<4x128x64xf32, #tpu.memory_space<vmem>> -> memref<1x128x64xf32, #tpu.memory_space<vmem>>
    %dma_start3A_26 = tpu.memref_squeeze %dma_start3A_25 : memref<1x128x64xf32, #tpu.memory_space<vmem>> -> memref<128x64xf32, #tpu.memory_space<vmem>>
    %dma_start3A_27 = arith.constant 0 : i32
    %dma_start3A_28 = tpu.memref_slice %arg7[%dma_start3A_21, %dma_start3A_27] : memref<128x128xi32, #tpu.memory_space<vmem>> -> memref<1x128xi32, #tpu.memory_space<vmem>>
    %dma_start3A_29 = tpu.memref_squeeze %dma_start3A_28 : memref<1x128xi32, #tpu.memory_space<vmem>> -> memref<128xi32, #tpu.memory_space<vmem>>
    %dma_start3A_30 = arith.constant 0 : i32
    %dma_start3A_31 = arith.constant 0 : i32
    %dma_start3A_32 = tpu.memref_slice %arg4[%dma_start3A_30, %dma_start3A_31] : memref<32768x64xf32, #tpu.memory_space<hbm>> -> memref<32768x64xf32, #tpu.memory_space<hbm>>
    tpu.enqueue_indirect_dma source(%dma_start3A_32 : memref<32768x64xf32, #tpu.memory_space<hbm>>) target(%dma_start3A_26 : memref<128x64xf32, #tpu.memory_space<vmem>>) offsets(%dma_start3A_29 : memref<128xi32, #tpu.memory_space<vmem>>) semaphore(%arg11 : memref<!tpu.dma_semaphore, #tpu.memory_space<semaphore_mem>>)
    %dma_start3A_33 = arith.constant 2 : i32
    %dma_start3A_34 = arith.constant 2 : i32
    %dma_start3A_35 = arith.constant 0 : i32
    %dma_start3A_36 = arith.constant 0 : i32
    %dma_start3A_37 = tpu.memref_slice %arg9[%dma_start3A_34, %dma_start3A_35, %dma_start3A_36] : memref<4x128x64xf32, #tpu.memory_space<vmem>> -> memref<1x128x64xf32, #tpu.memory_space<vmem>>
    %dma_start3A_38 = tpu.memref_squeeze %dma_start3A_37 : memref<1x128x64xf32, #tpu.memory_space<vmem>> -> memref<128x64xf32, #tpu.memory_space<vmem>>
    %dma_start3A_39 = arith.constant 0 : i32
    %dma_start3A_40 = tpu.memref_slice %arg7[%dma_start3A_33, %dma_start3A_39] : memref<128x128xi32, #tpu.memory_space<vmem>> -> memref<1x128xi32, #tpu.memory_space<vmem>>
    %dma_start3A_41 = tpu.memref_squeeze %dma_start3A_40 : memref<1x128xi32, #tpu.memory_space<vmem>> -> memref<128xi32, #tpu.memory_space<vmem>>
    %dma_start3A_42 = arith.constant 0 : i32
    %dma_start3A_43 = arith.constant 0 : i32
    %dma_start3A_44 = tpu.memref_slice %arg4[%dma_start3A_42, %dma_start3A_43] : memref<32768x64xf32, #tpu.memory_space<hbm>> -> memref<32768x64xf32, #tpu.memory_space<hbm>>
    tpu.enqueue_indirect_dma source(%dma_start3A_44 : memref<32768x64xf32, #tpu.memory_space<hbm>>) target(%dma_start3A_38 : memref<128x64xf32, #tpu.memory_space<vmem>>) offsets(%dma_start3A_41 : memref<128xi32, #tpu.memory_space<vmem>>) semaphore(%arg11 : memref<!tpu.dma_semaphore, #tpu.memory_space<semaphore_mem>>)
    %scan3A_45 = arith.constant 0 : i32
    %scan3A_46 = arith.constant 0 : i32
    %scan3A_47 = arith.constant 128 : i32
    %scan3A_48 = arith.addi %scan3A_46, %scan3A_47 : i32
    %scan3A_49 = arith.constant 1 : i32
    scf.for %scan3A_69 = %scan3A_46 to %scan3A_48 step %scan3A_49  : i32 {
      %rem3A = arith.constant 4 : i32
      %rem3A_70 = arith.remsi %scan3A_69, %rem3A : i32
      %add3A_71 = arith.constant 3 : i32
      %add3A_72 = arith.addi %scan3A_69, %add3A_71 : i32
      %rem3A_73 = arith.constant 4 : i32
      %rem3A_74 = arith.remsi %add3A_72, %rem3A_73 : i32
      %dma_wait3A_75 = arith.constant 0 : i32
      %dma_wait3A_76 = arith.constant 0 : i32
      %dma_wait3A_77 = tpu.memref_slice %arg9[%rem3A_70, %dma_wait3A_75, %dma_wait3A_76] : memref<4x128x64xf32, #tpu.memory_space<vmem>> -> memref<1x128x64xf32, #tpu.memory_space<vmem>>
      %dma_wait3A_78 = tpu.memref_squeeze %dma_wait3A_77 : memref<1x128x64xf32, #tpu.memory_space<vmem>> -> memref<128x64xf32, #tpu.memory_space<vmem>>
      %dma_wait3A_79 = arith.constant 0 : i32
      %dma_wait3A_80 = tpu.memref_slice %arg7[%scan3A_69, %dma_wait3A_79] : memref<128x128xi32, #tpu.memory_space<vmem>> -> memref<1x128xi32, #tpu.memory_space<vmem>>
      %dma_wait3A_81 = tpu.memref_squeeze %dma_wait3A_80 : memref<1x128xi32, #tpu.memory_space<vmem>> -> memref<128xi32, #tpu.memory_space<vmem>>
      %dma_wait3A_82 = arith.constant 0 : i32
      %dma_wait3A_83 = arith.constant 0 : i32
      %dma_wait3A_84 = tpu.memref_slice %arg4[%dma_wait3A_82, %dma_wait3A_83] : memref<32768x64xf32, #tpu.memory_space<hbm>> -> memref<32768x64xf32, #tpu.memory_space<hbm>>
      tpu.wait_indirect_dma semaphore(%arg11 : memref<!tpu.dma_semaphore, #tpu.memory_space<semaphore_mem>>) src(%dma_wait3A_84 : memref<32768x64xf32, #tpu.memory_space<hbm>>) dst(%dma_wait3A_78 : memref<128x64xf32, #tpu.memory_space<vmem>>)
      %dma_start3A_85 = arith.constant 0 : i32
      %dma_start3A_86 = arith.constant 0 : i32
      %dma_start3A_87 = tpu.memref_slice %arg9[%rem3A_70, %dma_start3A_85, %dma_start3A_86] : memref<4x128x64xf32, #tpu.memory_space<vmem>> -> memref<1x128x64xf32, #tpu.memory_space<vmem>>
      %dma_start3A_88 = tpu.memref_squeeze %dma_start3A_87 : memref<1x128x64xf32, #tpu.memory_space<vmem>> -> memref<128x64xf32, #tpu.memory_space<vmem>>
      %dma_start3A_89 = arith.constant 0 : i32
      %dma_start3A_90 = tpu.memref_slice %arg8[%scan3A_69, %dma_start3A_89] : memref<128x128xi32, #tpu.memory_space<vmem>> -> memref<1x128xi32, #tpu.memory_space<vmem>>
      %dma_start3A_91 = tpu.memref_squeeze %dma_start3A_90 : memref<1x128xi32, #tpu.memory_space<vmem>> -> memref<128xi32, #tpu.memory_space<vmem>>
      %dma_start3A_92 = arith.constant 0 : i32
      %dma_start3A_93 = arith.constant 0 : i32
      %dma_start3A_94 = tpu.memref_slice %arg10[%dma_start3A_92, %dma_start3A_93] : memref<16384x64xf32, #tpu.memory_space<vmem_shared>> -> memref<16384x64xf32, #tpu.memory_space<vmem_shared>>
      tpu.enqueue_indirect_dma source(%dma_start3A_88 : memref<128x64xf32, #tpu.memory_space<vmem>>) target(%dma_start3A_94 : memref<16384x64xf32, #tpu.memory_space<vmem_shared>>) offsets(%dma_start3A_91 : memref<128xi32, #tpu.memory_space<vmem>>) semaphore(%arg12 : memref<!tpu.dma_semaphore, #tpu.memory_space<semaphore_mem>>) {add = true}
      %gt3A = arith.constant 0 : i32
      %gt3A_95 = arith.cmpi sgt, %scan3A_69, %gt3A : i32
      %convert_element_type3A = arith.extui %gt3A_95 : i1 to i32
      %cond3A = arith.constant 0 : i32
      %cond3A_96 = arith.cmpi ne, %convert_element_type3A, %cond3A : i32
      scf.if %cond3A_96 {
        %sub3A = arith.constant 1 : i32
        %sub3A_103 = arith.subi %scan3A_69, %sub3A : i32
        %dma_wait3A_104 = arith.constant 0 : i32
        %dma_wait3A_105 = arith.constant 0 : i32
        %dma_wait3A_106 = tpu.memref_slice %arg9[%rem3A_74, %dma_wait3A_104, %dma_wait3A_105] : memref<4x128x64xf32, #tpu.memory_space<vmem>> -> memref<1x128x64xf32, #tpu.memory_space<vmem>>
        %dma_wait3A_107 = tpu.memref_squeeze %dma_wait3A_106 : memref<1x128x64xf32, #tpu.memory_space<vmem>> -> memref<128x64xf32, #tpu.memory_space<vmem>>
        %dma_wait3A_108 = arith.constant 0 : i32
        %dma_wait3A_109 = tpu.memref_slice %arg8[%sub3A_103, %dma_wait3A_108] : memref<128x128xi32, #tpu.memory_space<vmem>> -> memref<1x128xi32, #tpu.memory_space<vmem>>
        %dma_wait3A_110 = tpu.memref_squeeze %dma_wait3A_109 : memref<1x128xi32, #tpu.memory_space<vmem>> -> memref<128xi32, #tpu.memory_space<vmem>>
        %dma_wait3A_111 = arith.constant 0 : i32
        %dma_wait3A_112 = arith.constant 0 : i32
        %dma_wait3A_113 = tpu.memref_slice %arg10[%dma_wait3A_111, %dma_wait3A_112] : memref<16384x64xf32, #tpu.memory_space<vmem_shared>> -> memref<16384x64xf32, #tpu.memory_space<vmem_shared>>
        tpu.wait_indirect_dma semaphore(%arg12 : memref<!tpu.dma_semaphore, #tpu.memory_space<semaphore_mem>>) src(%dma_wait3A_107 : memref<128x64xf32, #tpu.memory_space<vmem>>) dst(%dma_wait3A_113 : memref<16384x64xf32, #tpu.memory_space<vmem_shared>>)
      } else {
      }
      %add3A_97 = arith.constant 3 : i32
      %add3A_98 = arith.addi %scan3A_69, %add3A_97 : i32
      %lt3A = arith.constant 128 : i32
      %lt3A_99 = arith.cmpi slt, %add3A_98, %lt3A : i32
      %convert_element_type3A_100 = arith.extui %lt3A_99 : i1 to i32
      %cond3A_101 = arith.constant 0 : i32
      %cond3A_102 = arith.cmpi ne, %convert_element_type3A_100, %cond3A_101 : i32
      scf.if %cond3A_102 {
        %add3A_103 = arith.constant 3 : i32
        %add3A_104 = arith.addi %scan3A_69, %add3A_103 : i32
        %dma_start3A_105 = arith.constant 0 : i32
        %dma_start3A_106 = arith.constant 0 : i32
        %dma_start3A_107 = tpu.memref_slice %arg9[%rem3A_74, %dma_start3A_105, %dma_start3A_106] : memref<4x128x64xf32, #tpu.memory_space<vmem>> -> memref<1x128x64xf32, #tpu.memory_space<vmem>>
        %dma_start3A_108 = tpu.memref_squeeze %dma_start3A_107 : memref<1x128x64xf32, #tpu.memory_space<vmem>> -> memref<128x64xf32, #tpu.memory_space<vmem>>
        %dma_start3A_109 = arith.constant 0 : i32
        %dma_start3A_110 = tpu.memref_slice %arg7[%add3A_104, %dma_start3A_109] : memref<128x128xi32, #tpu.memory_space<vmem>> -> memref<1x128xi32, #tpu.memory_space<vmem>>
        %dma_start3A_111 = tpu.memref_squeeze %dma_start3A_110 : memref<1x128xi32, #tpu.memory_space<vmem>> -> memref<128xi32, #tpu.memory_space<vmem>>
        %dma_start3A_112 = arith.constant 0 : i32
        %dma_start3A_113 = arith.constant 0 : i32
        %dma_start3A_114 = tpu.memref_slice %arg4[%dma_start3A_112, %dma_start3A_113] : memref<32768x64xf32, #tpu.memory_space<hbm>> -> memref<32768x64xf32, #tpu.memory_space<hbm>>
        tpu.enqueue_indirect_dma source(%dma_start3A_114 : memref<32768x64xf32, #tpu.memory_space<hbm>>) target(%dma_start3A_108 : memref<128x64xf32, #tpu.memory_space<vmem>>) offsets(%dma_start3A_111 : memref<128xi32, #tpu.memory_space<vmem>>) semaphore(%arg11 : memref<!tpu.dma_semaphore, #tpu.memory_space<semaphore_mem>>)
      } else {
      }
    }
    %scan3A_50 = arith.constant 128 : i32
    %dma_wait3A = arith.constant 3 : i32
    %dma_wait3A_51 = arith.constant 127 : i32
    %dma_wait3A_52 = arith.constant 0 : i32
    %dma_wait3A_53 = arith.constant 0 : i32
    %dma_wait3A_54 = tpu.memref_slice %arg9[%dma_wait3A, %dma_wait3A_52, %dma_wait3A_53] : memref<4x128x64xf32, #tpu.memory_space<vmem>> -> memref<1x128x64xf32, #tpu.memory_space<vmem>>
    %dma_wait3A_55 = tpu.memref_squeeze %dma_wait3A_54 : memref<1x128x64xf32, #tpu.memory_space<vmem>> -> memref<128x64xf32, #tpu.memory_space<vmem>>
    %dma_wait3A_56 = arith.constant 0 : i32
    %dma_wait3A_57 = tpu.memref_slice %arg8[%dma_wait3A_51, %dma_wait3A_56] : memref<128x128xi32, #tpu.memory_space<vmem>> -> memref<1x128xi32, #tpu.memory_space<vmem>>
    %dma_wait3A_58 = tpu.memref_squeeze %dma_wait3A_57 : memref<1x128xi32, #tpu.memory_space<vmem>> -> memref<128xi32, #tpu.memory_space<vmem>>
    %dma_wait3A_59 = arith.constant 0 : i32
    %dma_wait3A_60 = arith.constant 0 : i32
    %dma_wait3A_61 = tpu.memref_slice %arg10[%dma_wait3A_59, %dma_wait3A_60] : memref<16384x64xf32, #tpu.memory_space<vmem_shared>> -> memref<16384x64xf32, #tpu.memory_space<vmem_shared>>
    tpu.wait_indirect_dma semaphore(%arg12 : memref<!tpu.dma_semaphore, #tpu.memory_space<semaphore_mem>>) src(%dma_wait3A_55 : memref<128x64xf32, #tpu.memory_space<vmem>>) dst(%dma_wait3A_61 : memref<16384x64xf32, #tpu.memory_space<vmem_shared>>)
    %barrier3A_62 = arith.constant 0 : index
    tpu.barrier barrier_id(%barrier3A_62)
    %mul3A_63 = arith.constant 1024 : i32
    %mul3A_64 = arith.muli %arg1, %mul3A_63 : i32
    %mul3A_65 = arith.constant 16384 : i32
    %mul3A_66 = arith.muli %arg0, %mul3A_65 : i32
    %mul3A_67 = arith.constant 1024 : i32
    %mul3A_68 = arith.muli %arg1, %mul3A_67 : i32
    %add3A = arith.addi %mul3A_66, %mul3A_68 : i32
    "tpu.region"() ({
      %run_scoped3A = tpu.sem_alloc : memref<!tpu.dma_semaphore, #tpu.memory_space<semaphore_mem>>
      %dma_start3A_69 = arith.constant 0 : i32
      %dma_start3A_70 = tpu.memref_slice %arg6[%add3A, %dma_start3A_69] : memref<32768x64xf32, #tpu.memory_space<hbm>> -> memref<1024x64xf32, #tpu.memory_space<hbm>>
      %dma_start3A_71 = arith.constant 0 : i32
      %dma_start3A_72 = tpu.memref_slice %arg10[%mul3A_64, %dma_start3A_71] : memref<16384x64xf32, #tpu.memory_space<vmem_shared>> -> memref<1024x64xf32, #tpu.memory_space<vmem_shared>>
      tpu.enqueue_dma source(%dma_start3A_72 : memref<1024x64xf32, #tpu.memory_space<vmem_shared>>) target(%dma_start3A_70 : memref<1024x64xf32, #tpu.memory_space<hbm>>) target_semaphore(%run_scoped3A : memref<!tpu.dma_semaphore, #tpu.memory_space<semaphore_mem>>)
      %dma_wait3A_73 = arith.constant 0 : i32
      %dma_wait3A_74 = tpu.memref_slice %arg6[%add3A, %dma_wait3A_73] : memref<32768x64xf32, #tpu.memory_space<hbm>> -> memref<1024x64xf32, #tpu.memory_space<hbm>>
      %dma_wait3A_75 = arith.constant 0 : i32
      %dma_wait3A_76 = tpu.memref_slice %arg10[%mul3A_64, %dma_wait3A_75] : memref<16384x64xf32, #tpu.memory_space<vmem_shared>> -> memref<1024x64xf32, #tpu.memory_space<vmem_shared>>
      tpu.wait_dma2 semaphore(%run_scoped3A : memref<!tpu.dma_semaphore, #tpu.memory_space<semaphore_mem>>) src(%dma_wait3A_76 : memref<1024x64xf32, #tpu.memory_space<vmem_shared>>) dst(%dma_wait3A_74 : memref<1024x64xf32, #tpu.memory_space<hbm>>)
      tpu.yield
    }) : () -> ()
    return
  }
}

#map = affine_map<(d0, d1) -> (0, 0)>
module attributes {stable_mosaic.version = 14 : i64} {
  func.func @k(%arg0: i32, %arg1: i32, %arg2: memref<2048x128xi32, #tpu.memory_space<hbm>>, %arg3: memref<128x8xf32, #tpu.memory_space<hbm>>, %arg4: memref<1024x8xf32, #tpu.memory_space<hbm>>, %arg5: memref<32768x8xf32, #tpu.memory_space<hbm>>, %arg6: memref<64x128xi32, #tpu.memory_space<vmem>>, %arg7: memref<128x8xf32, #tpu.memory_space<vmem>>, %arg8: memref<16384x8xf32, #tpu.memory_space<vmem_shared>>, %arg9: memref<!tpu.dma_semaphore, #tpu.memory_space<semaphore_mem>>) attributes {dimension_semantics = [#tpu.dimension_semantics<core_parallel>, #tpu.dimension_semantics<subcore_parallel>], iteration_bounds = array<i64: 2, 16>, scalar_prefetch = 0 : i64, scratch_operands = 4 : i64, tpu.core_type = #tpu.core_type<sc_vector_subcore>, window_params = [{transform_indices = #map}, {transform_indices = #map}, {transform_indices = #map}, {transform_indices = #map}]} {
    %mul3A = arith.constant 16 : i32
    %mul3A_0 = arith.muli %arg0, %mul3A : i32
    %add3A = arith.addi %mul3A_0, %arg1 : i32
    %mul3A_1 = arith.constant 64 : i32
    %mul3A_2 = arith.muli %add3A, %mul3A_1 : i32
    %mul3A_3 = arith.constant 1024 : i32
    %mul3A_4 = arith.muli %arg1, %mul3A_3 : i32
    "tpu.region"() ({
      %run_scoped3A = tpu.sem_alloc : memref<!tpu.dma_semaphore, #tpu.memory_space<semaphore_mem>>
      %dma_start3A = arith.constant 0 : i32
      %dma_start3A_24 = tpu.memref_slice %arg8[%mul3A_4, %dma_start3A] : memref<16384x8xf32, #tpu.memory_space<vmem_shared>> -> memref<1024x8xf32, #tpu.memory_space<vmem_shared>>
      tpu.enqueue_dma source(%arg4 : memref<1024x8xf32, #tpu.memory_space<hbm>>) target(%dma_start3A_24 : memref<1024x8xf32, #tpu.memory_space<vmem_shared>>) target_semaphore(%run_scoped3A : memref<!tpu.dma_semaphore, #tpu.memory_space<semaphore_mem>>)
      %dma_wait3A = arith.constant 0 : i32
      %dma_wait3A_25 = tpu.memref_slice %arg8[%mul3A_4, %dma_wait3A] : memref<16384x8xf32, #tpu.memory_space<vmem_shared>> -> memref<1024x8xf32, #tpu.memory_space<vmem_shared>>
      tpu.wait_dma2 semaphore(%run_scoped3A : memref<!tpu.dma_semaphore, #tpu.memory_space<semaphore_mem>>) src(%arg4 : memref<1024x8xf32, #tpu.memory_space<hbm>>) dst(%dma_wait3A_25 : memref<1024x8xf32, #tpu.memory_space<vmem_shared>>)
      tpu.yield
    }) : () -> ()
    "tpu.region"() ({
      %run_scoped3A = tpu.sem_alloc : memref<!tpu.dma_semaphore, #tpu.memory_space<semaphore_mem>>
      %dma_start3A = arith.constant 0 : i32
      %dma_start3A_24 = tpu.memref_slice %arg2[%mul3A_2, %dma_start3A] : memref<2048x128xi32, #tpu.memory_space<hbm>> -> memref<64x128xi32, #tpu.memory_space<hbm>>
      %dma_start3A_25 = arith.constant 0 : i32
      %dma_start3A_26 = tpu.memref_slice %arg2[%mul3A_2, %dma_start3A_25] : memref<2048x128xi32, #tpu.memory_space<hbm>> -> memref<64x128xi32, #tpu.memory_space<hbm>>
      tpu.enqueue_dma source(%dma_start3A_26 : memref<64x128xi32, #tpu.memory_space<hbm>>) target(%arg6 : memref<64x128xi32, #tpu.memory_space<vmem>>) target_semaphore(%run_scoped3A : memref<!tpu.dma_semaphore, #tpu.memory_space<semaphore_mem>>)
      %dma_wait3A = arith.constant 0 : i32
      %dma_wait3A_27 = tpu.memref_slice %arg2[%mul3A_2, %dma_wait3A] : memref<2048x128xi32, #tpu.memory_space<hbm>> -> memref<64x128xi32, #tpu.memory_space<hbm>>
      %dma_wait3A_28 = arith.constant 0 : i32
      %dma_wait3A_29 = tpu.memref_slice %arg2[%mul3A_2, %dma_wait3A_28] : memref<2048x128xi32, #tpu.memory_space<hbm>> -> memref<64x128xi32, #tpu.memory_space<hbm>>
      tpu.wait_dma2 semaphore(%run_scoped3A : memref<!tpu.dma_semaphore, #tpu.memory_space<semaphore_mem>>) src(%dma_wait3A_29 : memref<64x128xi32, #tpu.memory_space<hbm>>) dst(%arg6 : memref<64x128xi32, #tpu.memory_space<vmem>>)
      tpu.yield
    }) : () -> ()
    "tpu.region"() ({
      %run_scoped3A = tpu.sem_alloc : memref<!tpu.dma_semaphore, #tpu.memory_space<semaphore_mem>>
      tpu.enqueue_dma source(%arg3 : memref<128x8xf32, #tpu.memory_space<hbm>>) target(%arg7 : memref<128x8xf32, #tpu.memory_space<vmem>>) target_semaphore(%run_scoped3A : memref<!tpu.dma_semaphore, #tpu.memory_space<semaphore_mem>>)
      tpu.wait_dma2 semaphore(%run_scoped3A : memref<!tpu.dma_semaphore, #tpu.memory_space<semaphore_mem>>) src(%arg3 : memref<128x8xf32, #tpu.memory_space<hbm>>) dst(%arg7 : memref<128x8xf32, #tpu.memory_space<vmem>>)
      tpu.yield
    }) : () -> ()
    %barrier3A = arith.constant 0 : index
    tpu.barrier barrier_id(%barrier3A)
    %scan3A = arith.constant 0 : i32
    %scan3A_5 = arith.constant 0 : i32
    %scan3A_6 = arith.constant 64 : i32
    %scan3A_7 = arith.addi %scan3A_5, %scan3A_6 : i32
    %scan3A_8 = arith.constant 1 : i32
    scf.for %scan3A_24 = %scan3A_5 to %scan3A_7 step %scan3A_8  : i32 {
      %dma_start3A = arith.constant 0 : i32
      %dma_start3A_25 = tpu.memref_slice %arg6[%scan3A_24, %dma_start3A] : memref<64x128xi32, #tpu.memory_space<vmem>> -> memref<1x128xi32, #tpu.memory_space<vmem>>
      %dma_start3A_26 = tpu.memref_squeeze %dma_start3A_25 : memref<1x128xi32, #tpu.memory_space<vmem>> -> memref<128xi32, #tpu.memory_space<vmem>>
      %dma_start3A_27 = arith.constant 0 : i32
      %dma_start3A_28 = arith.constant 0 : i32
      %dma_start3A_29 = tpu.memref_slice %arg8[%dma_start3A_27, %dma_start3A_28] : memref<16384x8xf32, #tpu.memory_space<vmem_shared>> -> memref<16384x8xf32, #tpu.memory_space<vmem_shared>>
      tpu.enqueue_indirect_dma source(%arg7 : memref<128x8xf32, #tpu.memory_space<vmem>>) target(%dma_start3A_29 : memref<16384x8xf32, #tpu.memory_space<vmem_shared>>) offsets(%dma_start3A_26 : memref<128xi32, #tpu.memory_space<vmem>>) semaphore(%arg9 : memref<!tpu.dma_semaphore, #tpu.memory_space<semaphore_mem>>) {add = true}
    }
    %scan3A_9 = arith.constant 64 : i32
    %scan3A_10 = arith.constant 0 : i32
    %scan3A_11 = arith.constant 0 : i32
    %scan3A_12 = arith.constant 64 : i32
    %scan3A_13 = arith.addi %scan3A_11, %scan3A_12 : i32
    %scan3A_14 = arith.constant 1 : i32
    scf.for %scan3A_24 = %scan3A_11 to %scan3A_13 step %scan3A_14  : i32 {
      %dma_wait3A = arith.constant 0 : i32
      %dma_wait3A_25 = tpu.memref_slice %arg6[%scan3A_24, %dma_wait3A] : memref<64x128xi32, #tpu.memory_space<vmem>> -> memref<1x128xi32, #tpu.memory_space<vmem>>
      %dma_wait3A_26 = tpu.memref_squeeze %dma_wait3A_25 : memref<1x128xi32, #tpu.memory_space<vmem>> -> memref<128xi32, #tpu.memory_space<vmem>>
      %dma_wait3A_27 = arith.constant 0 : i32
      %dma_wait3A_28 = arith.constant 0 : i32
      %dma_wait3A_29 = tpu.memref_slice %arg8[%dma_wait3A_27, %dma_wait3A_28] : memref<16384x8xf32, #tpu.memory_space<vmem_shared>> -> memref<16384x8xf32, #tpu.memory_space<vmem_shared>>
      tpu.wait_indirect_dma semaphore(%arg9 : memref<!tpu.dma_semaphore, #tpu.memory_space<semaphore_mem>>) src(%arg7 : memref<128x8xf32, #tpu.memory_space<vmem>>) dst(%dma_wait3A_29 : memref<16384x8xf32, #tpu.memory_space<vmem_shared>>)
    }
    %scan3A_15 = arith.constant 64 : i32
    %barrier3A_16 = arith.constant 0 : index
    tpu.barrier barrier_id(%barrier3A_16)
    %mul3A_17 = arith.constant 1024 : i32
    %mul3A_18 = arith.muli %arg1, %mul3A_17 : i32
    %mul3A_19 = arith.constant 16384 : i32
    %mul3A_20 = arith.muli %arg0, %mul3A_19 : i32
    %mul3A_21 = arith.constant 1024 : i32
    %mul3A_22 = arith.muli %arg1, %mul3A_21 : i32
    %add3A_23 = arith.addi %mul3A_20, %mul3A_22 : i32
    "tpu.region"() ({
      %run_scoped3A = tpu.sem_alloc : memref<!tpu.dma_semaphore, #tpu.memory_space<semaphore_mem>>
      %dma_start3A = arith.constant 0 : i32
      %dma_start3A_24 = tpu.memref_slice %arg5[%add3A_23, %dma_start3A] : memref<32768x8xf32, #tpu.memory_space<hbm>> -> memref<1024x8xf32, #tpu.memory_space<hbm>>
      %dma_start3A_25 = arith.constant 0 : i32
      %dma_start3A_26 = tpu.memref_slice %arg8[%mul3A_18, %dma_start3A_25] : memref<16384x8xf32, #tpu.memory_space<vmem_shared>> -> memref<1024x8xf32, #tpu.memory_space<vmem_shared>>
      tpu.enqueue_dma source(%dma_start3A_26 : memref<1024x8xf32, #tpu.memory_space<vmem_shared>>) target(%dma_start3A_24 : memref<1024x8xf32, #tpu.memory_space<hbm>>) target_semaphore(%run_scoped3A : memref<!tpu.dma_semaphore, #tpu.memory_space<semaphore_mem>>)
      %dma_wait3A = arith.constant 0 : i32
      %dma_wait3A_27 = tpu.memref_slice %arg5[%add3A_23, %dma_wait3A] : memref<32768x8xf32, #tpu.memory_space<hbm>> -> memref<1024x8xf32, #tpu.memory_space<hbm>>
      %dma_wait3A_28 = arith.constant 0 : i32
      %dma_wait3A_29 = tpu.memref_slice %arg8[%mul3A_18, %dma_wait3A_28] : memref<16384x8xf32, #tpu.memory_space<vmem_shared>> -> memref<1024x8xf32, #tpu.memory_space<vmem_shared>>
      tpu.wait_dma2 semaphore(%run_scoped3A : memref<!tpu.dma_semaphore, #tpu.memory_space<semaphore_mem>>) src(%dma_wait3A_29 : memref<1024x8xf32, #tpu.memory_space<vmem_shared>>) dst(%dma_wait3A_27 : memref<1024x8xf32, #tpu.memory_space<hbm>>)
      tpu.yield
    }) : () -> ()
    return
  }
}

module attributes {stable_mosaic.version = 14 : i64} {
  func.func @_prep_body(%arg0: i32, %arg1: memref<1024x256xf32, #tpu.memory_space<vmem>>, %arg2: memref<256x128xf32, #tpu.memory_space<vmem>>, %arg3: memref<2x1024x8xf32, #tpu.memory_space<vmem>>, %arg4: memref<2x1024x64xf32, #tpu.memory_space<vmem>>, %arg5: memref<1024x8xf32, #tpu.memory_space<vmem>>) attributes {dimension_semantics = [#tpu.dimension_semantics<arbitrary>], iteration_bounds = array<i64: 16>, scalar_prefetch = 0 : i64, scratch_operands = 0 : i64, tpu.core_type = #tpu.core_type<tc>, window_params = [{transform_indices = @transform_0, window_bounds = array<i64: 1024, 256>}, {pipeline_mode = #tpu.pipeline_mode<synchronous>, transform_indices = @transform_1, window_bounds = array<i64: 256, 128>}, {transform_indices = @transform_2, window_bounds = array<i64: 2, 1024, 8>}, {transform_indices = @transform_3, window_bounds = array<i64: 2, 1024, 64>}, {transform_indices = @transform_4, window_bounds = array<i64: 1024, 8>}]} {
    %get3A = arith.constant 0 : index
    %get3A_0 = arith.constant 0 : index
    %get3A_1 = vector.load %arg1[%get3A, %get3A_0] : memref<1024x256xf32, #tpu.memory_space<vmem>>, vector<1024x256xf32>
    %get3A_2 = arith.constant 0 : index
    %get3A_3 = arith.constant 0 : index
    %get3A_4 = vector.load %arg2[%get3A_2, %get3A_3] : memref<256x128xf32, #tpu.memory_space<vmem>>, vector<256x128xf32>
    %dot_general3A = arith.constant dense<0.000000e+00> : vector<1024x128xf32>
    %dot_general3A_5 = tpu.matmul %get3A_1, %get3A_4, %dot_general3A {dimension_numbers = #tpu.dot_dimension_numbers<[1], [0], [0], [1], [0, 0, 1, 1], [], []>, transpose_lhs_hint = false} : vector<1024x256xf32>, vector<256x128xf32>, vector<1024x128xf32> -> vector<1024x128xf32>
    %get3A_6 = arith.constant 0 : index
    %get3A_7 = arith.constant 0 : index
    %get3A_8 = arith.constant 0 : index
    %get3A_9 = vector.load %arg3[%get3A_6, %get3A_7, %get3A_8] : memref<2x1024x8xf32, #tpu.memory_space<vmem>>, vector<1x1024x1xf32>
    %get3A_10 = vector.shape_cast %get3A_9 : vector<1x1024x1xf32> to vector<1024xf32>
    %get3A_11 = arith.constant 1 : index
    %get3A_12 = arith.constant 0 : index
    %get3A_13 = arith.constant 0 : index
    %get3A_14 = vector.load %arg3[%get3A_11, %get3A_12, %get3A_13] : memref<2x1024x8xf32, #tpu.memory_space<vmem>>, vector<1x1024x1xf32>
    %get3A_15 = vector.shape_cast %get3A_14 : vector<1x1024x1xf32> to vector<1024xf32>
    %add3A = arith.addf %get3A_10, %get3A_15 : vector<1024xf32>
    %add3A_16 = arith.constant 1.000000e+00 : f32
    %add3A_17 = vector.broadcast %add3A_16 : f32 to vector<1024xf32>
    %add3A_18 = arith.addf %add3A, %add3A_17 : vector<1024xf32>
    %rsqrt3A = math.rsqrt %add3A_18 : vector<1024xf32>
    %broadcast_in_dim3A = vector.shape_cast %rsqrt3A : vector<1024xf32> to vector<1024x1xf32>
    %mul3A = vector.broadcast %broadcast_in_dim3A : vector<1024x1xf32> to vector<1024x128xf32>
    %mul3A_19 = arith.mulf %dot_general3A_5, %mul3A : vector<1024x128xf32>
    %slice3A = vector.extract_strided_slice %mul3A_19 {offsets = [0, 0], sizes = [1024, 64], strides = [1, 1]} : vector<1024x128xf32> to vector<1024x64xf32>
    %swap3A = arith.constant 0 : index
    %swap3A_20 = arith.constant 0 : index
    %swap3A_21 = arith.constant 0 : index
    %swap3A_22 = vector.load %arg4[%swap3A, %swap3A_20, %swap3A_21] : memref<2x1024x64xf32, #tpu.memory_space<vmem>>, vector<1x1024x64xf32>
    %swap3A_23 = vector.shape_cast %swap3A_22 : vector<1x1024x64xf32> to vector<1024x64xf32>
    %swap3A_24 = vector.shape_cast %slice3A : vector<1024x64xf32> to vector<1x1024x64xf32>
    tpu.vector_store %arg4[%swap3A, %swap3A_20, %swap3A_21], %swap3A_24 {strides = array<i32>} : memref<2x1024x64xf32, #tpu.memory_space<vmem>>, vector<1x1024x64xf32>,
    %slice3A_25 = vector.extract_strided_slice %mul3A_19 {offsets = [0, 64], sizes = [1024, 64], strides = [1, 1]} : vector<1024x128xf32> to vector<1024x64xf32>
    %swap3A_26 = arith.constant 1 : index
    %swap3A_27 = arith.constant 0 : index
    %swap3A_28 = arith.constant 0 : index
    %swap3A_29 = vector.load %arg4[%swap3A_26, %swap3A_27, %swap3A_28] : memref<2x1024x64xf32, #tpu.memory_space<vmem>>, vector<1x1024x64xf32>
    %swap3A_30 = vector.shape_cast %swap3A_29 : vector<1x1024x64xf32> to vector<1024x64xf32>
    %swap3A_31 = vector.shape_cast %slice3A_25 : vector<1024x64xf32> to vector<1x1024x64xf32>
    tpu.vector_store %arg4[%swap3A_26, %swap3A_27, %swap3A_28], %swap3A_31 {strides = array<i32>} : memref<2x1024x64xf32, #tpu.memory_space<vmem>>, vector<1x1024x64xf32>,
    %broadcast_in_dim3A_32 = vector.shape_cast %rsqrt3A : vector<1024xf32> to vector<1024x1xf32>
    %broadcast_in_dim3A_33 = vector.shape_cast %broadcast_in_dim3A_32 : vector<1024x1xf32> to vector<1024x1xf32>
    %broadcast_in_dim3A_34 = vector.broadcast %broadcast_in_dim3A_33 : vector<1024x1xf32> to vector<1024x8xf32>
    %swap3A_35 = arith.constant 0 : index
    %swap3A_36 = arith.constant 0 : index
    %swap3A_37 = vector.load %arg5[%swap3A_35, %swap3A_36] : memref<1024x8xf32, #tpu.memory_space<vmem>>, vector<1024x8xf32>
    tpu.vector_store %arg5[%swap3A_35, %swap3A_36], %broadcast_in_dim3A_34 {strides = array<i32>} : memref<1024x8xf32, #tpu.memory_space<vmem>>, vector<1024x8xf32>,
    return
  }
  func.func @transform_0(%arg0: i32) -> (i32, i32) {
    %c0_i32 = arith.constant 0 : i32
    %c0_i32_0 = arith.constant 0 : i32
    return %arg0, %c0_i32 : i32, i32
  }
  func.func @transform_1(%arg0: i32) -> (i32, i32) {
    %c0_i32 = arith.constant 0 : i32
    %c0_i32_0 = arith.constant 0 : i32
    %c0_i32_1 = arith.constant 0 : i32
    return %c0_i32, %c0_i32_0 : i32, i32
  }
  func.func @transform_2(%arg0: i32) -> (i32, i32, i32) {
    %c0_i32 = arith.constant 0 : i32
    %c0_i32_0 = arith.constant 0 : i32
    %c0_i32_1 = arith.constant 0 : i32
    return %c0_i32, %arg0, %c0_i32_0 : i32, i32, i32
  }
  func.func @transform_3(%arg0: i32) -> (i32, i32, i32) {
    %c0_i32 = arith.constant 0 : i32
    %c0_i32_0 = arith.constant 0 : i32
    %c0_i32_1 = arith.constant 0 : i32
    return %c0_i32, %arg0, %c0_i32_0 : i32, i32, i32
  }
  func.func @transform_4(%arg0: i32) -> (i32, i32) {
    %c0_i32 = arith.constant 0 : i32
    %c0_i32_0 = arith.constant 0 : i32
    return %arg0, %c0_i32 : i32, i32
  }
}

module attributes {stable_mosaic.version = 14 : i64} {
  func.func @_gru_body(%arg0: i32, %arg1: memref<64x32x64xf32, #tpu.memory_space<vmem>>, %arg2: memref<64x32x64xf32, #tpu.memory_space<vmem>>, %arg3: memref<64x32x64xf32, #tpu.memory_space<vmem>>, %arg4: memref<64x32x64xf32, #tpu.memory_space<vmem>>, %arg5: memref<64x32x8xf32, #tpu.memory_space<vmem>>, %arg6: memref<1x128xf32, #tpu.memory_space<vmem>>, %arg7: memref<128x384xf32, #tpu.memory_space<vmem>>, %arg8: memref<1x384xf32, #tpu.memory_space<vmem>>, %arg9: memref<128x384xf32, #tpu.memory_space<vmem>>, %arg10: memref<1x384xf32, #tpu.memory_space<vmem>>, %arg11: memref<128x64xf32, #tpu.memory_space<vmem>>, %arg12: memref<1x64xf32, #tpu.memory_space<vmem>>, %arg13: memref<64x32xf32, #tpu.memory_space<vmem>>, %arg14: memref<1x32xf32, #tpu.memory_space<vmem>>, %arg15: memref<32x16xf32, #tpu.memory_space<vmem>>, %arg16: memref<1x16xf32, #tpu.memory_space<vmem>>, %arg17: memref<16x8xf32, #tpu.memory_space<vmem>>, %arg18: memref<1x8xf32, #tpu.memory_space<vmem>>, %arg19: memref<64x8xf32, #tpu.memory_space<vmem>>, %arg20: memref<64x128xf32, #tpu.memory_space<vmem>>, %arg21: memref<64x128xf32, #tpu.memory_space<vmem>>) attributes {dimension_semantics = [#tpu.dimension_semantics<arbitrary>], iteration_bounds = array<i64: 8>, scalar_prefetch = 0 : i64, scratch_operands = 2 : i64, tpu.core_type = #tpu.core_type<tc>, window_params = [{transform_indices = @transform_0, window_bounds = array<i64: 64, 32, 64>}, {transform_indices = @transform_1, window_bounds = array<i64: 64, 32, 64>}, {transform_indices = @transform_2, window_bounds = array<i64: 64, 32, 64>}, {transform_indices = @transform_3, window_bounds = array<i64: 64, 32, 64>}, {transform_indices = @transform_4, window_bounds = array<i64: 64, 32, 8>}, {pipeline_mode = #tpu.pipeline_mode<synchronous>, transform_indices = @transform_5, window_bounds = array<i64: 1, 128>}, {pipeline_mode = #tpu.pipeline_mode<synchronous>, transform_indices = @transform_6, window_bounds = array<i64: 128, 384>}, {pipeline_mode = #tpu.pipeline_mode<synchronous>, transform_indices = @transform_7, window_bounds = array<i64: 1, 384>}, {pipeline_mode = #tpu.pipeline_mode<synchronous>, transform_indices = @transform_8, window_bounds = array<i64: 128, 384>}, {pipeline_mode = #tpu.pipeline_mode<synchronous>, transform_indices = @transform_9, window_bounds = array<i64: 1, 384>}, {pipeline_mode = #tpu.pipeline_mode<synchronous>, transform_indices = @transform_10, window_bounds = array<i64: 128, 64>}, {pipeline_mode = #tpu.pipeline_mode<synchronous>, transform_indices = @transform_11, window_bounds = array<i64: 1, 64>}, {pipeline_mode = #tpu.pipeline_mode<synchronous>, transform_indices = @transform_12, window_bounds = array<i64: 64, 32>}, {pipeline_mode = #tpu.pipeline_mode<synchronous>, transform_indices = @transform_13, window_bounds = array<i64: 1, 32>}, {pipeline_mode = #tpu.pipeline_mode<synchronous>, transform_indices = @transform_14, window_bounds = array<i64: 32, 16>}, {pipeline_mode = #tpu.pipeline_mode<synchronous>, transform_indices = @transform_15, window_bounds = array<i64: 1, 16>}, {pipeline_mode = #tpu.pipeline_mode<synchronous>, transform_indices = @transform_16, window_bounds = array<i64: 16, 8>}, {pipeline_mode = #tpu.pipeline_mode<synchronous>, transform_indices = @transform_17, window_bounds = array<i64: 1, 8>}, {pipeline_mode = #tpu.pipeline_mode<synchronous>, transform_indices = @transform_18, window_bounds = array<i64: 64, 8>}]} {
    %eq3A = arith.constant 0 : i32
    %eq3A_0 = arith.cmpi eq, %arg0, %eq3A : i32
    %convert_element_type3A = arith.extui %eq3A_0 : i1 to i32
    %cond3A = arith.constant 0 : i32
    %cond3A_1 = arith.cmpi ne, %convert_element_type3A, %cond3A : i32
    scf.if %cond3A_1 {
      %broadcast_in_dim3A_1393 = arith.constant 0.000000e+00 : f32
      %broadcast_in_dim3A_1394 = vector.broadcast %broadcast_in_dim3A_1393 : f32 to vector<64x128xf32>
      %swap3A_1395 = arith.constant 0 : index
      %swap3A_1396 = arith.constant 0 : index
      %swap3A_1397 = vector.load %arg20[%swap3A_1395, %swap3A_1396] : memref<64x128xf32, #tpu.memory_space<vmem>>, vector<64x128xf32>
      tpu.vector_store %arg20[%swap3A_1395, %swap3A_1396], %broadcast_in_dim3A_1394 {strides = array<i32>} : memref<64x128xf32, #tpu.memory_space<vmem>>, vector<64x128xf32>,
      %broadcast_in_dim3A_1398 = arith.constant 0.000000e+00 : f32
      %broadcast_in_dim3A_1399 = vector.broadcast %broadcast_in_dim3A_1398 : f32 to vector<64x128xf32>
      %swap3A_1400 = arith.constant 0 : index
      %swap3A_1401 = arith.constant 0 : index
      %swap3A_1402 = vector.load %arg21[%swap3A_1400, %swap3A_1401] : memref<64x128xf32, #tpu.memory_space<vmem>>, vector<64x128xf32>
      tpu.vector_store %arg21[%swap3A_1400, %swap3A_1401], %broadcast_in_dim3A_1399 {strides = array<i32>} : memref<64x128xf32, #tpu.memory_space<vmem>>, vector<64x128xf32>,
    } else {
    }
    %get3A = arith.constant 0 : index
    %get3A_2 = arith.constant 0 : index
    %get3A_3 = arith.constant 0 : index
    %get3A_4 = vector.load %arg1[%get3A, %get3A_2, %get3A_3] : memref<64x32x64xf32, #tpu.memory_space<vmem>>, vector<64x32x64xf32>
    %get3A_5 = arith.constant 0 : index
    %get3A_6 = arith.constant 0 : index
    %get3A_7 = arith.constant 0 : index
    %get3A_8 = vector.load %arg2[%get3A_5, %get3A_6, %get3A_7] : memref<64x32x64xf32, #tpu.memory_space<vmem>>, vector<64x32x64xf32>
    %concatenate3A = tpu.concatenate %get3A_4, %get3A_8 in 2 : vector<64x32x64xf32>, vector<64x32x64xf32> -> vector<64x32x128xf32>
    %get3A_9 = arith.constant 0 : index
    %get3A_10 = arith.constant 0 : index
    %get3A_11 = arith.constant 0 : index
    %get3A_12 = vector.load %arg3[%get3A_9, %get3A_10, %get3A_11] : memref<64x32x64xf32, #tpu.memory_space<vmem>>, vector<64x32x64xf32>
    %get3A_13 = arith.constant 0 : index
    %get3A_14 = arith.constant 0 : index
    %get3A_15 = arith.constant 0 : index
    %get3A_16 = vector.load %arg4[%get3A_13, %get3A_14, %get3A_15] : memref<64x32x64xf32, #tpu.memory_space<vmem>>, vector<64x32x64xf32>
    %concatenate3A_17 = tpu.concatenate %get3A_12, %get3A_16 in 2 : vector<64x32x64xf32>, vector<64x32x64xf32> -> vector<64x32x128xf32>
    %get3A_18 = arith.constant 0 : index
    %get3A_19 = arith.constant 0 : index
    %get3A_20 = arith.constant 0 : index
    %get3A_21 = vector.load %arg5[%get3A_18, %get3A_19, %get3A_20] : memref<64x32x8xf32, #tpu.memory_space<vmem>>, vector<64x32x1xf32>
    %add3A = arith.addf %concatenate3A, %concatenate3A_17 : vector<64x32x128xf32>
    %mul3A = vector.broadcast %get3A_21 : vector<64x32x1xf32> to vector<64x32x128xf32>
    %mul3A_22 = arith.mulf %mul3A, %add3A : vector<64x32x128xf32>
    %get3A_23 = arith.constant 0 : index
    %get3A_24 = arith.constant 0 : index
    %get3A_25 = vector.load %arg6[%get3A_23, %get3A_24] : memref<1x128xf32, #tpu.memory_space<vmem>>, vector<1x128xf32>
    %broadcast_in_dim3A = vector.shape_cast %get3A_25 : vector<1x128xf32> to vector<1x1x128xf32>
    %add3A_26 = vector.broadcast %broadcast_in_dim3A : vector<1x1x128xf32> to vector<64x32x128xf32>
    %add3A_27 = arith.addf %mul3A_22, %add3A_26 : vector<64x32x128xf32>
    %transpose3A = tpu.transpose %add3A_27, [1, 0, 2] : vector<64x32x128xf32> -> vector<32x64x128xf32>
    %reshape3A = vector.shape_cast %transpose3A : vector<32x64x128xf32> to vector<2048x128xf32>
    %get3A_28 = arith.constant 0 : index
    %get3A_29 = arith.constant 0 : index
    %get3A_30 = vector.load %arg7[%get3A_28, %get3A_29] : memref<128x384xf32, #tpu.memory_space<vmem>>, vector<128x384xf32>
    %dot_general3A = arith.constant dense<0.000000e+00> : vector<2048x384xf32>
    %dot_general3A_31 = tpu.matmul %reshape3A, %get3A_30, %dot_general3A {dimension_numbers = #tpu.dot_dimension_numbers<[1], [0], [0], [1], [0, 0, 1, 1], [], []>, transpose_lhs_hint = false} : vector<2048x128xf32>, vector<128x384xf32>, vector<2048x384xf32> -> vector<2048x384xf32>
    %get3A_32 = arith.constant 0 : index
    %get3A_33 = arith.constant 0 : index
    %get3A_34 = vector.load %arg8[%get3A_32, %get3A_33] : memref<1x384xf32, #tpu.memory_space<vmem>>, vector<1x384xf32>
    %add3A_35 = vector.broadcast %get3A_34 : vector<1x384xf32> to vector<2048x384xf32>
    %add3A_36 = arith.addf %dot_general3A_31, %add3A_35 : vector<2048x384xf32>
    %reshape3A_37 = vector.shape_cast %add3A_36 : vector<2048x384xf32> to vector<32x64x384xf32>
    %get3A_38 = arith.constant 0 : index
    %get3A_39 = arith.constant 0 : index
    %get3A_40 = vector.load %arg20[%get3A_38, %get3A_39] : memref<64x128xf32, #tpu.memory_space<vmem>>, vector<64x128xf32>
    %get3A_41 = arith.constant 0 : index
    %get3A_42 = arith.constant 0 : index
    %get3A_43 = vector.load %arg21[%get3A_41, %get3A_42] : memref<64x128xf32, #tpu.memory_space<vmem>>, vector<64x128xf32>
    %slice3A = vector.extract_strided_slice %reshape3A_37 {offsets = [0, 0, 0], sizes = [1, 64, 384], strides = [1, 1, 1]} : vector<32x64x384xf32> to vector<1x64x384xf32>
    %squeeze3A = vector.shape_cast %slice3A : vector<1x64x384xf32> to vector<64x384xf32>
    %get3A_44 = arith.constant 0 : index
    %get3A_45 = arith.constant 0 : index
    %get3A_46 = vector.load %arg9[%get3A_44, %get3A_45] : memref<128x384xf32, #tpu.memory_space<vmem>>, vector<128x384xf32>
    %dot_general3A_47 = arith.constant dense<0.000000e+00> : vector<64x384xf32>
    %dot_general3A_48 = tpu.matmul %get3A_40, %get3A_46, %dot_general3A_47 {dimension_numbers = #tpu.dot_dimension_numbers<[1], [0], [0], [1], [0, 0, 1, 1], [], []>, transpose_lhs_hint = false} : vector<64x128xf32>, vector<128x384xf32>, vector<64x384xf32> -> vector<64x384xf32>
    %get3A_49 = arith.constant 0 : index
    %get3A_50 = arith.constant 0 : index
    %get3A_51 = vector.load %arg10[%get3A_49, %get3A_50] : memref<1x384xf32, #tpu.memory_space<vmem>>, vector<1x384xf32>
    %add3A_52 = vector.broadcast %get3A_51 : vector<1x384xf32> to vector<64x384xf32>
    %add3A_53 = arith.addf %dot_general3A_48, %add3A_52 : vector<64x384xf32>
    %slice3A_54 = vector.extract_strided_slice %squeeze3A {offsets = [0, 0], sizes = [64, 128], strides = [1, 1]} : vector<64x384xf32> to vector<64x128xf32>
    %slice3A_55 = vector.extract_strided_slice %squeeze3A {offsets = [0, 128], sizes = [64, 128], strides = [1, 1]} : vector<64x384xf32> to vector<64x128xf32>
    %slice3A_56 = vector.extract_strided_slice %squeeze3A {offsets = [0, 256], sizes = [64, 128], strides = [1, 1]} : vector<64x384xf32> to vector<64x128xf32>
    %slice3A_57 = vector.extract_strided_slice %add3A_53 {offsets = [0, 0], sizes = [64, 128], strides = [1, 1]} : vector<64x384xf32> to vector<64x128xf32>
    %slice3A_58 = vector.extract_strided_slice %add3A_53 {offsets = [0, 128], sizes = [64, 128], strides = [1, 1]} : vector<64x384xf32> to vector<64x128xf32>
    %slice3A_59 = vector.extract_strided_slice %add3A_53 {offsets = [0, 256], sizes = [64, 128], strides = [1, 1]} : vector<64x384xf32> to vector<64x128xf32>
    %add3A_60 = arith.addf %slice3A_54, %slice3A_57 : vector<64x128xf32>
    %logistic3A = arith.negf %add3A_60 : vector<64x128xf32>
    %logistic3A_61 = math.exp %logistic3A : vector<64x128xf32>
    %logistic3A_62 = arith.constant 1.000000e+00 : f32
    %logistic3A_63 = vector.broadcast %logistic3A_62 : f32 to vector<64x128xf32>
    %logistic3A_64 = arith.addf %logistic3A_63, %logistic3A_61 : vector<64x128xf32>
    %logistic3A_65 = arith.divf %logistic3A_63, %logistic3A_64 : vector<64x128xf32>
    %add3A_66 = arith.addf %slice3A_55, %slice3A_58 : vector<64x128xf32>
    %logistic3A_67 = arith.negf %add3A_66 : vector<64x128xf32>
    %logistic3A_68 = math.exp %logistic3A_67 : vector<64x128xf32>
    %logistic3A_69 = arith.constant 1.000000e+00 : f32
    %logistic3A_70 = vector.broadcast %logistic3A_69 : f32 to vector<64x128xf32>
    %logistic3A_71 = arith.addf %logistic3A_70, %logistic3A_68 : vector<64x128xf32>
    %logistic3A_72 = arith.divf %logistic3A_70, %logistic3A_71 : vector<64x128xf32>
    %mul3A_73 = arith.mulf %logistic3A_65, %slice3A_59 : vector<64x128xf32>
    %add3A_74 = arith.addf %slice3A_56, %mul3A_73 : vector<64x128xf32>
    %tanh3A = math.tanh %add3A_74 : vector<64x128xf32>
    %sub3A = arith.constant 1.000000e+00 : f32
    %sub3A_75 = vector.broadcast %sub3A : f32 to vector<64x128xf32>
    %sub3A_76 = arith.subf %sub3A_75, %logistic3A_72 : vector<64x128xf32>
    %mul3A_77 = arith.mulf %sub3A_76, %tanh3A : vector<64x128xf32>
    %mul3A_78 = arith.mulf %logistic3A_72, %get3A_40 : vector<64x128xf32>
    %add3A_79 = arith.addf %mul3A_77, %mul3A_78 : vector<64x128xf32>
    %add3A_80 = arith.addf %get3A_43, %add3A_79 : vector<64x128xf32>
    %slice3A_81 = vector.extract_strided_slice %reshape3A_37 {offsets = [1, 0, 0], sizes = [1, 64, 384], strides = [1, 1, 1]} : vector<32x64x384xf32> to vector<1x64x384xf32>
    %squeeze3A_82 = vector.shape_cast %slice3A_81 : vector<1x64x384xf32> to vector<64x384xf32>
    %get3A_83 = arith.constant 0 : index
    %get3A_84 = arith.constant 0 : index
    %get3A_85 = vector.load %arg9[%get3A_83, %get3A_84] : memref<128x384xf32, #tpu.memory_space<vmem>>, vector<128x384xf32>
    %dot_general3A_86 = arith.constant dense<0.000000e+00> : vector<64x384xf32>
    %dot_general3A_87 = tpu.matmul %add3A_79, %get3A_85, %dot_general3A_86 {dimension_numbers = #tpu.dot_dimension_numbers<[1], [0], [0], [1], [0, 0, 1, 1], [], []>, transpose_lhs_hint = false} : vector<64x128xf32>, vector<128x384xf32>, vector<64x384xf32> -> vector<64x384xf32>
    %get3A_88 = arith.constant 0 : index
    %get3A_89 = arith.constant 0 : index
    %get3A_90 = vector.load %arg10[%get3A_88, %get3A_89] : memref<1x384xf32, #tpu.memory_space<vmem>>, vector<1x384xf32>
    %add3A_91 = vector.broadcast %get3A_90 : vector<1x384xf32> to vector<64x384xf32>
    %add3A_92 = arith.addf %dot_general3A_87, %add3A_91 : vector<64x384xf32>
    %slice3A_93 = vector.extract_strided_slice %squeeze3A_82 {offsets = [0, 0], sizes = [64, 128], strides = [1, 1]} : vector<64x384xf32> to vector<64x128xf32>
    %slice3A_94 = vector.extract_strided_slice %squeeze3A_82 {offsets = [0, 128], sizes = [64, 128], strides = [1, 1]} : vector<64x384xf32> to vector<64x128xf32>
    %slice3A_95 = vector.extract_strided_slice %squeeze3A_82 {offsets = [0, 256], sizes = [64, 128], strides = [1, 1]} : vector<64x384xf32> to vector<64x128xf32>
    %slice3A_96 = vector.extract_strided_slice %add3A_92 {offsets = [0, 0], sizes = [64, 128], strides = [1, 1]} : vector<64x384xf32> to vector<64x128xf32>
    %slice3A_97 = vector.extract_strided_slice %add3A_92 {offsets = [0, 128], sizes = [64, 128], strides = [1, 1]} : vector<64x384xf32> to vector<64x128xf32>
    %slice3A_98 = vector.extract_strided_slice %add3A_92 {offsets = [0, 256], sizes = [64, 128], strides = [1, 1]} : vector<64x384xf32> to vector<64x128xf32>
    %add3A_99 = arith.addf %slice3A_93, %slice3A_96 : vector<64x128xf32>
    %logistic3A_100 = arith.negf %add3A_99 : vector<64x128xf32>
    %logistic3A_101 = math.exp %logistic3A_100 : vector<64x128xf32>
    %logistic3A_102 = arith.constant 1.000000e+00 : f32
    %logistic3A_103 = vector.broadcast %logistic3A_102 : f32 to vector<64x128xf32>
    %logistic3A_104 = arith.addf %logistic3A_103, %logistic3A_101 : vector<64x128xf32>
    %logistic3A_105 = arith.divf %logistic3A_103, %logistic3A_104 : vector<64x128xf32>
    %add3A_106 = arith.addf %slice3A_94, %slice3A_97 : vector<64x128xf32>
    %logistic3A_107 = arith.negf %add3A_106 : vector<64x128xf32>
    %logistic3A_108 = math.exp %logistic3A_107 : vector<64x128xf32>
    %logistic3A_109 = arith.constant 1.000000e+00 : f32
    %logistic3A_110 = vector.broadcast %logistic3A_109 : f32 to vector<64x128xf32>
    %logistic3A_111 = arith.addf %logistic3A_110, %logistic3A_108 : vector<64x128xf32>
    %logistic3A_112 = arith.divf %logistic3A_110, %logistic3A_111 : vector<64x128xf32>
    %mul3A_113 = arith.mulf %logistic3A_105, %slice3A_98 : vector<64x128xf32>
    %add3A_114 = arith.addf %slice3A_95, %mul3A_113 : vector<64x128xf32>
    %tanh3A_115 = math.tanh %add3A_114 : vector<64x128xf32>
    %sub3A_116 = arith.constant 1.000000e+00 : f32
    %sub3A_117 = vector.broadcast %sub3A_116 : f32 to vector<64x128xf32>
    %sub3A_118 = arith.subf %sub3A_117, %logistic3A_112 : vector<64x128xf32>
    %mul3A_119 = arith.mulf %sub3A_118, %tanh3A_115 : vector<64x128xf32>
    %mul3A_120 = arith.mulf %logistic3A_112, %add3A_79 : vector<64x128xf32>
    %add3A_121 = arith.addf %mul3A_119, %mul3A_120 : vector<64x128xf32>
    %add3A_122 = arith.addf %add3A_80, %add3A_121 : vector<64x128xf32>
    %slice3A_123 = vector.extract_strided_slice %reshape3A_37 {offsets = [2, 0, 0], sizes = [1, 64, 384], strides = [1, 1, 1]} : vector<32x64x384xf32> to vector<1x64x384xf32>
    %squeeze3A_124 = vector.shape_cast %slice3A_123 : vector<1x64x384xf32> to vector<64x384xf32>
    %get3A_125 = arith.constant 0 : index
    %get3A_126 = arith.constant 0 : index
    %get3A_127 = vector.load %arg9[%get3A_125, %get3A_126] : memref<128x384xf32, #tpu.memory_space<vmem>>, vector<128x384xf32>
    %dot_general3A_128 = arith.constant dense<0.000000e+00> : vector<64x384xf32>
    %dot_general3A_129 = tpu.matmul %add3A_121, %get3A_127, %dot_general3A_128 {dimension_numbers = #tpu.dot_dimension_numbers<[1], [0], [0], [1], [0, 0, 1, 1], [], []>, transpose_lhs_hint = false} : vector<64x128xf32>, vector<128x384xf32>, vector<64x384xf32> -> vector<64x384xf32>
    %get3A_130 = arith.constant 0 : index
    %get3A_131 = arith.constant 0 : index
    %get3A_132 = vector.load %arg10[%get3A_130, %get3A_131] : memref<1x384xf32, #tpu.memory_space<vmem>>, vector<1x384xf32>
    %add3A_133 = vector.broadcast %get3A_132 : vector<1x384xf32> to vector<64x384xf32>
    %add3A_134 = arith.addf %dot_general3A_129, %add3A_133 : vector<64x384xf32>
    %slice3A_135 = vector.extract_strided_slice %squeeze3A_124 {offsets = [0, 0], sizes = [64, 128], strides = [1, 1]} : vector<64x384xf32> to vector<64x128xf32>
    %slice3A_136 = vector.extract_strided_slice %squeeze3A_124 {offsets = [0, 128], sizes = [64, 128], strides = [1, 1]} : vector<64x384xf32> to vector<64x128xf32>
    %slice3A_137 = vector.extract_strided_slice %squeeze3A_124 {offsets = [0, 256], sizes = [64, 128], strides = [1, 1]} : vector<64x384xf32> to vector<64x128xf32>
    %slice3A_138 = vector.extract_strided_slice %add3A_134 {offsets = [0, 0], sizes = [64, 128], strides = [1, 1]} : vector<64x384xf32> to vector<64x128xf32>
    %slice3A_139 = vector.extract_strided_slice %add3A_134 {offsets = [0, 128], sizes = [64, 128], strides = [1, 1]} : vector<64x384xf32> to vector<64x128xf32>
    %slice3A_140 = vector.extract_strided_slice %add3A_134 {offsets = [0, 256], sizes = [64, 128], strides = [1, 1]} : vector<64x384xf32> to vector<64x128xf32>
    %add3A_141 = arith.addf %slice3A_135, %slice3A_138 : vector<64x128xf32>
    %logistic3A_142 = arith.negf %add3A_141 : vector<64x128xf32>
    %logistic3A_143 = math.exp %logistic3A_142 : vector<64x128xf32>
    %logistic3A_144 = arith.constant 1.000000e+00 : f32
    %logistic3A_145 = vector.broadcast %logistic3A_144 : f32 to vector<64x128xf32>
    %logistic3A_146 = arith.addf %logistic3A_145, %logistic3A_143 : vector<64x128xf32>
    %logistic3A_147 = arith.divf %logistic3A_145, %logistic3A_146 : vector<64x128xf32>
    %add3A_148 = arith.addf %slice3A_136, %slice3A_139 : vector<64x128xf32>
    %logistic3A_149 = arith.negf %add3A_148 : vector<64x128xf32>
    %logistic3A_150 = math.exp %logistic3A_149 : vector<64x128xf32>
    %logistic3A_151 = arith.constant 1.000000e+00 : f32
    %logistic3A_152 = vector.broadcast %logistic3A_151 : f32 to vector<64x128xf32>
    %logistic3A_153 = arith.addf %logistic3A_152, %logistic3A_150 : vector<64x128xf32>
    %logistic3A_154 = arith.divf %logistic3A_152, %logistic3A_153 : vector<64x128xf32>
    %mul3A_155 = arith.mulf %logistic3A_147, %slice3A_140 : vector<64x128xf32>
    %add3A_156 = arith.addf %slice3A_137, %mul3A_155 : vector<64x128xf32>
    %tanh3A_157 = math.tanh %add3A_156 : vector<64x128xf32>
    %sub3A_158 = arith.constant 1.000000e+00 : f32
    %sub3A_159 = vector.broadcast %sub3A_158 : f32 to vector<64x128xf32>
    %sub3A_160 = arith.subf %sub3A_159, %logistic3A_154 : vector<64x128xf32>
    %mul3A_161 = arith.mulf %sub3A_160, %tanh3A_157 : vector<64x128xf32>
    %mul3A_162 = arith.mulf %logistic3A_154, %add3A_121 : vector<64x128xf32>
    %add3A_163 = arith.addf %mul3A_161, %mul3A_162 : vector<64x128xf32>
    %add3A_164 = arith.addf %add3A_122, %add3A_163 : vector<64x128xf32>
    %slice3A_165 = vector.extract_strided_slice %reshape3A_37 {offsets = [3, 0, 0], sizes = [1, 64, 384], strides = [1, 1, 1]} : vector<32x64x384xf32> to vector<1x64x384xf32>
    %squeeze3A_166 = vector.shape_cast %slice3A_165 : vector<1x64x384xf32> to vector<64x384xf32>
    %get3A_167 = arith.constant 0 : index
    %get3A_168 = arith.constant 0 : index
    %get3A_169 = vector.load %arg9[%get3A_167, %get3A_168] : memref<128x384xf32, #tpu.memory_space<vmem>>, vector<128x384xf32>
    %dot_general3A_170 = arith.constant dense<0.000000e+00> : vector<64x384xf32>
    %dot_general3A_171 = tpu.matmul %add3A_163, %get3A_169, %dot_general3A_170 {dimension_numbers = #tpu.dot_dimension_numbers<[1], [0], [0], [1], [0, 0, 1, 1], [], []>, transpose_lhs_hint = false} : vector<64x128xf32>, vector<128x384xf32>, vector<64x384xf32> -> vector<64x384xf32>
    %get3A_172 = arith.constant 0 : index
    %get3A_173 = arith.constant 0 : index
    %get3A_174 = vector.load %arg10[%get3A_172, %get3A_173] : memref<1x384xf32, #tpu.memory_space<vmem>>, vector<1x384xf32>
    %add3A_175 = vector.broadcast %get3A_174 : vector<1x384xf32> to vector<64x384xf32>
    %add3A_176 = arith.addf %dot_general3A_171, %add3A_175 : vector<64x384xf32>
    %slice3A_177 = vector.extract_strided_slice %squeeze3A_166 {offsets = [0, 0], sizes = [64, 128], strides = [1, 1]} : vector<64x384xf32> to vector<64x128xf32>
    %slice3A_178 = vector.extract_strided_slice %squeeze3A_166 {offsets = [0, 128], sizes = [64, 128], strides = [1, 1]} : vector<64x384xf32> to vector<64x128xf32>
    %slice3A_179 = vector.extract_strided_slice %squeeze3A_166 {offsets = [0, 256], sizes = [64, 128], strides = [1, 1]} : vector<64x384xf32> to vector<64x128xf32>
    %slice3A_180 = vector.extract_strided_slice %add3A_176 {offsets = [0, 0], sizes = [64, 128], strides = [1, 1]} : vector<64x384xf32> to vector<64x128xf32>
    %slice3A_181 = vector.extract_strided_slice %add3A_176 {offsets = [0, 128], sizes = [64, 128], strides = [1, 1]} : vector<64x384xf32> to vector<64x128xf32>
    %slice3A_182 = vector.extract_strided_slice %add3A_176 {offsets = [0, 256], sizes = [64, 128], strides = [1, 1]} : vector<64x384xf32> to vector<64x128xf32>
    %add3A_183 = arith.addf %slice3A_177, %slice3A_180 : vector<64x128xf32>
    %logistic3A_184 = arith.negf %add3A_183 : vector<64x128xf32>
    %logistic3A_185 = math.exp %logistic3A_184 : vector<64x128xf32>
    %logistic3A_186 = arith.constant 1.000000e+00 : f32
    %logistic3A_187 = vector.broadcast %logistic3A_186 : f32 to vector<64x128xf32>
    %logistic3A_188 = arith.addf %logistic3A_187, %logistic3A_185 : vector<64x128xf32>
    %logistic3A_189 = arith.divf %logistic3A_187, %logistic3A_188 : vector<64x128xf32>
    %add3A_190 = arith.addf %slice3A_178, %slice3A_181 : vector<64x128xf32>
    %logistic3A_191 = arith.negf %add3A_190 : vector<64x128xf32>
    %logistic3A_192 = math.exp %logistic3A_191 : vector<64x128xf32>
    %logistic3A_193 = arith.constant 1.000000e+00 : f32
    %logistic3A_194 = vector.broadcast %logistic3A_193 : f32 to vector<64x128xf32>
    %logistic3A_195 = arith.addf %logistic3A_194, %logistic3A_192 : vector<64x128xf32>
    %logistic3A_196 = arith.divf %logistic3A_194, %logistic3A_195 : vector<64x128xf32>
    %mul3A_197 = arith.mulf %logistic3A_189, %slice3A_182 : vector<64x128xf32>
    %add3A_198 = arith.addf %slice3A_179, %mul3A_197 : vector<64x128xf32>
    %tanh3A_199 = math.tanh %add3A_198 : vector<64x128xf32>
    %sub3A_200 = arith.constant 1.000000e+00 : f32
    %sub3A_201 = vector.broadcast %sub3A_200 : f32 to vector<64x128xf32>
    %sub3A_202 = arith.subf %sub3A_201, %logistic3A_196 : vector<64x128xf32>
    %mul3A_203 = arith.mulf %sub3A_202, %tanh3A_199 : vector<64x128xf32>
    %mul3A_204 = arith.mulf %logistic3A_196, %add3A_163 : vector<64x128xf32>
    %add3A_205 = arith.addf %mul3A_203, %mul3A_204 : vector<64x128xf32>
    %add3A_206 = arith.addf %add3A_164, %add3A_205 : vector<64x128xf32>
    %slice3A_207 = vector.extract_strided_slice %reshape3A_37 {offsets = [4, 0, 0], sizes = [1, 64, 384], strides = [1, 1, 1]} : vector<32x64x384xf32> to vector<1x64x384xf32>
    %squeeze3A_208 = vector.shape_cast %slice3A_207 : vector<1x64x384xf32> to vector<64x384xf32>
    %get3A_209 = arith.constant 0 : index
    %get3A_210 = arith.constant 0 : index
    %get3A_211 = vector.load %arg9[%get3A_209, %get3A_210] : memref<128x384xf32, #tpu.memory_space<vmem>>, vector<128x384xf32>
    %dot_general3A_212 = arith.constant dense<0.000000e+00> : vector<64x384xf32>
    %dot_general3A_213 = tpu.matmul %add3A_205, %get3A_211, %dot_general3A_212 {dimension_numbers = #tpu.dot_dimension_numbers<[1], [0], [0], [1], [0, 0, 1, 1], [], []>, transpose_lhs_hint = false} : vector<64x128xf32>, vector<128x384xf32>, vector<64x384xf32> -> vector<64x384xf32>
    %get3A_214 = arith.constant 0 : index
    %get3A_215 = arith.constant 0 : index
    %get3A_216 = vector.load %arg10[%get3A_214, %get3A_215] : memref<1x384xf32, #tpu.memory_space<vmem>>, vector<1x384xf32>
    %add3A_217 = vector.broadcast %get3A_216 : vector<1x384xf32> to vector<64x384xf32>
    %add3A_218 = arith.addf %dot_general3A_213, %add3A_217 : vector<64x384xf32>
    %slice3A_219 = vector.extract_strided_slice %squeeze3A_208 {offsets = [0, 0], sizes = [64, 128], strides = [1, 1]} : vector<64x384xf32> to vector<64x128xf32>
    %slice3A_220 = vector.extract_strided_slice %squeeze3A_208 {offsets = [0, 128], sizes = [64, 128], strides = [1, 1]} : vector<64x384xf32> to vector<64x128xf32>
    %slice3A_221 = vector.extract_strided_slice %squeeze3A_208 {offsets = [0, 256], sizes = [64, 128], strides = [1, 1]} : vector<64x384xf32> to vector<64x128xf32>
    %slice3A_222 = vector.extract_strided_slice %add3A_218 {offsets = [0, 0], sizes = [64, 128], strides = [1, 1]} : vector<64x384xf32> to vector<64x128xf32>
    %slice3A_223 = vector.extract_strided_slice %add3A_218 {offsets = [0, 128], sizes = [64, 128], strides = [1, 1]} : vector<64x384xf32> to vector<64x128xf32>
    %slice3A_224 = vector.extract_strided_slice %add3A_218 {offsets = [0, 256], sizes = [64, 128], strides = [1, 1]} : vector<64x384xf32> to vector<64x128xf32>
    %add3A_225 = arith.addf %slice3A_219, %slice3A_222 : vector<64x128xf32>
    %logistic3A_226 = arith.negf %add3A_225 : vector<64x128xf32>
    %logistic3A_227 = math.exp %logistic3A_226 : vector<64x128xf32>
    %logistic3A_228 = arith.constant 1.000000e+00 : f32
    %logistic3A_229 = vector.broadcast %logistic3A_228 : f32 to vector<64x128xf32>
    %logistic3A_230 = arith.addf %logistic3A_229, %logistic3A_227 : vector<64x128xf32>
    %logistic3A_231 = arith.divf %logistic3A_229, %logistic3A_230 : vector<64x128xf32>
    %add3A_232 = arith.addf %slice3A_220, %slice3A_223 : vector<64x128xf32>
    %logistic3A_233 = arith.negf %add3A_232 : vector<64x128xf32>
    %logistic3A_234 = math.exp %logistic3A_233 : vector<64x128xf32>
    %logistic3A_235 = arith.constant 1.000000e+00 : f32
    %logistic3A_236 = vector.broadcast %logistic3A_235 : f32 to vector<64x128xf32>
    %logistic3A_237 = arith.addf %logistic3A_236, %logistic3A_234 : vector<64x128xf32>
    %logistic3A_238 = arith.divf %logistic3A_236, %logistic3A_237 : vector<64x128xf32>
    %mul3A_239 = arith.mulf %logistic3A_231, %slice3A_224 : vector<64x128xf32>
    %add3A_240 = arith.addf %slice3A_221, %mul3A_239 : vector<64x128xf32>
    %tanh3A_241 = math.tanh %add3A_240 : vector<64x128xf32>
    %sub3A_242 = arith.constant 1.000000e+00 : f32
    %sub3A_243 = vector.broadcast %sub3A_242 : f32 to vector<64x128xf32>
    %sub3A_244 = arith.subf %sub3A_243, %logistic3A_238 : vector<64x128xf32>
    %mul3A_245 = arith.mulf %sub3A_244, %tanh3A_241 : vector<64x128xf32>
    %mul3A_246 = arith.mulf %logistic3A_238, %add3A_205 : vector<64x128xf32>
    %add3A_247 = arith.addf %mul3A_245, %mul3A_246 : vector<64x128xf32>
    %add3A_248 = arith.addf %add3A_206, %add3A_247 : vector<64x128xf32>
    %slice3A_249 = vector.extract_strided_slice %reshape3A_37 {offsets = [5, 0, 0], sizes = [1, 64, 384], strides = [1, 1, 1]} : vector<32x64x384xf32> to vector<1x64x384xf32>
    %squeeze3A_250 = vector.shape_cast %slice3A_249 : vector<1x64x384xf32> to vector<64x384xf32>
    %get3A_251 = arith.constant 0 : index
    %get3A_252 = arith.constant 0 : index
    %get3A_253 = vector.load %arg9[%get3A_251, %get3A_252] : memref<128x384xf32, #tpu.memory_space<vmem>>, vector<128x384xf32>
    %dot_general3A_254 = arith.constant dense<0.000000e+00> : vector<64x384xf32>
    %dot_general3A_255 = tpu.matmul %add3A_247, %get3A_253, %dot_general3A_254 {dimension_numbers = #tpu.dot_dimension_numbers<[1], [0], [0], [1], [0, 0, 1, 1], [], []>, transpose_lhs_hint = false} : vector<64x128xf32>, vector<128x384xf32>, vector<64x384xf32> -> vector<64x384xf32>
    %get3A_256 = arith.constant 0 : index
    %get3A_257 = arith.constant 0 : index
    %get3A_258 = vector.load %arg10[%get3A_256, %get3A_257] : memref<1x384xf32, #tpu.memory_space<vmem>>, vector<1x384xf32>
    %add3A_259 = vector.broadcast %get3A_258 : vector<1x384xf32> to vector<64x384xf32>
    %add3A_260 = arith.addf %dot_general3A_255, %add3A_259 : vector<64x384xf32>
    %slice3A_261 = vector.extract_strided_slice %squeeze3A_250 {offsets = [0, 0], sizes = [64, 128], strides = [1, 1]} : vector<64x384xf32> to vector<64x128xf32>
    %slice3A_262 = vector.extract_strided_slice %squeeze3A_250 {offsets = [0, 128], sizes = [64, 128], strides = [1, 1]} : vector<64x384xf32> to vector<64x128xf32>
    %slice3A_263 = vector.extract_strided_slice %squeeze3A_250 {offsets = [0, 256], sizes = [64, 128], strides = [1, 1]} : vector<64x384xf32> to vector<64x128xf32>
    %slice3A_264 = vector.extract_strided_slice %add3A_260 {offsets = [0, 0], sizes = [64, 128], strides = [1, 1]} : vector<64x384xf32> to vector<64x128xf32>
    %slice3A_265 = vector.extract_strided_slice %add3A_260 {offsets = [0, 128], sizes = [64, 128], strides = [1, 1]} : vector<64x384xf32> to vector<64x128xf32>
    %slice3A_266 = vector.extract_strided_slice %add3A_260 {offsets = [0, 256], sizes = [64, 128], strides = [1, 1]} : vector<64x384xf32> to vector<64x128xf32>
    %add3A_267 = arith.addf %slice3A_261, %slice3A_264 : vector<64x128xf32>
    %logistic3A_268 = arith.negf %add3A_267 : vector<64x128xf32>
    %logistic3A_269 = math.exp %logistic3A_268 : vector<64x128xf32>
    %logistic3A_270 = arith.constant 1.000000e+00 : f32
    %logistic3A_271 = vector.broadcast %logistic3A_270 : f32 to vector<64x128xf32>
    %logistic3A_272 = arith.addf %logistic3A_271, %logistic3A_269 : vector<64x128xf32>
    %logistic3A_273 = arith.divf %logistic3A_271, %logistic3A_272 : vector<64x128xf32>
    %add3A_274 = arith.addf %slice3A_262, %slice3A_265 : vector<64x128xf32>
    %logistic3A_275 = arith.negf %add3A_274 : vector<64x128xf32>
    %logistic3A_276 = math.exp %logistic3A_275 : vector<64x128xf32>
    %logistic3A_277 = arith.constant 1.000000e+00 : f32
    %logistic3A_278 = vector.broadcast %logistic3A_277 : f32 to vector<64x128xf32>
    %logistic3A_279 = arith.addf %logistic3A_278, %logistic3A_276 : vector<64x128xf32>
    %logistic3A_280 = arith.divf %logistic3A_278, %logistic3A_279 : vector<64x128xf32>
    %mul3A_281 = arith.mulf %logistic3A_273, %slice3A_266 : vector<64x128xf32>
    %add3A_282 = arith.addf %slice3A_263, %mul3A_281 : vector<64x128xf32>
    %tanh3A_283 = math.tanh %add3A_282 : vector<64x128xf32>
    %sub3A_284 = arith.constant 1.000000e+00 : f32
    %sub3A_285 = vector.broadcast %sub3A_284 : f32 to vector<64x128xf32>
    %sub3A_286 = arith.subf %sub3A_285, %logistic3A_280 : vector<64x128xf32>
    %mul3A_287 = arith.mulf %sub3A_286, %tanh3A_283 : vector<64x128xf32>
    %mul3A_288 = arith.mulf %logistic3A_280, %add3A_247 : vector<64x128xf32>
    %add3A_289 = arith.addf %mul3A_287, %mul3A_288 : vector<64x128xf32>
    %add3A_290 = arith.addf %add3A_248, %add3A_289 : vector<64x128xf32>
    %slice3A_291 = vector.extract_strided_slice %reshape3A_37 {offsets = [6, 0, 0], sizes = [1, 64, 384], strides = [1, 1, 1]} : vector<32x64x384xf32> to vector<1x64x384xf32>
    %squeeze3A_292 = vector.shape_cast %slice3A_291 : vector<1x64x384xf32> to vector<64x384xf32>
    %get3A_293 = arith.constant 0 : index
    %get3A_294 = arith.constant 0 : index
    %get3A_295 = vector.load %arg9[%get3A_293, %get3A_294] : memref<128x384xf32, #tpu.memory_space<vmem>>, vector<128x384xf32>
    %dot_general3A_296 = arith.constant dense<0.000000e+00> : vector<64x384xf32>
    %dot_general3A_297 = tpu.matmul %add3A_289, %get3A_295, %dot_general3A_296 {dimension_numbers = #tpu.dot_dimension_numbers<[1], [0], [0], [1], [0, 0, 1, 1], [], []>, transpose_lhs_hint = false} : vector<64x128xf32>, vector<128x384xf32>, vector<64x384xf32> -> vector<64x384xf32>
    %get3A_298 = arith.constant 0 : index
    %get3A_299 = arith.constant 0 : index
    %get3A_300 = vector.load %arg10[%get3A_298, %get3A_299] : memref<1x384xf32, #tpu.memory_space<vmem>>, vector<1x384xf32>
    %add3A_301 = vector.broadcast %get3A_300 : vector<1x384xf32> to vector<64x384xf32>
    %add3A_302 = arith.addf %dot_general3A_297, %add3A_301 : vector<64x384xf32>
    %slice3A_303 = vector.extract_strided_slice %squeeze3A_292 {offsets = [0, 0], sizes = [64, 128], strides = [1, 1]} : vector<64x384xf32> to vector<64x128xf32>
    %slice3A_304 = vector.extract_strided_slice %squeeze3A_292 {offsets = [0, 128], sizes = [64, 128], strides = [1, 1]} : vector<64x384xf32> to vector<64x128xf32>
    %slice3A_305 = vector.extract_strided_slice %squeeze3A_292 {offsets = [0, 256], sizes = [64, 128], strides = [1, 1]} : vector<64x384xf32> to vector<64x128xf32>
    %slice3A_306 = vector.extract_strided_slice %add3A_302 {offsets = [0, 0], sizes = [64, 128], strides = [1, 1]} : vector<64x384xf32> to vector<64x128xf32>
    %slice3A_307 = vector.extract_strided_slice %add3A_302 {offsets = [0, 128], sizes = [64, 128], strides = [1, 1]} : vector<64x384xf32> to vector<64x128xf32>
    %slice3A_308 = vector.extract_strided_slice %add3A_302 {offsets = [0, 256], sizes = [64, 128], strides = [1, 1]} : vector<64x384xf32> to vector<64x128xf32>
    %add3A_309 = arith.addf %slice3A_303, %slice3A_306 : vector<64x128xf32>
    %logistic3A_310 = arith.negf %add3A_309 : vector<64x128xf32>
    %logistic3A_311 = math.exp %logistic3A_310 : vector<64x128xf32>
    %logistic3A_312 = arith.constant 1.000000e+00 : f32
    %logistic3A_313 = vector.broadcast %logistic3A_312 : f32 to vector<64x128xf32>
    %logistic3A_314 = arith.addf %logistic3A_313, %logistic3A_311 : vector<64x128xf32>
    %logistic3A_315 = arith.divf %logistic3A_313, %logistic3A_314 : vector<64x128xf32>
    %add3A_316 = arith.addf %slice3A_304, %slice3A_307 : vector<64x128xf32>
    %logistic3A_317 = arith.negf %add3A_316 : vector<64x128xf32>
    %logistic3A_318 = math.exp %logistic3A_317 : vector<64x128xf32>
    %logistic3A_319 = arith.constant 1.000000e+00 : f32
    %logistic3A_320 = vector.broadcast %logistic3A_319 : f32 to vector<64x128xf32>
    %logistic3A_321 = arith.addf %logistic3A_320, %logistic3A_318 : vector<64x128xf32>
    %logistic3A_322 = arith.divf %logistic3A_320, %logistic3A_321 : vector<64x128xf32>
    %mul3A_323 = arith.mulf %logistic3A_315, %slice3A_308 : vector<64x128xf32>
    %add3A_324 = arith.addf %slice3A_305, %mul3A_323 : vector<64x128xf32>
    %tanh3A_325 = math.tanh %add3A_324 : vector<64x128xf32>
    %sub3A_326 = arith.constant 1.000000e+00 : f32
    %sub3A_327 = vector.broadcast %sub3A_326 : f32 to vector<64x128xf32>
    %sub3A_328 = arith.subf %sub3A_327, %logistic3A_322 : vector<64x128xf32>
    %mul3A_329 = arith.mulf %sub3A_328, %tanh3A_325 : vector<64x128xf32>
    %mul3A_330 = arith.mulf %logistic3A_322, %add3A_289 : vector<64x128xf32>
    %add3A_331 = arith.addf %mul3A_329, %mul3A_330 : vector<64x128xf32>
    %add3A_332 = arith.addf %add3A_290, %add3A_331 : vector<64x128xf32>
    %slice3A_333 = vector.extract_strided_slice %reshape3A_37 {offsets = [7, 0, 0], sizes = [1, 64, 384], strides = [1, 1, 1]} : vector<32x64x384xf32> to vector<1x64x384xf32>
    %squeeze3A_334 = vector.shape_cast %slice3A_333 : vector<1x64x384xf32> to vector<64x384xf32>
    %get3A_335 = arith.constant 0 : index
    %get3A_336 = arith.constant 0 : index
    %get3A_337 = vector.load %arg9[%get3A_335, %get3A_336] : memref<128x384xf32, #tpu.memory_space<vmem>>, vector<128x384xf32>
    %dot_general3A_338 = arith.constant dense<0.000000e+00> : vector<64x384xf32>
    %dot_general3A_339 = tpu.matmul %add3A_331, %get3A_337, %dot_general3A_338 {dimension_numbers = #tpu.dot_dimension_numbers<[1], [0], [0], [1], [0, 0, 1, 1], [], []>, transpose_lhs_hint = false} : vector<64x128xf32>, vector<128x384xf32>, vector<64x384xf32> -> vector<64x384xf32>
    %get3A_340 = arith.constant 0 : index
    %get3A_341 = arith.constant 0 : index
    %get3A_342 = vector.load %arg10[%get3A_340, %get3A_341] : memref<1x384xf32, #tpu.memory_space<vmem>>, vector<1x384xf32>
    %add3A_343 = vector.broadcast %get3A_342 : vector<1x384xf32> to vector<64x384xf32>
    %add3A_344 = arith.addf %dot_general3A_339, %add3A_343 : vector<64x384xf32>
    %slice3A_345 = vector.extract_strided_slice %squeeze3A_334 {offsets = [0, 0], sizes = [64, 128], strides = [1, 1]} : vector<64x384xf32> to vector<64x128xf32>
    %slice3A_346 = vector.extract_strided_slice %squeeze3A_334 {offsets = [0, 128], sizes = [64, 128], strides = [1, 1]} : vector<64x384xf32> to vector<64x128xf32>
    %slice3A_347 = vector.extract_strided_slice %squeeze3A_334 {offsets = [0, 256], sizes = [64, 128], strides = [1, 1]} : vector<64x384xf32> to vector<64x128xf32>
    %slice3A_348 = vector.extract_strided_slice %add3A_344 {offsets = [0, 0], sizes = [64, 128], strides = [1, 1]} : vector<64x384xf32> to vector<64x128xf32>
    %slice3A_349 = vector.extract_strided_slice %add3A_344 {offsets = [0, 128], sizes = [64, 128], strides = [1, 1]} : vector<64x384xf32> to vector<64x128xf32>
    %slice3A_350 = vector.extract_strided_slice %add3A_344 {offsets = [0, 256], sizes = [64, 128], strides = [1, 1]} : vector<64x384xf32> to vector<64x128xf32>
    %add3A_351 = arith.addf %slice3A_345, %slice3A_348 : vector<64x128xf32>
    %logistic3A_352 = arith.negf %add3A_351 : vector<64x128xf32>
    %logistic3A_353 = math.exp %logistic3A_352 : vector<64x128xf32>
    %logistic3A_354 = arith.constant 1.000000e+00 : f32
    %logistic3A_355 = vector.broadcast %logistic3A_354 : f32 to vector<64x128xf32>
    %logistic3A_356 = arith.addf %logistic3A_355, %logistic3A_353 : vector<64x128xf32>
    %logistic3A_357 = arith.divf %logistic3A_355, %logistic3A_356 : vector<64x128xf32>
    %add3A_358 = arith.addf %slice3A_346, %slice3A_349 : vector<64x128xf32>
    %logistic3A_359 = arith.negf %add3A_358 : vector<64x128xf32>
    %logistic3A_360 = math.exp %logistic3A_359 : vector<64x128xf32>
    %logistic3A_361 = arith.constant 1.000000e+00 : f32
    %logistic3A_362 = vector.broadcast %logistic3A_361 : f32 to vector<64x128xf32>
    %logistic3A_363 = arith.addf %logistic3A_362, %logistic3A_360 : vector<64x128xf32>
    %logistic3A_364 = arith.divf %logistic3A_362, %logistic3A_363 : vector<64x128xf32>
    %mul3A_365 = arith.mulf %logistic3A_357, %slice3A_350 : vector<64x128xf32>
    %add3A_366 = arith.addf %slice3A_347, %mul3A_365 : vector<64x128xf32>
    %tanh3A_367 = math.tanh %add3A_366 : vector<64x128xf32>
    %sub3A_368 = arith.constant 1.000000e+00 : f32
    %sub3A_369 = vector.broadcast %sub3A_368 : f32 to vector<64x128xf32>
    %sub3A_370 = arith.subf %sub3A_369, %logistic3A_364 : vector<64x128xf32>
    %mul3A_371 = arith.mulf %sub3A_370, %tanh3A_367 : vector<64x128xf32>
    %mul3A_372 = arith.mulf %logistic3A_364, %add3A_331 : vector<64x128xf32>
    %add3A_373 = arith.addf %mul3A_371, %mul3A_372 : vector<64x128xf32>
    %add3A_374 = arith.addf %add3A_332, %add3A_373 : vector<64x128xf32>
    %slice3A_375 = vector.extract_strided_slice %reshape3A_37 {offsets = [8, 0, 0], sizes = [1, 64, 384], strides = [1, 1, 1]} : vector<32x64x384xf32> to vector<1x64x384xf32>
    %squeeze3A_376 = vector.shape_cast %slice3A_375 : vector<1x64x384xf32> to vector<64x384xf32>
    %get3A_377 = arith.constant 0 : index
    %get3A_378 = arith.constant 0 : index
    %get3A_379 = vector.load %arg9[%get3A_377, %get3A_378] : memref<128x384xf32, #tpu.memory_space<vmem>>, vector<128x384xf32>
    %dot_general3A_380 = arith.constant dense<0.000000e+00> : vector<64x384xf32>
    %dot_general3A_381 = tpu.matmul %add3A_373, %get3A_379, %dot_general3A_380 {dimension_numbers = #tpu.dot_dimension_numbers<[1], [0], [0], [1], [0, 0, 1, 1], [], []>, transpose_lhs_hint = false} : vector<64x128xf32>, vector<128x384xf32>, vector<64x384xf32> -> vector<64x384xf32>
    %get3A_382 = arith.constant 0 : index
    %get3A_383 = arith.constant 0 : index
    %get3A_384 = vector.load %arg10[%get3A_382, %get3A_383] : memref<1x384xf32, #tpu.memory_space<vmem>>, vector<1x384xf32>
    %add3A_385 = vector.broadcast %get3A_384 : vector<1x384xf32> to vector<64x384xf32>
    %add3A_386 = arith.addf %dot_general3A_381, %add3A_385 : vector<64x384xf32>
    %slice3A_387 = vector.extract_strided_slice %squeeze3A_376 {offsets = [0, 0], sizes = [64, 128], strides = [1, 1]} : vector<64x384xf32> to vector<64x128xf32>
    %slice3A_388 = vector.extract_strided_slice %squeeze3A_376 {offsets = [0, 128], sizes = [64, 128], strides = [1, 1]} : vector<64x384xf32> to vector<64x128xf32>
    %slice3A_389 = vector.extract_strided_slice %squeeze3A_376 {offsets = [0, 256], sizes = [64, 128], strides = [1, 1]} : vector<64x384xf32> to vector<64x128xf32>
    %slice3A_390 = vector.extract_strided_slice %add3A_386 {offsets = [0, 0], sizes = [64, 128], strides = [1, 1]} : vector<64x384xf32> to vector<64x128xf32>
    %slice3A_391 = vector.extract_strided_slice %add3A_386 {offsets = [0, 128], sizes = [64, 128], strides = [1, 1]} : vector<64x384xf32> to vector<64x128xf32>
    %slice3A_392 = vector.extract_strided_slice %add3A_386 {offsets = [0, 256], sizes = [64, 128], strides = [1, 1]} : vector<64x384xf32> to vector<64x128xf32>
    %add3A_393 = arith.addf %slice3A_387, %slice3A_390 : vector<64x128xf32>
    %logistic3A_394 = arith.negf %add3A_393 : vector<64x128xf32>
    %logistic3A_395 = math.exp %logistic3A_394 : vector<64x128xf32>
    %logistic3A_396 = arith.constant 1.000000e+00 : f32
    %logistic3A_397 = vector.broadcast %logistic3A_396 : f32 to vector<64x128xf32>
    %logistic3A_398 = arith.addf %logistic3A_397, %logistic3A_395 : vector<64x128xf32>
    %logistic3A_399 = arith.divf %logistic3A_397, %logistic3A_398 : vector<64x128xf32>
    %add3A_400 = arith.addf %slice3A_388, %slice3A_391 : vector<64x128xf32>
    %logistic3A_401 = arith.negf %add3A_400 : vector<64x128xf32>
    %logistic3A_402 = math.exp %logistic3A_401 : vector<64x128xf32>
    %logistic3A_403 = arith.constant 1.000000e+00 : f32
    %logistic3A_404 = vector.broadcast %logistic3A_403 : f32 to vector<64x128xf32>
    %logistic3A_405 = arith.addf %logistic3A_404, %logistic3A_402 : vector<64x128xf32>
    %logistic3A_406 = arith.divf %logistic3A_404, %logistic3A_405 : vector<64x128xf32>
    %mul3A_407 = arith.mulf %logistic3A_399, %slice3A_392 : vector<64x128xf32>
    %add3A_408 = arith.addf %slice3A_389, %mul3A_407 : vector<64x128xf32>
    %tanh3A_409 = math.tanh %add3A_408 : vector<64x128xf32>
    %sub3A_410 = arith.constant 1.000000e+00 : f32
    %sub3A_411 = vector.broadcast %sub3A_410 : f32 to vector<64x128xf32>
    %sub3A_412 = arith.subf %sub3A_411, %logistic3A_406 : vector<64x128xf32>
    %mul3A_413 = arith.mulf %sub3A_412, %tanh3A_409 : vector<64x128xf32>
    %mul3A_414 = arith.mulf %logistic3A_406, %add3A_373 : vector<64x128xf32>
    %add3A_415 = arith.addf %mul3A_413, %mul3A_414 : vector<64x128xf32>
    %add3A_416 = arith.addf %add3A_374, %add3A_415 : vector<64x128xf32>
    %slice3A_417 = vector.extract_strided_slice %reshape3A_37 {offsets = [9, 0, 0], sizes = [1, 64, 384], strides = [1, 1, 1]} : vector<32x64x384xf32> to vector<1x64x384xf32>
    %squeeze3A_418 = vector.shape_cast %slice3A_417 : vector<1x64x384xf32> to vector<64x384xf32>
    %get3A_419 = arith.constant 0 : index
    %get3A_420 = arith.constant 0 : index
    %get3A_421 = vector.load %arg9[%get3A_419, %get3A_420] : memref<128x384xf32, #tpu.memory_space<vmem>>, vector<128x384xf32>
    %dot_general3A_422 = arith.constant dense<0.000000e+00> : vector<64x384xf32>
    %dot_general3A_423 = tpu.matmul %add3A_415, %get3A_421, %dot_general3A_422 {dimension_numbers = #tpu.dot_dimension_numbers<[1], [0], [0], [1], [0, 0, 1, 1], [], []>, transpose_lhs_hint = false} : vector<64x128xf32>, vector<128x384xf32>, vector<64x384xf32> -> vector<64x384xf32>
    %get3A_424 = arith.constant 0 : index
    %get3A_425 = arith.constant 0 : index
    %get3A_426 = vector.load %arg10[%get3A_424, %get3A_425] : memref<1x384xf32, #tpu.memory_space<vmem>>, vector<1x384xf32>
    %add3A_427 = vector.broadcast %get3A_426 : vector<1x384xf32> to vector<64x384xf32>
    %add3A_428 = arith.addf %dot_general3A_423, %add3A_427 : vector<64x384xf32>
    %slice3A_429 = vector.extract_strided_slice %squeeze3A_418 {offsets = [0, 0], sizes = [64, 128], strides = [1, 1]} : vector<64x384xf32> to vector<64x128xf32>
    %slice3A_430 = vector.extract_strided_slice %squeeze3A_418 {offsets = [0, 128], sizes = [64, 128], strides = [1, 1]} : vector<64x384xf32> to vector<64x128xf32>
    %slice3A_431 = vector.extract_strided_slice %squeeze3A_418 {offsets = [0, 256], sizes = [64, 128], strides = [1, 1]} : vector<64x384xf32> to vector<64x128xf32>
    %slice3A_432 = vector.extract_strided_slice %add3A_428 {offsets = [0, 0], sizes = [64, 128], strides = [1, 1]} : vector<64x384xf32> to vector<64x128xf32>
    %slice3A_433 = vector.extract_strided_slice %add3A_428 {offsets = [0, 128], sizes = [64, 128], strides = [1, 1]} : vector<64x384xf32> to vector<64x128xf32>
    %slice3A_434 = vector.extract_strided_slice %add3A_428 {offsets = [0, 256], sizes = [64, 128], strides = [1, 1]} : vector<64x384xf32> to vector<64x128xf32>
    %add3A_435 = arith.addf %slice3A_429, %slice3A_432 : vector<64x128xf32>
    %logistic3A_436 = arith.negf %add3A_435 : vector<64x128xf32>
    %logistic3A_437 = math.exp %logistic3A_436 : vector<64x128xf32>
    %logistic3A_438 = arith.constant 1.000000e+00 : f32
    %logistic3A_439 = vector.broadcast %logistic3A_438 : f32 to vector<64x128xf32>
    %logistic3A_440 = arith.addf %logistic3A_439, %logistic3A_437 : vector<64x128xf32>
    %logistic3A_441 = arith.divf %logistic3A_439, %logistic3A_440 : vector<64x128xf32>
    %add3A_442 = arith.addf %slice3A_430, %slice3A_433 : vector<64x128xf32>
    %logistic3A_443 = arith.negf %add3A_442 : vector<64x128xf32>
    %logistic3A_444 = math.exp %logistic3A_443 : vector<64x128xf32>
    %logistic3A_445 = arith.constant 1.000000e+00 : f32
    %logistic3A_446 = vector.broadcast %logistic3A_445 : f32 to vector<64x128xf32>
    %logistic3A_447 = arith.addf %logistic3A_446, %logistic3A_444 : vector<64x128xf32>
    %logistic3A_448 = arith.divf %logistic3A_446, %logistic3A_447 : vector<64x128xf32>
    %mul3A_449 = arith.mulf %logistic3A_441, %slice3A_434 : vector<64x128xf32>
    %add3A_450 = arith.addf %slice3A_431, %mul3A_449 : vector<64x128xf32>
    %tanh3A_451 = math.tanh %add3A_450 : vector<64x128xf32>
    %sub3A_452 = arith.constant 1.000000e+00 : f32
    %sub3A_453 = vector.broadcast %sub3A_452 : f32 to vector<64x128xf32>
    %sub3A_454 = arith.subf %sub3A_453, %logistic3A_448 : vector<64x128xf32>
    %mul3A_455 = arith.mulf %sub3A_454, %tanh3A_451 : vector<64x128xf32>
    %mul3A_456 = arith.mulf %logistic3A_448, %add3A_415 : vector<64x128xf32>
    %add3A_457 = arith.addf %mul3A_455, %mul3A_456 : vector<64x128xf32>
    %add3A_458 = arith.addf %add3A_416, %add3A_457 : vector<64x128xf32>
    %slice3A_459 = vector.extract_strided_slice %reshape3A_37 {offsets = [10, 0, 0], sizes = [1, 64, 384], strides = [1, 1, 1]} : vector<32x64x384xf32> to vector<1x64x384xf32>
    %squeeze3A_460 = vector.shape_cast %slice3A_459 : vector<1x64x384xf32> to vector<64x384xf32>
    %get3A_461 = arith.constant 0 : index
    %get3A_462 = arith.constant 0 : index
    %get3A_463 = vector.load %arg9[%get3A_461, %get3A_462] : memref<128x384xf32, #tpu.memory_space<vmem>>, vector<128x384xf32>
    %dot_general3A_464 = arith.constant dense<0.000000e+00> : vector<64x384xf32>
    %dot_general3A_465 = tpu.matmul %add3A_457, %get3A_463, %dot_general3A_464 {dimension_numbers = #tpu.dot_dimension_numbers<[1], [0], [0], [1], [0, 0, 1, 1], [], []>, transpose_lhs_hint = false} : vector<64x128xf32>, vector<128x384xf32>, vector<64x384xf32> -> vector<64x384xf32>
    %get3A_466 = arith.constant 0 : index
    %get3A_467 = arith.constant 0 : index
    %get3A_468 = vector.load %arg10[%get3A_466, %get3A_467] : memref<1x384xf32, #tpu.memory_space<vmem>>, vector<1x384xf32>
    %add3A_469 = vector.broadcast %get3A_468 : vector<1x384xf32> to vector<64x384xf32>
    %add3A_470 = arith.addf %dot_general3A_465, %add3A_469 : vector<64x384xf32>
    %slice3A_471 = vector.extract_strided_slice %squeeze3A_460 {offsets = [0, 0], sizes = [64, 128], strides = [1, 1]} : vector<64x384xf32> to vector<64x128xf32>
    %slice3A_472 = vector.extract_strided_slice %squeeze3A_460 {offsets = [0, 128], sizes = [64, 128], strides = [1, 1]} : vector<64x384xf32> to vector<64x128xf32>
    %slice3A_473 = vector.extract_strided_slice %squeeze3A_460 {offsets = [0, 256], sizes = [64, 128], strides = [1, 1]} : vector<64x384xf32> to vector<64x128xf32>
    %slice3A_474 = vector.extract_strided_slice %add3A_470 {offsets = [0, 0], sizes = [64, 128], strides = [1, 1]} : vector<64x384xf32> to vector<64x128xf32>
    %slice3A_475 = vector.extract_strided_slice %add3A_470 {offsets = [0, 128], sizes = [64, 128], strides = [1, 1]} : vector<64x384xf32> to vector<64x128xf32>
    %slice3A_476 = vector.extract_strided_slice %add3A_470 {offsets = [0, 256], sizes = [64, 128], strides = [1, 1]} : vector<64x384xf32> to vector<64x128xf32>
    %add3A_477 = arith.addf %slice3A_471, %slice3A_474 : vector<64x128xf32>
    %logistic3A_478 = arith.negf %add3A_477 : vector<64x128xf32>
    %logistic3A_479 = math.exp %logistic3A_478 : vector<64x128xf32>
    %logistic3A_480 = arith.constant 1.000000e+00 : f32
    %logistic3A_481 = vector.broadcast %logistic3A_480 : f32 to vector<64x128xf32>
    %logistic3A_482 = arith.addf %logistic3A_481, %logistic3A_479 : vector<64x128xf32>
    %logistic3A_483 = arith.divf %logistic3A_481, %logistic3A_482 : vector<64x128xf32>
    %add3A_484 = arith.addf %slice3A_472, %slice3A_475 : vector<64x128xf32>
    %logistic3A_485 = arith.negf %add3A_484 : vector<64x128xf32>
    %logistic3A_486 = math.exp %logistic3A_485 : vector<64x128xf32>
    %logistic3A_487 = arith.constant 1.000000e+00 : f32
    %logistic3A_488 = vector.broadcast %logistic3A_487 : f32 to vector<64x128xf32>
    %logistic3A_489 = arith.addf %logistic3A_488, %logistic3A_486 : vector<64x128xf32>
    %logistic3A_490 = arith.divf %logistic3A_488, %logistic3A_489 : vector<64x128xf32>
    %mul3A_491 = arith.mulf %logistic3A_483, %slice3A_476 : vector<64x128xf32>
    %add3A_492 = arith.addf %slice3A_473, %mul3A_491 : vector<64x128xf32>
    %tanh3A_493 = math.tanh %add3A_492 : vector<64x128xf32>
    %sub3A_494 = arith.constant 1.000000e+00 : f32
    %sub3A_495 = vector.broadcast %sub3A_494 : f32 to vector<64x128xf32>
    %sub3A_496 = arith.subf %sub3A_495, %logistic3A_490 : vector<64x128xf32>
    %mul3A_497 = arith.mulf %sub3A_496, %tanh3A_493 : vector<64x128xf32>
    %mul3A_498 = arith.mulf %logistic3A_490, %add3A_457 : vector<64x128xf32>
    %add3A_499 = arith.addf %mul3A_497, %mul3A_498 : vector<64x128xf32>
    %add3A_500 = arith.addf %add3A_458, %add3A_499 : vector<64x128xf32>
    %slice3A_501 = vector.extract_strided_slice %reshape3A_37 {offsets = [11, 0, 0], sizes = [1, 64, 384], strides = [1, 1, 1]} : vector<32x64x384xf32> to vector<1x64x384xf32>
    %squeeze3A_502 = vector.shape_cast %slice3A_501 : vector<1x64x384xf32> to vector<64x384xf32>
    %get3A_503 = arith.constant 0 : index
    %get3A_504 = arith.constant 0 : index
    %get3A_505 = vector.load %arg9[%get3A_503, %get3A_504] : memref<128x384xf32, #tpu.memory_space<vmem>>, vector<128x384xf32>
    %dot_general3A_506 = arith.constant dense<0.000000e+00> : vector<64x384xf32>
    %dot_general3A_507 = tpu.matmul %add3A_499, %get3A_505, %dot_general3A_506 {dimension_numbers = #tpu.dot_dimension_numbers<[1], [0], [0], [1], [0, 0, 1, 1], [], []>, transpose_lhs_hint = false} : vector<64x128xf32>, vector<128x384xf32>, vector<64x384xf32> -> vector<64x384xf32>
    %get3A_508 = arith.constant 0 : index
    %get3A_509 = arith.constant 0 : index
    %get3A_510 = vector.load %arg10[%get3A_508, %get3A_509] : memref<1x384xf32, #tpu.memory_space<vmem>>, vector<1x384xf32>
    %add3A_511 = vector.broadcast %get3A_510 : vector<1x384xf32> to vector<64x384xf32>
    %add3A_512 = arith.addf %dot_general3A_507, %add3A_511 : vector<64x384xf32>
    %slice3A_513 = vector.extract_strided_slice %squeeze3A_502 {offsets = [0, 0], sizes = [64, 128], strides = [1, 1]} : vector<64x384xf32> to vector<64x128xf32>
    %slice3A_514 = vector.extract_strided_slice %squeeze3A_502 {offsets = [0, 128], sizes = [64, 128], strides = [1, 1]} : vector<64x384xf32> to vector<64x128xf32>
    %slice3A_515 = vector.extract_strided_slice %squeeze3A_502 {offsets = [0, 256], sizes = [64, 128], strides = [1, 1]} : vector<64x384xf32> to vector<64x128xf32>
    %slice3A_516 = vector.extract_strided_slice %add3A_512 {offsets = [0, 0], sizes = [64, 128], strides = [1, 1]} : vector<64x384xf32> to vector<64x128xf32>
    %slice3A_517 = vector.extract_strided_slice %add3A_512 {offsets = [0, 128], sizes = [64, 128], strides = [1, 1]} : vector<64x384xf32> to vector<64x128xf32>
    %slice3A_518 = vector.extract_strided_slice %add3A_512 {offsets = [0, 256], sizes = [64, 128], strides = [1, 1]} : vector<64x384xf32> to vector<64x128xf32>
    %add3A_519 = arith.addf %slice3A_513, %slice3A_516 : vector<64x128xf32>
    %logistic3A_520 = arith.negf %add3A_519 : vector<64x128xf32>
    %logistic3A_521 = math.exp %logistic3A_520 : vector<64x128xf32>
    %logistic3A_522 = arith.constant 1.000000e+00 : f32
    %logistic3A_523 = vector.broadcast %logistic3A_522 : f32 to vector<64x128xf32>
    %logistic3A_524 = arith.addf %logistic3A_523, %logistic3A_521 : vector<64x128xf32>
    %logistic3A_525 = arith.divf %logistic3A_523, %logistic3A_524 : vector<64x128xf32>
    %add3A_526 = arith.addf %slice3A_514, %slice3A_517 : vector<64x128xf32>
    %logistic3A_527 = arith.negf %add3A_526 : vector<64x128xf32>
    %logistic3A_528 = math.exp %logistic3A_527 : vector<64x128xf32>
    %logistic3A_529 = arith.constant 1.000000e+00 : f32
    %logistic3A_530 = vector.broadcast %logistic3A_529 : f32 to vector<64x128xf32>
    %logistic3A_531 = arith.addf %logistic3A_530, %logistic3A_528 : vector<64x128xf32>
    %logistic3A_532 = arith.divf %logistic3A_530, %logistic3A_531 : vector<64x128xf32>
    %mul3A_533 = arith.mulf %logistic3A_525, %slice3A_518 : vector<64x128xf32>
    %add3A_534 = arith.addf %slice3A_515, %mul3A_533 : vector<64x128xf32>
    %tanh3A_535 = math.tanh %add3A_534 : vector<64x128xf32>
    %sub3A_536 = arith.constant 1.000000e+00 : f32
    %sub3A_537 = vector.broadcast %sub3A_536 : f32 to vector<64x128xf32>
    %sub3A_538 = arith.subf %sub3A_537, %logistic3A_532 : vector<64x128xf32>
    %mul3A_539 = arith.mulf %sub3A_538, %tanh3A_535 : vector<64x128xf32>
    %mul3A_540 = arith.mulf %logistic3A_532, %add3A_499 : vector<64x128xf32>
    %add3A_541 = arith.addf %mul3A_539, %mul3A_540 : vector<64x128xf32>
    %add3A_542 = arith.addf %add3A_500, %add3A_541 : vector<64x128xf32>
    %slice3A_543 = vector.extract_strided_slice %reshape3A_37 {offsets = [12, 0, 0], sizes = [1, 64, 384], strides = [1, 1, 1]} : vector<32x64x384xf32> to vector<1x64x384xf32>
    %squeeze3A_544 = vector.shape_cast %slice3A_543 : vector<1x64x384xf32> to vector<64x384xf32>
    %get3A_545 = arith.constant 0 : index
    %get3A_546 = arith.constant 0 : index
    %get3A_547 = vector.load %arg9[%get3A_545, %get3A_546] : memref<128x384xf32, #tpu.memory_space<vmem>>, vector<128x384xf32>
    %dot_general3A_548 = arith.constant dense<0.000000e+00> : vector<64x384xf32>
    %dot_general3A_549 = tpu.matmul %add3A_541, %get3A_547, %dot_general3A_548 {dimension_numbers = #tpu.dot_dimension_numbers<[1], [0], [0], [1], [0, 0, 1, 1], [], []>, transpose_lhs_hint = false} : vector<64x128xf32>, vector<128x384xf32>, vector<64x384xf32> -> vector<64x384xf32>
    %get3A_550 = arith.constant 0 : index
    %get3A_551 = arith.constant 0 : index
    %get3A_552 = vector.load %arg10[%get3A_550, %get3A_551] : memref<1x384xf32, #tpu.memory_space<vmem>>, vector<1x384xf32>
    %add3A_553 = vector.broadcast %get3A_552 : vector<1x384xf32> to vector<64x384xf32>
    %add3A_554 = arith.addf %dot_general3A_549, %add3A_553 : vector<64x384xf32>
    %slice3A_555 = vector.extract_strided_slice %squeeze3A_544 {offsets = [0, 0], sizes = [64, 128], strides = [1, 1]} : vector<64x384xf32> to vector<64x128xf32>
    %slice3A_556 = vector.extract_strided_slice %squeeze3A_544 {offsets = [0, 128], sizes = [64, 128], strides = [1, 1]} : vector<64x384xf32> to vector<64x128xf32>
    %slice3A_557 = vector.extract_strided_slice %squeeze3A_544 {offsets = [0, 256], sizes = [64, 128], strides = [1, 1]} : vector<64x384xf32> to vector<64x128xf32>
    %slice3A_558 = vector.extract_strided_slice %add3A_554 {offsets = [0, 0], sizes = [64, 128], strides = [1, 1]} : vector<64x384xf32> to vector<64x128xf32>
    %slice3A_559 = vector.extract_strided_slice %add3A_554 {offsets = [0, 128], sizes = [64, 128], strides = [1, 1]} : vector<64x384xf32> to vector<64x128xf32>
    %slice3A_560 = vector.extract_strided_slice %add3A_554 {offsets = [0, 256], sizes = [64, 128], strides = [1, 1]} : vector<64x384xf32> to vector<64x128xf32>
    %add3A_561 = arith.addf %slice3A_555, %slice3A_558 : vector<64x128xf32>
    %logistic3A_562 = arith.negf %add3A_561 : vector<64x128xf32>
    %logistic3A_563 = math.exp %logistic3A_562 : vector<64x128xf32>
    %logistic3A_564 = arith.constant 1.000000e+00 : f32
    %logistic3A_565 = vector.broadcast %logistic3A_564 : f32 to vector<64x128xf32>
    %logistic3A_566 = arith.addf %logistic3A_565, %logistic3A_563 : vector<64x128xf32>
    %logistic3A_567 = arith.divf %logistic3A_565, %logistic3A_566 : vector<64x128xf32>
    %add3A_568 = arith.addf %slice3A_556, %slice3A_559 : vector<64x128xf32>
    %logistic3A_569 = arith.negf %add3A_568 : vector<64x128xf32>
    %logistic3A_570 = math.exp %logistic3A_569 : vector<64x128xf32>
    %logistic3A_571 = arith.constant 1.000000e+00 : f32
    %logistic3A_572 = vector.broadcast %logistic3A_571 : f32 to vector<64x128xf32>
    %logistic3A_573 = arith.addf %logistic3A_572, %logistic3A_570 : vector<64x128xf32>
    %logistic3A_574 = arith.divf %logistic3A_572, %logistic3A_573 : vector<64x128xf32>
    %mul3A_575 = arith.mulf %logistic3A_567, %slice3A_560 : vector<64x128xf32>
    %add3A_576 = arith.addf %slice3A_557, %mul3A_575 : vector<64x128xf32>
    %tanh3A_577 = math.tanh %add3A_576 : vector<64x128xf32>
    %sub3A_578 = arith.constant 1.000000e+00 : f32
    %sub3A_579 = vector.broadcast %sub3A_578 : f32 to vector<64x128xf32>
    %sub3A_580 = arith.subf %sub3A_579, %logistic3A_574 : vector<64x128xf32>
    %mul3A_581 = arith.mulf %sub3A_580, %tanh3A_577 : vector<64x128xf32>
    %mul3A_582 = arith.mulf %logistic3A_574, %add3A_541 : vector<64x128xf32>
    %add3A_583 = arith.addf %mul3A_581, %mul3A_582 : vector<64x128xf32>
    %add3A_584 = arith.addf %add3A_542, %add3A_583 : vector<64x128xf32>
    %slice3A_585 = vector.extract_strided_slice %reshape3A_37 {offsets = [13, 0, 0], sizes = [1, 64, 384], strides = [1, 1, 1]} : vector<32x64x384xf32> to vector<1x64x384xf32>
    %squeeze3A_586 = vector.shape_cast %slice3A_585 : vector<1x64x384xf32> to vector<64x384xf32>
    %get3A_587 = arith.constant 0 : index
    %get3A_588 = arith.constant 0 : index
    %get3A_589 = vector.load %arg9[%get3A_587, %get3A_588] : memref<128x384xf32, #tpu.memory_space<vmem>>, vector<128x384xf32>
    %dot_general3A_590 = arith.constant dense<0.000000e+00> : vector<64x384xf32>
    %dot_general3A_591 = tpu.matmul %add3A_583, %get3A_589, %dot_general3A_590 {dimension_numbers = #tpu.dot_dimension_numbers<[1], [0], [0], [1], [0, 0, 1, 1], [], []>, transpose_lhs_hint = false} : vector<64x128xf32>, vector<128x384xf32>, vector<64x384xf32> -> vector<64x384xf32>
    %get3A_592 = arith.constant 0 : index
    %get3A_593 = arith.constant 0 : index
    %get3A_594 = vector.load %arg10[%get3A_592, %get3A_593] : memref<1x384xf32, #tpu.memory_space<vmem>>, vector<1x384xf32>
    %add3A_595 = vector.broadcast %get3A_594 : vector<1x384xf32> to vector<64x384xf32>
    %add3A_596 = arith.addf %dot_general3A_591, %add3A_595 : vector<64x384xf32>
    %slice3A_597 = vector.extract_strided_slice %squeeze3A_586 {offsets = [0, 0], sizes = [64, 128], strides = [1, 1]} : vector<64x384xf32> to vector<64x128xf32>
    %slice3A_598 = vector.extract_strided_slice %squeeze3A_586 {offsets = [0, 128], sizes = [64, 128], strides = [1, 1]} : vector<64x384xf32> to vector<64x128xf32>
    %slice3A_599 = vector.extract_strided_slice %squeeze3A_586 {offsets = [0, 256], sizes = [64, 128], strides = [1, 1]} : vector<64x384xf32> to vector<64x128xf32>
    %slice3A_600 = vector.extract_strided_slice %add3A_596 {offsets = [0, 0], sizes = [64, 128], strides = [1, 1]} : vector<64x384xf32> to vector<64x128xf32>
    %slice3A_601 = vector.extract_strided_slice %add3A_596 {offsets = [0, 128], sizes = [64, 128], strides = [1, 1]} : vector<64x384xf32> to vector<64x128xf32>
    %slice3A_602 = vector.extract_strided_slice %add3A_596 {offsets = [0, 256], sizes = [64, 128], strides = [1, 1]} : vector<64x384xf32> to vector<64x128xf32>
    %add3A_603 = arith.addf %slice3A_597, %slice3A_600 : vector<64x128xf32>
    %logistic3A_604 = arith.negf %add3A_603 : vector<64x128xf32>
    %logistic3A_605 = math.exp %logistic3A_604 : vector<64x128xf32>
    %logistic3A_606 = arith.constant 1.000000e+00 : f32
    %logistic3A_607 = vector.broadcast %logistic3A_606 : f32 to vector<64x128xf32>
    %logistic3A_608 = arith.addf %logistic3A_607, %logistic3A_605 : vector<64x128xf32>
    %logistic3A_609 = arith.divf %logistic3A_607, %logistic3A_608 : vector<64x128xf32>
    %add3A_610 = arith.addf %slice3A_598, %slice3A_601 : vector<64x128xf32>
    %logistic3A_611 = arith.negf %add3A_610 : vector<64x128xf32>
    %logistic3A_612 = math.exp %logistic3A_611 : vector<64x128xf32>
    %logistic3A_613 = arith.constant 1.000000e+00 : f32
    %logistic3A_614 = vector.broadcast %logistic3A_613 : f32 to vector<64x128xf32>
    %logistic3A_615 = arith.addf %logistic3A_614, %logistic3A_612 : vector<64x128xf32>
    %logistic3A_616 = arith.divf %logistic3A_614, %logistic3A_615 : vector<64x128xf32>
    %mul3A_617 = arith.mulf %logistic3A_609, %slice3A_602 : vector<64x128xf32>
    %add3A_618 = arith.addf %slice3A_599, %mul3A_617 : vector<64x128xf32>
    %tanh3A_619 = math.tanh %add3A_618 : vector<64x128xf32>
    %sub3A_620 = arith.constant 1.000000e+00 : f32
    %sub3A_621 = vector.broadcast %sub3A_620 : f32 to vector<64x128xf32>
    %sub3A_622 = arith.subf %sub3A_621, %logistic3A_616 : vector<64x128xf32>
    %mul3A_623 = arith.mulf %sub3A_622, %tanh3A_619 : vector<64x128xf32>
    %mul3A_624 = arith.mulf %logistic3A_616, %add3A_583 : vector<64x128xf32>
    %add3A_625 = arith.addf %mul3A_623, %mul3A_624 : vector<64x128xf32>
    %add3A_626 = arith.addf %add3A_584, %add3A_625 : vector<64x128xf32>
    %slice3A_627 = vector.extract_strided_slice %reshape3A_37 {offsets = [14, 0, 0], sizes = [1, 64, 384], strides = [1, 1, 1]} : vector<32x64x384xf32> to vector<1x64x384xf32>
    %squeeze3A_628 = vector.shape_cast %slice3A_627 : vector<1x64x384xf32> to vector<64x384xf32>
    %get3A_629 = arith.constant 0 : index
    %get3A_630 = arith.constant 0 : index
    %get3A_631 = vector.load %arg9[%get3A_629, %get3A_630] : memref<128x384xf32, #tpu.memory_space<vmem>>, vector<128x384xf32>
    %dot_general3A_632 = arith.constant dense<0.000000e+00> : vector<64x384xf32>
    %dot_general3A_633 = tpu.matmul %add3A_625, %get3A_631, %dot_general3A_632 {dimension_numbers = #tpu.dot_dimension_numbers<[1], [0], [0], [1], [0, 0, 1, 1], [], []>, transpose_lhs_hint = false} : vector<64x128xf32>, vector<128x384xf32>, vector<64x384xf32> -> vector<64x384xf32>
    %get3A_634 = arith.constant 0 : index
    %get3A_635 = arith.constant 0 : index
    %get3A_636 = vector.load %arg10[%get3A_634, %get3A_635] : memref<1x384xf32, #tpu.memory_space<vmem>>, vector<1x384xf32>
    %add3A_637 = vector.broadcast %get3A_636 : vector<1x384xf32> to vector<64x384xf32>
    %add3A_638 = arith.addf %dot_general3A_633, %add3A_637 : vector<64x384xf32>
    %slice3A_639 = vector.extract_strided_slice %squeeze3A_628 {offsets = [0, 0], sizes = [64, 128], strides = [1, 1]} : vector<64x384xf32> to vector<64x128xf32>
    %slice3A_640 = vector.extract_strided_slice %squeeze3A_628 {offsets = [0, 128], sizes = [64, 128], strides = [1, 1]} : vector<64x384xf32> to vector<64x128xf32>
    %slice3A_641 = vector.extract_strided_slice %squeeze3A_628 {offsets = [0, 256], sizes = [64, 128], strides = [1, 1]} : vector<64x384xf32> to vector<64x128xf32>
    %slice3A_642 = vector.extract_strided_slice %add3A_638 {offsets = [0, 0], sizes = [64, 128], strides = [1, 1]} : vector<64x384xf32> to vector<64x128xf32>
    %slice3A_643 = vector.extract_strided_slice %add3A_638 {offsets = [0, 128], sizes = [64, 128], strides = [1, 1]} : vector<64x384xf32> to vector<64x128xf32>
    %slice3A_644 = vector.extract_strided_slice %add3A_638 {offsets = [0, 256], sizes = [64, 128], strides = [1, 1]} : vector<64x384xf32> to vector<64x128xf32>
    %add3A_645 = arith.addf %slice3A_639, %slice3A_642 : vector<64x128xf32>
    %logistic3A_646 = arith.negf %add3A_645 : vector<64x128xf32>
    %logistic3A_647 = math.exp %logistic3A_646 : vector<64x128xf32>
    %logistic3A_648 = arith.constant 1.000000e+00 : f32
    %logistic3A_649 = vector.broadcast %logistic3A_648 : f32 to vector<64x128xf32>
    %logistic3A_650 = arith.addf %logistic3A_649, %logistic3A_647 : vector<64x128xf32>
    %logistic3A_651 = arith.divf %logistic3A_649, %logistic3A_650 : vector<64x128xf32>
    %add3A_652 = arith.addf %slice3A_640, %slice3A_643 : vector<64x128xf32>
    %logistic3A_653 = arith.negf %add3A_652 : vector<64x128xf32>
    %logistic3A_654 = math.exp %logistic3A_653 : vector<64x128xf32>
    %logistic3A_655 = arith.constant 1.000000e+00 : f32
    %logistic3A_656 = vector.broadcast %logistic3A_655 : f32 to vector<64x128xf32>
    %logistic3A_657 = arith.addf %logistic3A_656, %logistic3A_654 : vector<64x128xf32>
    %logistic3A_658 = arith.divf %logistic3A_656, %logistic3A_657 : vector<64x128xf32>
    %mul3A_659 = arith.mulf %logistic3A_651, %slice3A_644 : vector<64x128xf32>
    %add3A_660 = arith.addf %slice3A_641, %mul3A_659 : vector<64x128xf32>
    %tanh3A_661 = math.tanh %add3A_660 : vector<64x128xf32>
    %sub3A_662 = arith.constant 1.000000e+00 : f32
    %sub3A_663 = vector.broadcast %sub3A_662 : f32 to vector<64x128xf32>
    %sub3A_664 = arith.subf %sub3A_663, %logistic3A_658 : vector<64x128xf32>
    %mul3A_665 = arith.mulf %sub3A_664, %tanh3A_661 : vector<64x128xf32>
    %mul3A_666 = arith.mulf %logistic3A_658, %add3A_625 : vector<64x128xf32>
    %add3A_667 = arith.addf %mul3A_665, %mul3A_666 : vector<64x128xf32>
    %add3A_668 = arith.addf %add3A_626, %add3A_667 : vector<64x128xf32>
    %slice3A_669 = vector.extract_strided_slice %reshape3A_37 {offsets = [15, 0, 0], sizes = [1, 64, 384], strides = [1, 1, 1]} : vector<32x64x384xf32> to vector<1x64x384xf32>
    %squeeze3A_670 = vector.shape_cast %slice3A_669 : vector<1x64x384xf32> to vector<64x384xf32>
    %get3A_671 = arith.constant 0 : index
    %get3A_672 = arith.constant 0 : index
    %get3A_673 = vector.load %arg9[%get3A_671, %get3A_672] : memref<128x384xf32, #tpu.memory_space<vmem>>, vector<128x384xf32>
    %dot_general3A_674 = arith.constant dense<0.000000e+00> : vector<64x384xf32>
    %dot_general3A_675 = tpu.matmul %add3A_667, %get3A_673, %dot_general3A_674 {dimension_numbers = #tpu.dot_dimension_numbers<[1], [0], [0], [1], [0, 0, 1, 1], [], []>, transpose_lhs_hint = false} : vector<64x128xf32>, vector<128x384xf32>, vector<64x384xf32> -> vector<64x384xf32>
    %get3A_676 = arith.constant 0 : index
    %get3A_677 = arith.constant 0 : index
    %get3A_678 = vector.load %arg10[%get3A_676, %get3A_677] : memref<1x384xf32, #tpu.memory_space<vmem>>, vector<1x384xf32>
    %add3A_679 = vector.broadcast %get3A_678 : vector<1x384xf32> to vector<64x384xf32>
    %add3A_680 = arith.addf %dot_general3A_675, %add3A_679 : vector<64x384xf32>
    %slice3A_681 = vector.extract_strided_slice %squeeze3A_670 {offsets = [0, 0], sizes = [64, 128], strides = [1, 1]} : vector<64x384xf32> to vector<64x128xf32>
    %slice3A_682 = vector.extract_strided_slice %squeeze3A_670 {offsets = [0, 128], sizes = [64, 128], strides = [1, 1]} : vector<64x384xf32> to vector<64x128xf32>
    %slice3A_683 = vector.extract_strided_slice %squeeze3A_670 {offsets = [0, 256], sizes = [64, 128], strides = [1, 1]} : vector<64x384xf32> to vector<64x128xf32>
    %slice3A_684 = vector.extract_strided_slice %add3A_680 {offsets = [0, 0], sizes = [64, 128], strides = [1, 1]} : vector<64x384xf32> to vector<64x128xf32>
    %slice3A_685 = vector.extract_strided_slice %add3A_680 {offsets = [0, 128], sizes = [64, 128], strides = [1, 1]} : vector<64x384xf32> to vector<64x128xf32>
    %slice3A_686 = vector.extract_strided_slice %add3A_680 {offsets = [0, 256], sizes = [64, 128], strides = [1, 1]} : vector<64x384xf32> to vector<64x128xf32>
    %add3A_687 = arith.addf %slice3A_681, %slice3A_684 : vector<64x128xf32>
    %logistic3A_688 = arith.negf %add3A_687 : vector<64x128xf32>
    %logistic3A_689 = math.exp %logistic3A_688 : vector<64x128xf32>
    %logistic3A_690 = arith.constant 1.000000e+00 : f32
    %logistic3A_691 = vector.broadcast %logistic3A_690 : f32 to vector<64x128xf32>
    %logistic3A_692 = arith.addf %logistic3A_691, %logistic3A_689 : vector<64x128xf32>
    %logistic3A_693 = arith.divf %logistic3A_691, %logistic3A_692 : vector<64x128xf32>
    %add3A_694 = arith.addf %slice3A_682, %slice3A_685 : vector<64x128xf32>
    %logistic3A_695 = arith.negf %add3A_694 : vector<64x128xf32>
    %logistic3A_696 = math.exp %logistic3A_695 : vector<64x128xf32>
    %logistic3A_697 = arith.constant 1.000000e+00 : f32
    %logistic3A_698 = vector.broadcast %logistic3A_697 : f32 to vector<64x128xf32>
    %logistic3A_699 = arith.addf %logistic3A_698, %logistic3A_696 : vector<64x128xf32>
    %logistic3A_700 = arith.divf %logistic3A_698, %logistic3A_699 : vector<64x128xf32>
    %mul3A_701 = arith.mulf %logistic3A_693, %slice3A_686 : vector<64x128xf32>
    %add3A_702 = arith.addf %slice3A_683, %mul3A_701 : vector<64x128xf32>
    %tanh3A_703 = math.tanh %add3A_702 : vector<64x128xf32>
    %sub3A_704 = arith.constant 1.000000e+00 : f32
    %sub3A_705 = vector.broadcast %sub3A_704 : f32 to vector<64x128xf32>
    %sub3A_706 = arith.subf %sub3A_705, %logistic3A_700 : vector<64x128xf32>
    %mul3A_707 = arith.mulf %sub3A_706, %tanh3A_703 : vector<64x128xf32>
    %mul3A_708 = arith.mulf %logistic3A_700, %add3A_667 : vector<64x128xf32>
    %add3A_709 = arith.addf %mul3A_707, %mul3A_708 : vector<64x128xf32>
    %add3A_710 = arith.addf %add3A_668, %add3A_709 : vector<64x128xf32>
    %slice3A_711 = vector.extract_strided_slice %reshape3A_37 {offsets = [16, 0, 0], sizes = [1, 64, 384], strides = [1, 1, 1]} : vector<32x64x384xf32> to vector<1x64x384xf32>
    %squeeze3A_712 = vector.shape_cast %slice3A_711 : vector<1x64x384xf32> to vector<64x384xf32>
    %get3A_713 = arith.constant 0 : index
    %get3A_714 = arith.constant 0 : index
    %get3A_715 = vector.load %arg9[%get3A_713, %get3A_714] : memref<128x384xf32, #tpu.memory_space<vmem>>, vector<128x384xf32>
    %dot_general3A_716 = arith.constant dense<0.000000e+00> : vector<64x384xf32>
    %dot_general3A_717 = tpu.matmul %add3A_709, %get3A_715, %dot_general3A_716 {dimension_numbers = #tpu.dot_dimension_numbers<[1], [0], [0], [1], [0, 0, 1, 1], [], []>, transpose_lhs_hint = false} : vector<64x128xf32>, vector<128x384xf32>, vector<64x384xf32> -> vector<64x384xf32>
    %get3A_718 = arith.constant 0 : index
    %get3A_719 = arith.constant 0 : index
    %get3A_720 = vector.load %arg10[%get3A_718, %get3A_719] : memref<1x384xf32, #tpu.memory_space<vmem>>, vector<1x384xf32>
    %add3A_721 = vector.broadcast %get3A_720 : vector<1x384xf32> to vector<64x384xf32>
    %add3A_722 = arith.addf %dot_general3A_717, %add3A_721 : vector<64x384xf32>
    %slice3A_723 = vector.extract_strided_slice %squeeze3A_712 {offsets = [0, 0], sizes = [64, 128], strides = [1, 1]} : vector<64x384xf32> to vector<64x128xf32>
    %slice3A_724 = vector.extract_strided_slice %squeeze3A_712 {offsets = [0, 128], sizes = [64, 128], strides = [1, 1]} : vector<64x384xf32> to vector<64x128xf32>
    %slice3A_725 = vector.extract_strided_slice %squeeze3A_712 {offsets = [0, 256], sizes = [64, 128], strides = [1, 1]} : vector<64x384xf32> to vector<64x128xf32>
    %slice3A_726 = vector.extract_strided_slice %add3A_722 {offsets = [0, 0], sizes = [64, 128], strides = [1, 1]} : vector<64x384xf32> to vector<64x128xf32>
    %slice3A_727 = vector.extract_strided_slice %add3A_722 {offsets = [0, 128], sizes = [64, 128], strides = [1, 1]} : vector<64x384xf32> to vector<64x128xf32>
    %slice3A_728 = vector.extract_strided_slice %add3A_722 {offsets = [0, 256], sizes = [64, 128], strides = [1, 1]} : vector<64x384xf32> to vector<64x128xf32>
    %add3A_729 = arith.addf %slice3A_723, %slice3A_726 : vector<64x128xf32>
    %logistic3A_730 = arith.negf %add3A_729 : vector<64x128xf32>
    %logistic3A_731 = math.exp %logistic3A_730 : vector<64x128xf32>
    %logistic3A_732 = arith.constant 1.000000e+00 : f32
    %logistic3A_733 = vector.broadcast %logistic3A_732 : f32 to vector<64x128xf32>
    %logistic3A_734 = arith.addf %logistic3A_733, %logistic3A_731 : vector<64x128xf32>
    %logistic3A_735 = arith.divf %logistic3A_733, %logistic3A_734 : vector<64x128xf32>
    %add3A_736 = arith.addf %slice3A_724, %slice3A_727 : vector<64x128xf32>
    %logistic3A_737 = arith.negf %add3A_736 : vector<64x128xf32>
    %logistic3A_738 = math.exp %logistic3A_737 : vector<64x128xf32>
    %logistic3A_739 = arith.constant 1.000000e+00 : f32
    %logistic3A_740 = vector.broadcast %logistic3A_739 : f32 to vector<64x128xf32>
    %logistic3A_741 = arith.addf %logistic3A_740, %logistic3A_738 : vector<64x128xf32>
    %logistic3A_742 = arith.divf %logistic3A_740, %logistic3A_741 : vector<64x128xf32>
    %mul3A_743 = arith.mulf %logistic3A_735, %slice3A_728 : vector<64x128xf32>
    %add3A_744 = arith.addf %slice3A_725, %mul3A_743 : vector<64x128xf32>
    %tanh3A_745 = math.tanh %add3A_744 : vector<64x128xf32>
    %sub3A_746 = arith.constant 1.000000e+00 : f32
    %sub3A_747 = vector.broadcast %sub3A_746 : f32 to vector<64x128xf32>
    %sub3A_748 = arith.subf %sub3A_747, %logistic3A_742 : vector<64x128xf32>
    %mul3A_749 = arith.mulf %sub3A_748, %tanh3A_745 : vector<64x128xf32>
    %mul3A_750 = arith.mulf %logistic3A_742, %add3A_709 : vector<64x128xf32>
    %add3A_751 = arith.addf %mul3A_749, %mul3A_750 : vector<64x128xf32>
    %add3A_752 = arith.addf %add3A_710, %add3A_751 : vector<64x128xf32>
    %slice3A_753 = vector.extract_strided_slice %reshape3A_37 {offsets = [17, 0, 0], sizes = [1, 64, 384], strides = [1, 1, 1]} : vector<32x64x384xf32> to vector<1x64x384xf32>
    %squeeze3A_754 = vector.shape_cast %slice3A_753 : vector<1x64x384xf32> to vector<64x384xf32>
    %get3A_755 = arith.constant 0 : index
    %get3A_756 = arith.constant 0 : index
    %get3A_757 = vector.load %arg9[%get3A_755, %get3A_756] : memref<128x384xf32, #tpu.memory_space<vmem>>, vector<128x384xf32>
    %dot_general3A_758 = arith.constant dense<0.000000e+00> : vector<64x384xf32>
    %dot_general3A_759 = tpu.matmul %add3A_751, %get3A_757, %dot_general3A_758 {dimension_numbers = #tpu.dot_dimension_numbers<[1], [0], [0], [1], [0, 0, 1, 1], [], []>, transpose_lhs_hint = false} : vector<64x128xf32>, vector<128x384xf32>, vector<64x384xf32> -> vector<64x384xf32>
    %get3A_760 = arith.constant 0 : index
    %get3A_761 = arith.constant 0 : index
    %get3A_762 = vector.load %arg10[%get3A_760, %get3A_761] : memref<1x384xf32, #tpu.memory_space<vmem>>, vector<1x384xf32>
    %add3A_763 = vector.broadcast %get3A_762 : vector<1x384xf32> to vector<64x384xf32>
    %add3A_764 = arith.addf %dot_general3A_759, %add3A_763 : vector<64x384xf32>
    %slice3A_765 = vector.extract_strided_slice %squeeze3A_754 {offsets = [0, 0], sizes = [64, 128], strides = [1, 1]} : vector<64x384xf32> to vector<64x128xf32>
    %slice3A_766 = vector.extract_strided_slice %squeeze3A_754 {offsets = [0, 128], sizes = [64, 128], strides = [1, 1]} : vector<64x384xf32> to vector<64x128xf32>
    %slice3A_767 = vector.extract_strided_slice %squeeze3A_754 {offsets = [0, 256], sizes = [64, 128], strides = [1, 1]} : vector<64x384xf32> to vector<64x128xf32>
    %slice3A_768 = vector.extract_strided_slice %add3A_764 {offsets = [0, 0], sizes = [64, 128], strides = [1, 1]} : vector<64x384xf32> to vector<64x128xf32>
    %slice3A_769 = vector.extract_strided_slice %add3A_764 {offsets = [0, 128], sizes = [64, 128], strides = [1, 1]} : vector<64x384xf32> to vector<64x128xf32>
    %slice3A_770 = vector.extract_strided_slice %add3A_764 {offsets = [0, 256], sizes = [64, 128], strides = [1, 1]} : vector<64x384xf32> to vector<64x128xf32>
    %add3A_771 = arith.addf %slice3A_765, %slice3A_768 : vector<64x128xf32>
    %logistic3A_772 = arith.negf %add3A_771 : vector<64x128xf32>
    %logistic3A_773 = math.exp %logistic3A_772 : vector<64x128xf32>
    %logistic3A_774 = arith.constant 1.000000e+00 : f32
    %logistic3A_775 = vector.broadcast %logistic3A_774 : f32 to vector<64x128xf32>
    %logistic3A_776 = arith.addf %logistic3A_775, %logistic3A_773 : vector<64x128xf32>
    %logistic3A_777 = arith.divf %logistic3A_775, %logistic3A_776 : vector<64x128xf32>
    %add3A_778 = arith.addf %slice3A_766, %slice3A_769 : vector<64x128xf32>
    %logistic3A_779 = arith.negf %add3A_778 : vector<64x128xf32>
    %logistic3A_780 = math.exp %logistic3A_779 : vector<64x128xf32>
    %logistic3A_781 = arith.constant 1.000000e+00 : f32
    %logistic3A_782 = vector.broadcast %logistic3A_781 : f32 to vector<64x128xf32>
    %logistic3A_783 = arith.addf %logistic3A_782, %logistic3A_780 : vector<64x128xf32>
    %logistic3A_784 = arith.divf %logistic3A_782, %logistic3A_783 : vector<64x128xf32>
    %mul3A_785 = arith.mulf %logistic3A_777, %slice3A_770 : vector<64x128xf32>
    %add3A_786 = arith.addf %slice3A_767, %mul3A_785 : vector<64x128xf32>
    %tanh3A_787 = math.tanh %add3A_786 : vector<64x128xf32>
    %sub3A_788 = arith.constant 1.000000e+00 : f32
    %sub3A_789 = vector.broadcast %sub3A_788 : f32 to vector<64x128xf32>
    %sub3A_790 = arith.subf %sub3A_789, %logistic3A_784 : vector<64x128xf32>
    %mul3A_791 = arith.mulf %sub3A_790, %tanh3A_787 : vector<64x128xf32>
    %mul3A_792 = arith.mulf %logistic3A_784, %add3A_751 : vector<64x128xf32>
    %add3A_793 = arith.addf %mul3A_791, %mul3A_792 : vector<64x128xf32>
    %add3A_794 = arith.addf %add3A_752, %add3A_793 : vector<64x128xf32>
    %slice3A_795 = vector.extract_strided_slice %reshape3A_37 {offsets = [18, 0, 0], sizes = [1, 64, 384], strides = [1, 1, 1]} : vector<32x64x384xf32> to vector<1x64x384xf32>
    %squeeze3A_796 = vector.shape_cast %slice3A_795 : vector<1x64x384xf32> to vector<64x384xf32>
    %get3A_797 = arith.constant 0 : index
    %get3A_798 = arith.constant 0 : index
    %get3A_799 = vector.load %arg9[%get3A_797, %get3A_798] : memref<128x384xf32, #tpu.memory_space<vmem>>, vector<128x384xf32>
    %dot_general3A_800 = arith.constant dense<0.000000e+00> : vector<64x384xf32>
    %dot_general3A_801 = tpu.matmul %add3A_793, %get3A_799, %dot_general3A_800 {dimension_numbers = #tpu.dot_dimension_numbers<[1], [0], [0], [1], [0, 0, 1, 1], [], []>, transpose_lhs_hint = false} : vector<64x128xf32>, vector<128x384xf32>, vector<64x384xf32> -> vector<64x384xf32>
    %get3A_802 = arith.constant 0 : index
    %get3A_803 = arith.constant 0 : index
    %get3A_804 = vector.load %arg10[%get3A_802, %get3A_803] : memref<1x384xf32, #tpu.memory_space<vmem>>, vector<1x384xf32>
    %add3A_805 = vector.broadcast %get3A_804 : vector<1x384xf32> to vector<64x384xf32>
    %add3A_806 = arith.addf %dot_general3A_801, %add3A_805 : vector<64x384xf32>
    %slice3A_807 = vector.extract_strided_slice %squeeze3A_796 {offsets = [0, 0], sizes = [64, 128], strides = [1, 1]} : vector<64x384xf32> to vector<64x128xf32>
    %slice3A_808 = vector.extract_strided_slice %squeeze3A_796 {offsets = [0, 128], sizes = [64, 128], strides = [1, 1]} : vector<64x384xf32> to vector<64x128xf32>
    %slice3A_809 = vector.extract_strided_slice %squeeze3A_796 {offsets = [0, 256], sizes = [64, 128], strides = [1, 1]} : vector<64x384xf32> to vector<64x128xf32>
    %slice3A_810 = vector.extract_strided_slice %add3A_806 {offsets = [0, 0], sizes = [64, 128], strides = [1, 1]} : vector<64x384xf32> to vector<64x128xf32>
    %slice3A_811 = vector.extract_strided_slice %add3A_806 {offsets = [0, 128], sizes = [64, 128], strides = [1, 1]} : vector<64x384xf32> to vector<64x128xf32>
    %slice3A_812 = vector.extract_strided_slice %add3A_806 {offsets = [0, 256], sizes = [64, 128], strides = [1, 1]} : vector<64x384xf32> to vector<64x128xf32>
    %add3A_813 = arith.addf %slice3A_807, %slice3A_810 : vector<64x128xf32>
    %logistic3A_814 = arith.negf %add3A_813 : vector<64x128xf32>
    %logistic3A_815 = math.exp %logistic3A_814 : vector<64x128xf32>
    %logistic3A_816 = arith.constant 1.000000e+00 : f32
    %logistic3A_817 = vector.broadcast %logistic3A_816 : f32 to vector<64x128xf32>
    %logistic3A_818 = arith.addf %logistic3A_817, %logistic3A_815 : vector<64x128xf32>
    %logistic3A_819 = arith.divf %logistic3A_817, %logistic3A_818 : vector<64x128xf32>
    %add3A_820 = arith.addf %slice3A_808, %slice3A_811 : vector<64x128xf32>
    %logistic3A_821 = arith.negf %add3A_820 : vector<64x128xf32>
    %logistic3A_822 = math.exp %logistic3A_821 : vector<64x128xf32>
    %logistic3A_823 = arith.constant 1.000000e+00 : f32
    %logistic3A_824 = vector.broadcast %logistic3A_823 : f32 to vector<64x128xf32>
    %logistic3A_825 = arith.addf %logistic3A_824, %logistic3A_822 : vector<64x128xf32>
    %logistic3A_826 = arith.divf %logistic3A_824, %logistic3A_825 : vector<64x128xf32>
    %mul3A_827 = arith.mulf %logistic3A_819, %slice3A_812 : vector<64x128xf32>
    %add3A_828 = arith.addf %slice3A_809, %mul3A_827 : vector<64x128xf32>
    %tanh3A_829 = math.tanh %add3A_828 : vector<64x128xf32>
    %sub3A_830 = arith.constant 1.000000e+00 : f32
    %sub3A_831 = vector.broadcast %sub3A_830 : f32 to vector<64x128xf32>
    %sub3A_832 = arith.subf %sub3A_831, %logistic3A_826 : vector<64x128xf32>
    %mul3A_833 = arith.mulf %sub3A_832, %tanh3A_829 : vector<64x128xf32>
    %mul3A_834 = arith.mulf %logistic3A_826, %add3A_793 : vector<64x128xf32>
    %add3A_835 = arith.addf %mul3A_833, %mul3A_834 : vector<64x128xf32>
    %add3A_836 = arith.addf %add3A_794, %add3A_835 : vector<64x128xf32>
    %slice3A_837 = vector.extract_strided_slice %reshape3A_37 {offsets = [19, 0, 0], sizes = [1, 64, 384], strides = [1, 1, 1]} : vector<32x64x384xf32> to vector<1x64x384xf32>
    %squeeze3A_838 = vector.shape_cast %slice3A_837 : vector<1x64x384xf32> to vector<64x384xf32>
    %get3A_839 = arith.constant 0 : index
    %get3A_840 = arith.constant 0 : index
    %get3A_841 = vector.load %arg9[%get3A_839, %get3A_840] : memref<128x384xf32, #tpu.memory_space<vmem>>, vector<128x384xf32>
    %dot_general3A_842 = arith.constant dense<0.000000e+00> : vector<64x384xf32>
    %dot_general3A_843 = tpu.matmul %add3A_835, %get3A_841, %dot_general3A_842 {dimension_numbers = #tpu.dot_dimension_numbers<[1], [0], [0], [1], [0, 0, 1, 1], [], []>, transpose_lhs_hint = false} : vector<64x128xf32>, vector<128x384xf32>, vector<64x384xf32> -> vector<64x384xf32>
    %get3A_844 = arith.constant 0 : index
    %get3A_845 = arith.constant 0 : index
    %get3A_846 = vector.load %arg10[%get3A_844, %get3A_845] : memref<1x384xf32, #tpu.memory_space<vmem>>, vector<1x384xf32>
    %add3A_847 = vector.broadcast %get3A_846 : vector<1x384xf32> to vector<64x384xf32>
    %add3A_848 = arith.addf %dot_general3A_843, %add3A_847 : vector<64x384xf32>
    %slice3A_849 = vector.extract_strided_slice %squeeze3A_838 {offsets = [0, 0], sizes = [64, 128], strides = [1, 1]} : vector<64x384xf32> to vector<64x128xf32>
    %slice3A_850 = vector.extract_strided_slice %squeeze3A_838 {offsets = [0, 128], sizes = [64, 128], strides = [1, 1]} : vector<64x384xf32> to vector<64x128xf32>
    %slice3A_851 = vector.extract_strided_slice %squeeze3A_838 {offsets = [0, 256], sizes = [64, 128], strides = [1, 1]} : vector<64x384xf32> to vector<64x128xf32>
    %slice3A_852 = vector.extract_strided_slice %add3A_848 {offsets = [0, 0], sizes = [64, 128], strides = [1, 1]} : vector<64x384xf32> to vector<64x128xf32>
    %slice3A_853 = vector.extract_strided_slice %add3A_848 {offsets = [0, 128], sizes = [64, 128], strides = [1, 1]} : vector<64x384xf32> to vector<64x128xf32>
    %slice3A_854 = vector.extract_strided_slice %add3A_848 {offsets = [0, 256], sizes = [64, 128], strides = [1, 1]} : vector<64x384xf32> to vector<64x128xf32>
    %add3A_855 = arith.addf %slice3A_849, %slice3A_852 : vector<64x128xf32>
    %logistic3A_856 = arith.negf %add3A_855 : vector<64x128xf32>
    %logistic3A_857 = math.exp %logistic3A_856 : vector<64x128xf32>
    %logistic3A_858 = arith.constant 1.000000e+00 : f32
    %logistic3A_859 = vector.broadcast %logistic3A_858 : f32 to vector<64x128xf32>
    %logistic3A_860 = arith.addf %logistic3A_859, %logistic3A_857 : vector<64x128xf32>
    %logistic3A_861 = arith.divf %logistic3A_859, %logistic3A_860 : vector<64x128xf32>
    %add3A_862 = arith.addf %slice3A_850, %slice3A_853 : vector<64x128xf32>
    %logistic3A_863 = arith.negf %add3A_862 : vector<64x128xf32>
    %logistic3A_864 = math.exp %logistic3A_863 : vector<64x128xf32>
    %logistic3A_865 = arith.constant 1.000000e+00 : f32
    %logistic3A_866 = vector.broadcast %logistic3A_865 : f32 to vector<64x128xf32>
    %logistic3A_867 = arith.addf %logistic3A_866, %logistic3A_864 : vector<64x128xf32>
    %logistic3A_868 = arith.divf %logistic3A_866, %logistic3A_867 : vector<64x128xf32>
    %mul3A_869 = arith.mulf %logistic3A_861, %slice3A_854 : vector<64x128xf32>
    %add3A_870 = arith.addf %slice3A_851, %mul3A_869 : vector<64x128xf32>
    %tanh3A_871 = math.tanh %add3A_870 : vector<64x128xf32>
    %sub3A_872 = arith.constant 1.000000e+00 : f32
    %sub3A_873 = vector.broadcast %sub3A_872 : f32 to vector<64x128xf32>
    %sub3A_874 = arith.subf %sub3A_873, %logistic3A_868 : vector<64x128xf32>
    %mul3A_875 = arith.mulf %sub3A_874, %tanh3A_871 : vector<64x128xf32>
    %mul3A_876 = arith.mulf %logistic3A_868, %add3A_835 : vector<64x128xf32>
    %add3A_877 = arith.addf %mul3A_875, %mul3A_876 : vector<64x128xf32>
    %add3A_878 = arith.addf %add3A_836, %add3A_877 : vector<64x128xf32>
    %slice3A_879 = vector.extract_strided_slice %reshape3A_37 {offsets = [20, 0, 0], sizes = [1, 64, 384], strides = [1, 1, 1]} : vector<32x64x384xf32> to vector<1x64x384xf32>
    %squeeze3A_880 = vector.shape_cast %slice3A_879 : vector<1x64x384xf32> to vector<64x384xf32>
    %get3A_881 = arith.constant 0 : index
    %get3A_882 = arith.constant 0 : index
    %get3A_883 = vector.load %arg9[%get3A_881, %get3A_882] : memref<128x384xf32, #tpu.memory_space<vmem>>, vector<128x384xf32>
    %dot_general3A_884 = arith.constant dense<0.000000e+00> : vector<64x384xf32>
    %dot_general3A_885 = tpu.matmul %add3A_877, %get3A_883, %dot_general3A_884 {dimension_numbers = #tpu.dot_dimension_numbers<[1], [0], [0], [1], [0, 0, 1, 1], [], []>, transpose_lhs_hint = false} : vector<64x128xf32>, vector<128x384xf32>, vector<64x384xf32> -> vector<64x384xf32>
    %get3A_886 = arith.constant 0 : index
    %get3A_887 = arith.constant 0 : index
    %get3A_888 = vector.load %arg10[%get3A_886, %get3A_887] : memref<1x384xf32, #tpu.memory_space<vmem>>, vector<1x384xf32>
    %add3A_889 = vector.broadcast %get3A_888 : vector<1x384xf32> to vector<64x384xf32>
    %add3A_890 = arith.addf %dot_general3A_885, %add3A_889 : vector<64x384xf32>
    %slice3A_891 = vector.extract_strided_slice %squeeze3A_880 {offsets = [0, 0], sizes = [64, 128], strides = [1, 1]} : vector<64x384xf32> to vector<64x128xf32>
    %slice3A_892 = vector.extract_strided_slice %squeeze3A_880 {offsets = [0, 128], sizes = [64, 128], strides = [1, 1]} : vector<64x384xf32> to vector<64x128xf32>
    %slice3A_893 = vector.extract_strided_slice %squeeze3A_880 {offsets = [0, 256], sizes = [64, 128], strides = [1, 1]} : vector<64x384xf32> to vector<64x128xf32>
    %slice3A_894 = vector.extract_strided_slice %add3A_890 {offsets = [0, 0], sizes = [64, 128], strides = [1, 1]} : vector<64x384xf32> to vector<64x128xf32>
    %slice3A_895 = vector.extract_strided_slice %add3A_890 {offsets = [0, 128], sizes = [64, 128], strides = [1, 1]} : vector<64x384xf32> to vector<64x128xf32>
    %slice3A_896 = vector.extract_strided_slice %add3A_890 {offsets = [0, 256], sizes = [64, 128], strides = [1, 1]} : vector<64x384xf32> to vector<64x128xf32>
    %add3A_897 = arith.addf %slice3A_891, %slice3A_894 : vector<64x128xf32>
    %logistic3A_898 = arith.negf %add3A_897 : vector<64x128xf32>
    %logistic3A_899 = math.exp %logistic3A_898 : vector<64x128xf32>
    %logistic3A_900 = arith.constant 1.000000e+00 : f32
    %logistic3A_901 = vector.broadcast %logistic3A_900 : f32 to vector<64x128xf32>
    %logistic3A_902 = arith.addf %logistic3A_901, %logistic3A_899 : vector<64x128xf32>
    %logistic3A_903 = arith.divf %logistic3A_901, %logistic3A_902 : vector<64x128xf32>
    %add3A_904 = arith.addf %slice3A_892, %slice3A_895 : vector<64x128xf32>
    %logistic3A_905 = arith.negf %add3A_904 : vector<64x128xf32>
    %logistic3A_906 = math.exp %logistic3A_905 : vector<64x128xf32>
    %logistic3A_907 = arith.constant 1.000000e+00 : f32
    %logistic3A_908 = vector.broadcast %logistic3A_907 : f32 to vector<64x128xf32>
    %logistic3A_909 = arith.addf %logistic3A_908, %logistic3A_906 : vector<64x128xf32>
    %logistic3A_910 = arith.divf %logistic3A_908, %logistic3A_909 : vector<64x128xf32>
    %mul3A_911 = arith.mulf %logistic3A_903, %slice3A_896 : vector<64x128xf32>
    %add3A_912 = arith.addf %slice3A_893, %mul3A_911 : vector<64x128xf32>
    %tanh3A_913 = math.tanh %add3A_912 : vector<64x128xf32>
    %sub3A_914 = arith.constant 1.000000e+00 : f32
    %sub3A_915 = vector.broadcast %sub3A_914 : f32 to vector<64x128xf32>
    %sub3A_916 = arith.subf %sub3A_915, %logistic3A_910 : vector<64x128xf32>
    %mul3A_917 = arith.mulf %sub3A_916, %tanh3A_913 : vector<64x128xf32>
    %mul3A_918 = arith.mulf %logistic3A_910, %add3A_877 : vector<64x128xf32>
    %add3A_919 = arith.addf %mul3A_917, %mul3A_918 : vector<64x128xf32>
    %add3A_920 = arith.addf %add3A_878, %add3A_919 : vector<64x128xf32>
    %slice3A_921 = vector.extract_strided_slice %reshape3A_37 {offsets = [21, 0, 0], sizes = [1, 64, 384], strides = [1, 1, 1]} : vector<32x64x384xf32> to vector<1x64x384xf32>
    %squeeze3A_922 = vector.shape_cast %slice3A_921 : vector<1x64x384xf32> to vector<64x384xf32>
    %get3A_923 = arith.constant 0 : index
    %get3A_924 = arith.constant 0 : index
    %get3A_925 = vector.load %arg9[%get3A_923, %get3A_924] : memref<128x384xf32, #tpu.memory_space<vmem>>, vector<128x384xf32>
    %dot_general3A_926 = arith.constant dense<0.000000e+00> : vector<64x384xf32>
    %dot_general3A_927 = tpu.matmul %add3A_919, %get3A_925, %dot_general3A_926 {dimension_numbers = #tpu.dot_dimension_numbers<[1], [0], [0], [1], [0, 0, 1, 1], [], []>, transpose_lhs_hint = false} : vector<64x128xf32>, vector<128x384xf32>, vector<64x384xf32> -> vector<64x384xf32>
    %get3A_928 = arith.constant 0 : index
    %get3A_929 = arith.constant 0 : index
    %get3A_930 = vector.load %arg10[%get3A_928, %get3A_929] : memref<1x384xf32, #tpu.memory_space<vmem>>, vector<1x384xf32>
    %add3A_931 = vector.broadcast %get3A_930 : vector<1x384xf32> to vector<64x384xf32>
    %add3A_932 = arith.addf %dot_general3A_927, %add3A_931 : vector<64x384xf32>
    %slice3A_933 = vector.extract_strided_slice %squeeze3A_922 {offsets = [0, 0], sizes = [64, 128], strides = [1, 1]} : vector<64x384xf32> to vector<64x128xf32>
    %slice3A_934 = vector.extract_strided_slice %squeeze3A_922 {offsets = [0, 128], sizes = [64, 128], strides = [1, 1]} : vector<64x384xf32> to vector<64x128xf32>
    %slice3A_935 = vector.extract_strided_slice %squeeze3A_922 {offsets = [0, 256], sizes = [64, 128], strides = [1, 1]} : vector<64x384xf32> to vector<64x128xf32>
    %slice3A_936 = vector.extract_strided_slice %add3A_932 {offsets = [0, 0], sizes = [64, 128], strides = [1, 1]} : vector<64x384xf32> to vector<64x128xf32>
    %slice3A_937 = vector.extract_strided_slice %add3A_932 {offsets = [0, 128], sizes = [64, 128], strides = [1, 1]} : vector<64x384xf32> to vector<64x128xf32>
    %slice3A_938 = vector.extract_strided_slice %add3A_932 {offsets = [0, 256], sizes = [64, 128], strides = [1, 1]} : vector<64x384xf32> to vector<64x128xf32>
    %add3A_939 = arith.addf %slice3A_933, %slice3A_936 : vector<64x128xf32>
    %logistic3A_940 = arith.negf %add3A_939 : vector<64x128xf32>
    %logistic3A_941 = math.exp %logistic3A_940 : vector<64x128xf32>
    %logistic3A_942 = arith.constant 1.000000e+00 : f32
    %logistic3A_943 = vector.broadcast %logistic3A_942 : f32 to vector<64x128xf32>
    %logistic3A_944 = arith.addf %logistic3A_943, %logistic3A_941 : vector<64x128xf32>
    %logistic3A_945 = arith.divf %logistic3A_943, %logistic3A_944 : vector<64x128xf32>
    %add3A_946 = arith.addf %slice3A_934, %slice3A_937 : vector<64x128xf32>
    %logistic3A_947 = arith.negf %add3A_946 : vector<64x128xf32>
    %logistic3A_948 = math.exp %logistic3A_947 : vector<64x128xf32>
    %logistic3A_949 = arith.constant 1.000000e+00 : f32
    %logistic3A_950 = vector.broadcast %logistic3A_949 : f32 to vector<64x128xf32>
    %logistic3A_951 = arith.addf %logistic3A_950, %logistic3A_948 : vector<64x128xf32>
    %logistic3A_952 = arith.divf %logistic3A_950, %logistic3A_951 : vector<64x128xf32>
    %mul3A_953 = arith.mulf %logistic3A_945, %slice3A_938 : vector<64x128xf32>
    %add3A_954 = arith.addf %slice3A_935, %mul3A_953 : vector<64x128xf32>
    %tanh3A_955 = math.tanh %add3A_954 : vector<64x128xf32>
    %sub3A_956 = arith.constant 1.000000e+00 : f32
    %sub3A_957 = vector.broadcast %sub3A_956 : f32 to vector<64x128xf32>
    %sub3A_958 = arith.subf %sub3A_957, %logistic3A_952 : vector<64x128xf32>
    %mul3A_959 = arith.mulf %sub3A_958, %tanh3A_955 : vector<64x128xf32>
    %mul3A_960 = arith.mulf %logistic3A_952, %add3A_919 : vector<64x128xf32>
    %add3A_961 = arith.addf %mul3A_959, %mul3A_960 : vector<64x128xf32>
    %add3A_962 = arith.addf %add3A_920, %add3A_961 : vector<64x128xf32>
    %slice3A_963 = vector.extract_strided_slice %reshape3A_37 {offsets = [22, 0, 0], sizes = [1, 64, 384], strides = [1, 1, 1]} : vector<32x64x384xf32> to vector<1x64x384xf32>
    %squeeze3A_964 = vector.shape_cast %slice3A_963 : vector<1x64x384xf32> to vector<64x384xf32>
    %get3A_965 = arith.constant 0 : index
    %get3A_966 = arith.constant 0 : index
    %get3A_967 = vector.load %arg9[%get3A_965, %get3A_966] : memref<128x384xf32, #tpu.memory_space<vmem>>, vector<128x384xf32>
    %dot_general3A_968 = arith.constant dense<0.000000e+00> : vector<64x384xf32>
    %dot_general3A_969 = tpu.matmul %add3A_961, %get3A_967, %dot_general3A_968 {dimension_numbers = #tpu.dot_dimension_numbers<[1], [0], [0], [1], [0, 0, 1, 1], [], []>, transpose_lhs_hint = false} : vector<64x128xf32>, vector<128x384xf32>, vector<64x384xf32> -> vector<64x384xf32>
    %get3A_970 = arith.constant 0 : index
    %get3A_971 = arith.constant 0 : index
    %get3A_972 = vector.load %arg10[%get3A_970, %get3A_971] : memref<1x384xf32, #tpu.memory_space<vmem>>, vector<1x384xf32>
    %add3A_973 = vector.broadcast %get3A_972 : vector<1x384xf32> to vector<64x384xf32>
    %add3A_974 = arith.addf %dot_general3A_969, %add3A_973 : vector<64x384xf32>
    %slice3A_975 = vector.extract_strided_slice %squeeze3A_964 {offsets = [0, 0], sizes = [64, 128], strides = [1, 1]} : vector<64x384xf32> to vector<64x128xf32>
    %slice3A_976 = vector.extract_strided_slice %squeeze3A_964 {offsets = [0, 128], sizes = [64, 128], strides = [1, 1]} : vector<64x384xf32> to vector<64x128xf32>
    %slice3A_977 = vector.extract_strided_slice %squeeze3A_964 {offsets = [0, 256], sizes = [64, 128], strides = [1, 1]} : vector<64x384xf32> to vector<64x128xf32>
    %slice3A_978 = vector.extract_strided_slice %add3A_974 {offsets = [0, 0], sizes = [64, 128], strides = [1, 1]} : vector<64x384xf32> to vector<64x128xf32>
    %slice3A_979 = vector.extract_strided_slice %add3A_974 {offsets = [0, 128], sizes = [64, 128], strides = [1, 1]} : vector<64x384xf32> to vector<64x128xf32>
    %slice3A_980 = vector.extract_strided_slice %add3A_974 {offsets = [0, 256], sizes = [64, 128], strides = [1, 1]} : vector<64x384xf32> to vector<64x128xf32>
    %add3A_981 = arith.addf %slice3A_975, %slice3A_978 : vector<64x128xf32>
    %logistic3A_982 = arith.negf %add3A_981 : vector<64x128xf32>
    %logistic3A_983 = math.exp %logistic3A_982 : vector<64x128xf32>
    %logistic3A_984 = arith.constant 1.000000e+00 : f32
    %logistic3A_985 = vector.broadcast %logistic3A_984 : f32 to vector<64x128xf32>
    %logistic3A_986 = arith.addf %logistic3A_985, %logistic3A_983 : vector<64x128xf32>
    %logistic3A_987 = arith.divf %logistic3A_985, %logistic3A_986 : vector<64x128xf32>
    %add3A_988 = arith.addf %slice3A_976, %slice3A_979 : vector<64x128xf32>
    %logistic3A_989 = arith.negf %add3A_988 : vector<64x128xf32>
    %logistic3A_990 = math.exp %logistic3A_989 : vector<64x128xf32>
    %logistic3A_991 = arith.constant 1.000000e+00 : f32
    %logistic3A_992 = vector.broadcast %logistic3A_991 : f32 to vector<64x128xf32>
    %logistic3A_993 = arith.addf %logistic3A_992, %logistic3A_990 : vector<64x128xf32>
    %logistic3A_994 = arith.divf %logistic3A_992, %logistic3A_993 : vector<64x128xf32>
    %mul3A_995 = arith.mulf %logistic3A_987, %slice3A_980 : vector<64x128xf32>
    %add3A_996 = arith.addf %slice3A_977, %mul3A_995 : vector<64x128xf32>
    %tanh3A_997 = math.tanh %add3A_996 : vector<64x128xf32>
    %sub3A_998 = arith.constant 1.000000e+00 : f32
    %sub3A_999 = vector.broadcast %sub3A_998 : f32 to vector<64x128xf32>
    %sub3A_1000 = arith.subf %sub3A_999, %logistic3A_994 : vector<64x128xf32>
    %mul3A_1001 = arith.mulf %sub3A_1000, %tanh3A_997 : vector<64x128xf32>
    %mul3A_1002 = arith.mulf %logistic3A_994, %add3A_961 : vector<64x128xf32>
    %add3A_1003 = arith.addf %mul3A_1001, %mul3A_1002 : vector<64x128xf32>
    %add3A_1004 = arith.addf %add3A_962, %add3A_1003 : vector<64x128xf32>
    %slice3A_1005 = vector.extract_strided_slice %reshape3A_37 {offsets = [23, 0, 0], sizes = [1, 64, 384], strides = [1, 1, 1]} : vector<32x64x384xf32> to vector<1x64x384xf32>
    %squeeze3A_1006 = vector.shape_cast %slice3A_1005 : vector<1x64x384xf32> to vector<64x384xf32>
    %get3A_1007 = arith.constant 0 : index
    %get3A_1008 = arith.constant 0 : index
    %get3A_1009 = vector.load %arg9[%get3A_1007, %get3A_1008] : memref<128x384xf32, #tpu.memory_space<vmem>>, vector<128x384xf32>
    %dot_general3A_1010 = arith.constant dense<0.000000e+00> : vector<64x384xf32>
    %dot_general3A_1011 = tpu.matmul %add3A_1003, %get3A_1009, %dot_general3A_1010 {dimension_numbers = #tpu.dot_dimension_numbers<[1], [0], [0], [1], [0, 0, 1, 1], [], []>, transpose_lhs_hint = false} : vector<64x128xf32>, vector<128x384xf32>, vector<64x384xf32> -> vector<64x384xf32>
    %get3A_1012 = arith.constant 0 : index
    %get3A_1013 = arith.constant 0 : index
    %get3A_1014 = vector.load %arg10[%get3A_1012, %get3A_1013] : memref<1x384xf32, #tpu.memory_space<vmem>>, vector<1x384xf32>
    %add3A_1015 = vector.broadcast %get3A_1014 : vector<1x384xf32> to vector<64x384xf32>
    %add3A_1016 = arith.addf %dot_general3A_1011, %add3A_1015 : vector<64x384xf32>
    %slice3A_1017 = vector.extract_strided_slice %squeeze3A_1006 {offsets = [0, 0], sizes = [64, 128], strides = [1, 1]} : vector<64x384xf32> to vector<64x128xf32>
    %slice3A_1018 = vector.extract_strided_slice %squeeze3A_1006 {offsets = [0, 128], sizes = [64, 128], strides = [1, 1]} : vector<64x384xf32> to vector<64x128xf32>
    %slice3A_1019 = vector.extract_strided_slice %squeeze3A_1006 {offsets = [0, 256], sizes = [64, 128], strides = [1, 1]} : vector<64x384xf32> to vector<64x128xf32>
    %slice3A_1020 = vector.extract_strided_slice %add3A_1016 {offsets = [0, 0], sizes = [64, 128], strides = [1, 1]} : vector<64x384xf32> to vector<64x128xf32>
    %slice3A_1021 = vector.extract_strided_slice %add3A_1016 {offsets = [0, 128], sizes = [64, 128], strides = [1, 1]} : vector<64x384xf32> to vector<64x128xf32>
    %slice3A_1022 = vector.extract_strided_slice %add3A_1016 {offsets = [0, 256], sizes = [64, 128], strides = [1, 1]} : vector<64x384xf32> to vector<64x128xf32>
    %add3A_1023 = arith.addf %slice3A_1017, %slice3A_1020 : vector<64x128xf32>
    %logistic3A_1024 = arith.negf %add3A_1023 : vector<64x128xf32>
    %logistic3A_1025 = math.exp %logistic3A_1024 : vector<64x128xf32>
    %logistic3A_1026 = arith.constant 1.000000e+00 : f32
    %logistic3A_1027 = vector.broadcast %logistic3A_1026 : f32 to vector<64x128xf32>
    %logistic3A_1028 = arith.addf %logistic3A_1027, %logistic3A_1025 : vector<64x128xf32>
    %logistic3A_1029 = arith.divf %logistic3A_1027, %logistic3A_1028 : vector<64x128xf32>
    %add3A_1030 = arith.addf %slice3A_1018, %slice3A_1021 : vector<64x128xf32>
    %logistic3A_1031 = arith.negf %add3A_1030 : vector<64x128xf32>
    %logistic3A_1032 = math.exp %logistic3A_1031 : vector<64x128xf32>
    %logistic3A_1033 = arith.constant 1.000000e+00 : f32
    %logistic3A_1034 = vector.broadcast %logistic3A_1033 : f32 to vector<64x128xf32>
    %logistic3A_1035 = arith.addf %logistic3A_1034, %logistic3A_1032 : vector<64x128xf32>
    %logistic3A_1036 = arith.divf %logistic3A_1034, %logistic3A_1035 : vector<64x128xf32>
    %mul3A_1037 = arith.mulf %logistic3A_1029, %slice3A_1022 : vector<64x128xf32>
    %add3A_1038 = arith.addf %slice3A_1019, %mul3A_1037 : vector<64x128xf32>
    %tanh3A_1039 = math.tanh %add3A_1038 : vector<64x128xf32>
    %sub3A_1040 = arith.constant 1.000000e+00 : f32
    %sub3A_1041 = vector.broadcast %sub3A_1040 : f32 to vector<64x128xf32>
    %sub3A_1042 = arith.subf %sub3A_1041, %logistic3A_1036 : vector<64x128xf32>
    %mul3A_1043 = arith.mulf %sub3A_1042, %tanh3A_1039 : vector<64x128xf32>
    %mul3A_1044 = arith.mulf %logistic3A_1036, %add3A_1003 : vector<64x128xf32>
    %add3A_1045 = arith.addf %mul3A_1043, %mul3A_1044 : vector<64x128xf32>
    %add3A_1046 = arith.addf %add3A_1004, %add3A_1045 : vector<64x128xf32>
    %slice3A_1047 = vector.extract_strided_slice %reshape3A_37 {offsets = [24, 0, 0], sizes = [1, 64, 384], strides = [1, 1, 1]} : vector<32x64x384xf32> to vector<1x64x384xf32>
    %squeeze3A_1048 = vector.shape_cast %slice3A_1047 : vector<1x64x384xf32> to vector<64x384xf32>
    %get3A_1049 = arith.constant 0 : index
    %get3A_1050 = arith.constant 0 : index
    %get3A_1051 = vector.load %arg9[%get3A_1049, %get3A_1050] : memref<128x384xf32, #tpu.memory_space<vmem>>, vector<128x384xf32>
    %dot_general3A_1052 = arith.constant dense<0.000000e+00> : vector<64x384xf32>
    %dot_general3A_1053 = tpu.matmul %add3A_1045, %get3A_1051, %dot_general3A_1052 {dimension_numbers = #tpu.dot_dimension_numbers<[1], [0], [0], [1], [0, 0, 1, 1], [], []>, transpose_lhs_hint = false} : vector<64x128xf32>, vector<128x384xf32>, vector<64x384xf32> -> vector<64x384xf32>
    %get3A_1054 = arith.constant 0 : index
    %get3A_1055 = arith.constant 0 : index
    %get3A_1056 = vector.load %arg10[%get3A_1054, %get3A_1055] : memref<1x384xf32, #tpu.memory_space<vmem>>, vector<1x384xf32>
    %add3A_1057 = vector.broadcast %get3A_1056 : vector<1x384xf32> to vector<64x384xf32>
    %add3A_1058 = arith.addf %dot_general3A_1053, %add3A_1057 : vector<64x384xf32>
    %slice3A_1059 = vector.extract_strided_slice %squeeze3A_1048 {offsets = [0, 0], sizes = [64, 128], strides = [1, 1]} : vector<64x384xf32> to vector<64x128xf32>
    %slice3A_1060 = vector.extract_strided_slice %squeeze3A_1048 {offsets = [0, 128], sizes = [64, 128], strides = [1, 1]} : vector<64x384xf32> to vector<64x128xf32>
    %slice3A_1061 = vector.extract_strided_slice %squeeze3A_1048 {offsets = [0, 256], sizes = [64, 128], strides = [1, 1]} : vector<64x384xf32> to vector<64x128xf32>
    %slice3A_1062 = vector.extract_strided_slice %add3A_1058 {offsets = [0, 0], sizes = [64, 128], strides = [1, 1]} : vector<64x384xf32> to vector<64x128xf32>
    %slice3A_1063 = vector.extract_strided_slice %add3A_1058 {offsets = [0, 128], sizes = [64, 128], strides = [1, 1]} : vector<64x384xf32> to vector<64x128xf32>
    %slice3A_1064 = vector.extract_strided_slice %add3A_1058 {offsets = [0, 256], sizes = [64, 128], strides = [1, 1]} : vector<64x384xf32> to vector<64x128xf32>
    %add3A_1065 = arith.addf %slice3A_1059, %slice3A_1062 : vector<64x128xf32>
    %logistic3A_1066 = arith.negf %add3A_1065 : vector<64x128xf32>
    %logistic3A_1067 = math.exp %logistic3A_1066 : vector<64x128xf32>
    %logistic3A_1068 = arith.constant 1.000000e+00 : f32
    %logistic3A_1069 = vector.broadcast %logistic3A_1068 : f32 to vector<64x128xf32>
    %logistic3A_1070 = arith.addf %logistic3A_1069, %logistic3A_1067 : vector<64x128xf32>
    %logistic3A_1071 = arith.divf %logistic3A_1069, %logistic3A_1070 : vector<64x128xf32>
    %add3A_1072 = arith.addf %slice3A_1060, %slice3A_1063 : vector<64x128xf32>
    %logistic3A_1073 = arith.negf %add3A_1072 : vector<64x128xf32>
    %logistic3A_1074 = math.exp %logistic3A_1073 : vector<64x128xf32>
    %logistic3A_1075 = arith.constant 1.000000e+00 : f32
    %logistic3A_1076 = vector.broadcast %logistic3A_1075 : f32 to vector<64x128xf32>
    %logistic3A_1077 = arith.addf %logistic3A_1076, %logistic3A_1074 : vector<64x128xf32>
    %logistic3A_1078 = arith.divf %logistic3A_1076, %logistic3A_1077 : vector<64x128xf32>
    %mul3A_1079 = arith.mulf %logistic3A_1071, %slice3A_1064 : vector<64x128xf32>
    %add3A_1080 = arith.addf %slice3A_1061, %mul3A_1079 : vector<64x128xf32>
    %tanh3A_1081 = math.tanh %add3A_1080 : vector<64x128xf32>
    %sub3A_1082 = arith.constant 1.000000e+00 : f32
    %sub3A_1083 = vector.broadcast %sub3A_1082 : f32 to vector<64x128xf32>
    %sub3A_1084 = arith.subf %sub3A_1083, %logistic3A_1078 : vector<64x128xf32>
    %mul3A_1085 = arith.mulf %sub3A_1084, %tanh3A_1081 : vector<64x128xf32>
    %mul3A_1086 = arith.mulf %logistic3A_1078, %add3A_1045 : vector<64x128xf32>
    %add3A_1087 = arith.addf %mul3A_1085, %mul3A_1086 : vector<64x128xf32>
    %add3A_1088 = arith.addf %add3A_1046, %add3A_1087 : vector<64x128xf32>
    %slice3A_1089 = vector.extract_strided_slice %reshape3A_37 {offsets = [25, 0, 0], sizes = [1, 64, 384], strides = [1, 1, 1]} : vector<32x64x384xf32> to vector<1x64x384xf32>
    %squeeze3A_1090 = vector.shape_cast %slice3A_1089 : vector<1x64x384xf32> to vector<64x384xf32>
    %get3A_1091 = arith.constant 0 : index
    %get3A_1092 = arith.constant 0 : index
    %get3A_1093 = vector.load %arg9[%get3A_1091, %get3A_1092] : memref<128x384xf32, #tpu.memory_space<vmem>>, vector<128x384xf32>
    %dot_general3A_1094 = arith.constant dense<0.000000e+00> : vector<64x384xf32>
    %dot_general3A_1095 = tpu.matmul %add3A_1087, %get3A_1093, %dot_general3A_1094 {dimension_numbers = #tpu.dot_dimension_numbers<[1], [0], [0], [1], [0, 0, 1, 1], [], []>, transpose_lhs_hint = false} : vector<64x128xf32>, vector<128x384xf32>, vector<64x384xf32> -> vector<64x384xf32>
    %get3A_1096 = arith.constant 0 : index
    %get3A_1097 = arith.constant 0 : index
    %get3A_1098 = vector.load %arg10[%get3A_1096, %get3A_1097] : memref<1x384xf32, #tpu.memory_space<vmem>>, vector<1x384xf32>
    %add3A_1099 = vector.broadcast %get3A_1098 : vector<1x384xf32> to vector<64x384xf32>
    %add3A_1100 = arith.addf %dot_general3A_1095, %add3A_1099 : vector<64x384xf32>
    %slice3A_1101 = vector.extract_strided_slice %squeeze3A_1090 {offsets = [0, 0], sizes = [64, 128], strides = [1, 1]} : vector<64x384xf32> to vector<64x128xf32>
    %slice3A_1102 = vector.extract_strided_slice %squeeze3A_1090 {offsets = [0, 128], sizes = [64, 128], strides = [1, 1]} : vector<64x384xf32> to vector<64x128xf32>
    %slice3A_1103 = vector.extract_strided_slice %squeeze3A_1090 {offsets = [0, 256], sizes = [64, 128], strides = [1, 1]} : vector<64x384xf32> to vector<64x128xf32>
    %slice3A_1104 = vector.extract_strided_slice %add3A_1100 {offsets = [0, 0], sizes = [64, 128], strides = [1, 1]} : vector<64x384xf32> to vector<64x128xf32>
    %slice3A_1105 = vector.extract_strided_slice %add3A_1100 {offsets = [0, 128], sizes = [64, 128], strides = [1, 1]} : vector<64x384xf32> to vector<64x128xf32>
    %slice3A_1106 = vector.extract_strided_slice %add3A_1100 {offsets = [0, 256], sizes = [64, 128], strides = [1, 1]} : vector<64x384xf32> to vector<64x128xf32>
    %add3A_1107 = arith.addf %slice3A_1101, %slice3A_1104 : vector<64x128xf32>
    %logistic3A_1108 = arith.negf %add3A_1107 : vector<64x128xf32>
    %logistic3A_1109 = math.exp %logistic3A_1108 : vector<64x128xf32>
    %logistic3A_1110 = arith.constant 1.000000e+00 : f32
    %logistic3A_1111 = vector.broadcast %logistic3A_1110 : f32 to vector<64x128xf32>
    %logistic3A_1112 = arith.addf %logistic3A_1111, %logistic3A_1109 : vector<64x128xf32>
    %logistic3A_1113 = arith.divf %logistic3A_1111, %logistic3A_1112 : vector<64x128xf32>
    %add3A_1114 = arith.addf %slice3A_1102, %slice3A_1105 : vector<64x128xf32>
    %logistic3A_1115 = arith.negf %add3A_1114 : vector<64x128xf32>
    %logistic3A_1116 = math.exp %logistic3A_1115 : vector<64x128xf32>
    %logistic3A_1117 = arith.constant 1.000000e+00 : f32
    %logistic3A_1118 = vector.broadcast %logistic3A_1117 : f32 to vector<64x128xf32>
    %logistic3A_1119 = arith.addf %logistic3A_1118, %logistic3A_1116 : vector<64x128xf32>
    %logistic3A_1120 = arith.divf %logistic3A_1118, %logistic3A_1119 : vector<64x128xf32>
    %mul3A_1121 = arith.mulf %logistic3A_1113, %slice3A_1106 : vector<64x128xf32>
    %add3A_1122 = arith.addf %slice3A_1103, %mul3A_1121 : vector<64x128xf32>
    %tanh3A_1123 = math.tanh %add3A_1122 : vector<64x128xf32>
    %sub3A_1124 = arith.constant 1.000000e+00 : f32
    %sub3A_1125 = vector.broadcast %sub3A_1124 : f32 to vector<64x128xf32>
    %sub3A_1126 = arith.subf %sub3A_1125, %logistic3A_1120 : vector<64x128xf32>
    %mul3A_1127 = arith.mulf %sub3A_1126, %tanh3A_1123 : vector<64x128xf32>
    %mul3A_1128 = arith.mulf %logistic3A_1120, %add3A_1087 : vector<64x128xf32>
    %add3A_1129 = arith.addf %mul3A_1127, %mul3A_1128 : vector<64x128xf32>
    %add3A_1130 = arith.addf %add3A_1088, %add3A_1129 : vector<64x128xf32>
    %slice3A_1131 = vector.extract_strided_slice %reshape3A_37 {offsets = [26, 0, 0], sizes = [1, 64, 384], strides = [1, 1, 1]} : vector<32x64x384xf32> to vector<1x64x384xf32>
    %squeeze3A_1132 = vector.shape_cast %slice3A_1131 : vector<1x64x384xf32> to vector<64x384xf32>
    %get3A_1133 = arith.constant 0 : index
    %get3A_1134 = arith.constant 0 : index
    %get3A_1135 = vector.load %arg9[%get3A_1133, %get3A_1134] : memref<128x384xf32, #tpu.memory_space<vmem>>, vector<128x384xf32>
    %dot_general3A_1136 = arith.constant dense<0.000000e+00> : vector<64x384xf32>
    %dot_general3A_1137 = tpu.matmul %add3A_1129, %get3A_1135, %dot_general3A_1136 {dimension_numbers = #tpu.dot_dimension_numbers<[1], [0], [0], [1], [0, 0, 1, 1], [], []>, transpose_lhs_hint = false} : vector<64x128xf32>, vector<128x384xf32>, vector<64x384xf32> -> vector<64x384xf32>
    %get3A_1138 = arith.constant 0 : index
    %get3A_1139 = arith.constant 0 : index
    %get3A_1140 = vector.load %arg10[%get3A_1138, %get3A_1139] : memref<1x384xf32, #tpu.memory_space<vmem>>, vector<1x384xf32>
    %add3A_1141 = vector.broadcast %get3A_1140 : vector<1x384xf32> to vector<64x384xf32>
    %add3A_1142 = arith.addf %dot_general3A_1137, %add3A_1141 : vector<64x384xf32>
    %slice3A_1143 = vector.extract_strided_slice %squeeze3A_1132 {offsets = [0, 0], sizes = [64, 128], strides = [1, 1]} : vector<64x384xf32> to vector<64x128xf32>
    %slice3A_1144 = vector.extract_strided_slice %squeeze3A_1132 {offsets = [0, 128], sizes = [64, 128], strides = [1, 1]} : vector<64x384xf32> to vector<64x128xf32>
    %slice3A_1145 = vector.extract_strided_slice %squeeze3A_1132 {offsets = [0, 256], sizes = [64, 128], strides = [1, 1]} : vector<64x384xf32> to vector<64x128xf32>
    %slice3A_1146 = vector.extract_strided_slice %add3A_1142 {offsets = [0, 0], sizes = [64, 128], strides = [1, 1]} : vector<64x384xf32> to vector<64x128xf32>
    %slice3A_1147 = vector.extract_strided_slice %add3A_1142 {offsets = [0, 128], sizes = [64, 128], strides = [1, 1]} : vector<64x384xf32> to vector<64x128xf32>
    %slice3A_1148 = vector.extract_strided_slice %add3A_1142 {offsets = [0, 256], sizes = [64, 128], strides = [1, 1]} : vector<64x384xf32> to vector<64x128xf32>
    %add3A_1149 = arith.addf %slice3A_1143, %slice3A_1146 : vector<64x128xf32>
    %logistic3A_1150 = arith.negf %add3A_1149 : vector<64x128xf32>
    %logistic3A_1151 = math.exp %logistic3A_1150 : vector<64x128xf32>
    %logistic3A_1152 = arith.constant 1.000000e+00 : f32
    %logistic3A_1153 = vector.broadcast %logistic3A_1152 : f32 to vector<64x128xf32>
    %logistic3A_1154 = arith.addf %logistic3A_1153, %logistic3A_1151 : vector<64x128xf32>
    %logistic3A_1155 = arith.divf %logistic3A_1153, %logistic3A_1154 : vector<64x128xf32>
    %add3A_1156 = arith.addf %slice3A_1144, %slice3A_1147 : vector<64x128xf32>
    %logistic3A_1157 = arith.negf %add3A_1156 : vector<64x128xf32>
    %logistic3A_1158 = math.exp %logistic3A_1157 : vector<64x128xf32>
    %logistic3A_1159 = arith.constant 1.000000e+00 : f32
    %logistic3A_1160 = vector.broadcast %logistic3A_1159 : f32 to vector<64x128xf32>
    %logistic3A_1161 = arith.addf %logistic3A_1160, %logistic3A_1158 : vector<64x128xf32>
    %logistic3A_1162 = arith.divf %logistic3A_1160, %logistic3A_1161 : vector<64x128xf32>
    %mul3A_1163 = arith.mulf %logistic3A_1155, %slice3A_1148 : vector<64x128xf32>
    %add3A_1164 = arith.addf %slice3A_1145, %mul3A_1163 : vector<64x128xf32>
    %tanh3A_1165 = math.tanh %add3A_1164 : vector<64x128xf32>
    %sub3A_1166 = arith.constant 1.000000e+00 : f32
    %sub3A_1167 = vector.broadcast %sub3A_1166 : f32 to vector<64x128xf32>
    %sub3A_1168 = arith.subf %sub3A_1167, %logistic3A_1162 : vector<64x128xf32>
    %mul3A_1169 = arith.mulf %sub3A_1168, %tanh3A_1165 : vector<64x128xf32>
    %mul3A_1170 = arith.mulf %logistic3A_1162, %add3A_1129 : vector<64x128xf32>
    %add3A_1171 = arith.addf %mul3A_1169, %mul3A_1170 : vector<64x128xf32>
    %add3A_1172 = arith.addf %add3A_1130, %add3A_1171 : vector<64x128xf32>
    %slice3A_1173 = vector.extract_strided_slice %reshape3A_37 {offsets = [27, 0, 0], sizes = [1, 64, 384], strides = [1, 1, 1]} : vector<32x64x384xf32> to vector<1x64x384xf32>
    %squeeze3A_1174 = vector.shape_cast %slice3A_1173 : vector<1x64x384xf32> to vector<64x384xf32>
    %get3A_1175 = arith.constant 0 : index
    %get3A_1176 = arith.constant 0 : index
    %get3A_1177 = vector.load %arg9[%get3A_1175, %get3A_1176] : memref<128x384xf32, #tpu.memory_space<vmem>>, vector<128x384xf32>
    %dot_general3A_1178 = arith.constant dense<0.000000e+00> : vector<64x384xf32>
    %dot_general3A_1179 = tpu.matmul %add3A_1171, %get3A_1177, %dot_general3A_1178 {dimension_numbers = #tpu.dot_dimension_numbers<[1], [0], [0], [1], [0, 0, 1, 1], [], []>, transpose_lhs_hint = false} : vector<64x128xf32>, vector<128x384xf32>, vector<64x384xf32> -> vector<64x384xf32>
    %get3A_1180 = arith.constant 0 : index
    %get3A_1181 = arith.constant 0 : index
    %get3A_1182 = vector.load %arg10[%get3A_1180, %get3A_1181] : memref<1x384xf32, #tpu.memory_space<vmem>>, vector<1x384xf32>
    %add3A_1183 = vector.broadcast %get3A_1182 : vector<1x384xf32> to vector<64x384xf32>
    %add3A_1184 = arith.addf %dot_general3A_1179, %add3A_1183 : vector<64x384xf32>
    %slice3A_1185 = vector.extract_strided_slice %squeeze3A_1174 {offsets = [0, 0], sizes = [64, 128], strides = [1, 1]} : vector<64x384xf32> to vector<64x128xf32>
    %slice3A_1186 = vector.extract_strided_slice %squeeze3A_1174 {offsets = [0, 128], sizes = [64, 128], strides = [1, 1]} : vector<64x384xf32> to vector<64x128xf32>
    %slice3A_1187 = vector.extract_strided_slice %squeeze3A_1174 {offsets = [0, 256], sizes = [64, 128], strides = [1, 1]} : vector<64x384xf32> to vector<64x128xf32>
    %slice3A_1188 = vector.extract_strided_slice %add3A_1184 {offsets = [0, 0], sizes = [64, 128], strides = [1, 1]} : vector<64x384xf32> to vector<64x128xf32>
    %slice3A_1189 = vector.extract_strided_slice %add3A_1184 {offsets = [0, 128], sizes = [64, 128], strides = [1, 1]} : vector<64x384xf32> to vector<64x128xf32>
    %slice3A_1190 = vector.extract_strided_slice %add3A_1184 {offsets = [0, 256], sizes = [64, 128], strides = [1, 1]} : vector<64x384xf32> to vector<64x128xf32>
    %add3A_1191 = arith.addf %slice3A_1185, %slice3A_1188 : vector<64x128xf32>
    %logistic3A_1192 = arith.negf %add3A_1191 : vector<64x128xf32>
    %logistic3A_1193 = math.exp %logistic3A_1192 : vector<64x128xf32>
    %logistic3A_1194 = arith.constant 1.000000e+00 : f32
    %logistic3A_1195 = vector.broadcast %logistic3A_1194 : f32 to vector<64x128xf32>
    %logistic3A_1196 = arith.addf %logistic3A_1195, %logistic3A_1193 : vector<64x128xf32>
    %logistic3A_1197 = arith.divf %logistic3A_1195, %logistic3A_1196 : vector<64x128xf32>
    %add3A_1198 = arith.addf %slice3A_1186, %slice3A_1189 : vector<64x128xf32>
    %logistic3A_1199 = arith.negf %add3A_1198 : vector<64x128xf32>
    %logistic3A_1200 = math.exp %logistic3A_1199 : vector<64x128xf32>
    %logistic3A_1201 = arith.constant 1.000000e+00 : f32
    %logistic3A_1202 = vector.broadcast %logistic3A_1201 : f32 to vector<64x128xf32>
    %logistic3A_1203 = arith.addf %logistic3A_1202, %logistic3A_1200 : vector<64x128xf32>
    %logistic3A_1204 = arith.divf %logistic3A_1202, %logistic3A_1203 : vector<64x128xf32>
    %mul3A_1205 = arith.mulf %logistic3A_1197, %slice3A_1190 : vector<64x128xf32>
    %add3A_1206 = arith.addf %slice3A_1187, %mul3A_1205 : vector<64x128xf32>
    %tanh3A_1207 = math.tanh %add3A_1206 : vector<64x128xf32>
    %sub3A_1208 = arith.constant 1.000000e+00 : f32
    %sub3A_1209 = vector.broadcast %sub3A_1208 : f32 to vector<64x128xf32>
    %sub3A_1210 = arith.subf %sub3A_1209, %logistic3A_1204 : vector<64x128xf32>
    %mul3A_1211 = arith.mulf %sub3A_1210, %tanh3A_1207 : vector<64x128xf32>
    %mul3A_1212 = arith.mulf %logistic3A_1204, %add3A_1171 : vector<64x128xf32>
    %add3A_1213 = arith.addf %mul3A_1211, %mul3A_1212 : vector<64x128xf32>
    %add3A_1214 = arith.addf %add3A_1172, %add3A_1213 : vector<64x128xf32>
    %slice3A_1215 = vector.extract_strided_slice %reshape3A_37 {offsets = [28, 0, 0], sizes = [1, 64, 384], strides = [1, 1, 1]} : vector<32x64x384xf32> to vector<1x64x384xf32>
    %squeeze3A_1216 = vector.shape_cast %slice3A_1215 : vector<1x64x384xf32> to vector<64x384xf32>
    %get3A_1217 = arith.constant 0 : index
    %get3A_1218 = arith.constant 0 : index
    %get3A_1219 = vector.load %arg9[%get3A_1217, %get3A_1218] : memref<128x384xf32, #tpu.memory_space<vmem>>, vector<128x384xf32>
    %dot_general3A_1220 = arith.constant dense<0.000000e+00> : vector<64x384xf32>
    %dot_general3A_1221 = tpu.matmul %add3A_1213, %get3A_1219, %dot_general3A_1220 {dimension_numbers = #tpu.dot_dimension_numbers<[1], [0], [0], [1], [0, 0, 1, 1], [], []>, transpose_lhs_hint = false} : vector<64x128xf32>, vector<128x384xf32>, vector<64x384xf32> -> vector<64x384xf32>
    %get3A_1222 = arith.constant 0 : index
    %get3A_1223 = arith.constant 0 : index
    %get3A_1224 = vector.load %arg10[%get3A_1222, %get3A_1223] : memref<1x384xf32, #tpu.memory_space<vmem>>, vector<1x384xf32>
    %add3A_1225 = vector.broadcast %get3A_1224 : vector<1x384xf32> to vector<64x384xf32>
    %add3A_1226 = arith.addf %dot_general3A_1221, %add3A_1225 : vector<64x384xf32>
    %slice3A_1227 = vector.extract_strided_slice %squeeze3A_1216 {offsets = [0, 0], sizes = [64, 128], strides = [1, 1]} : vector<64x384xf32> to vector<64x128xf32>
    %slice3A_1228 = vector.extract_strided_slice %squeeze3A_1216 {offsets = [0, 128], sizes = [64, 128], strides = [1, 1]} : vector<64x384xf32> to vector<64x128xf32>
    %slice3A_1229 = vector.extract_strided_slice %squeeze3A_1216 {offsets = [0, 256], sizes = [64, 128], strides = [1, 1]} : vector<64x384xf32> to vector<64x128xf32>
    %slice3A_1230 = vector.extract_strided_slice %add3A_1226 {offsets = [0, 0], sizes = [64, 128], strides = [1, 1]} : vector<64x384xf32> to vector<64x128xf32>
    %slice3A_1231 = vector.extract_strided_slice %add3A_1226 {offsets = [0, 128], sizes = [64, 128], strides = [1, 1]} : vector<64x384xf32> to vector<64x128xf32>
    %slice3A_1232 = vector.extract_strided_slice %add3A_1226 {offsets = [0, 256], sizes = [64, 128], strides = [1, 1]} : vector<64x384xf32> to vector<64x128xf32>
    %add3A_1233 = arith.addf %slice3A_1227, %slice3A_1230 : vector<64x128xf32>
    %logistic3A_1234 = arith.negf %add3A_1233 : vector<64x128xf32>
    %logistic3A_1235 = math.exp %logistic3A_1234 : vector<64x128xf32>
    %logistic3A_1236 = arith.constant 1.000000e+00 : f32
    %logistic3A_1237 = vector.broadcast %logistic3A_1236 : f32 to vector<64x128xf32>
    %logistic3A_1238 = arith.addf %logistic3A_1237, %logistic3A_1235 : vector<64x128xf32>
    %logistic3A_1239 = arith.divf %logistic3A_1237, %logistic3A_1238 : vector<64x128xf32>
    %add3A_1240 = arith.addf %slice3A_1228, %slice3A_1231 : vector<64x128xf32>
    %logistic3A_1241 = arith.negf %add3A_1240 : vector<64x128xf32>
    %logistic3A_1242 = math.exp %logistic3A_1241 : vector<64x128xf32>
    %logistic3A_1243 = arith.constant 1.000000e+00 : f32
    %logistic3A_1244 = vector.broadcast %logistic3A_1243 : f32 to vector<64x128xf32>
    %logistic3A_1245 = arith.addf %logistic3A_1244, %logistic3A_1242 : vector<64x128xf32>
    %logistic3A_1246 = arith.divf %logistic3A_1244, %logistic3A_1245 : vector<64x128xf32>
    %mul3A_1247 = arith.mulf %logistic3A_1239, %slice3A_1232 : vector<64x128xf32>
    %add3A_1248 = arith.addf %slice3A_1229, %mul3A_1247 : vector<64x128xf32>
    %tanh3A_1249 = math.tanh %add3A_1248 : vector<64x128xf32>
    %sub3A_1250 = arith.constant 1.000000e+00 : f32
    %sub3A_1251 = vector.broadcast %sub3A_1250 : f32 to vector<64x128xf32>
    %sub3A_1252 = arith.subf %sub3A_1251, %logistic3A_1246 : vector<64x128xf32>
    %mul3A_1253 = arith.mulf %sub3A_1252, %tanh3A_1249 : vector<64x128xf32>
    %mul3A_1254 = arith.mulf %logistic3A_1246, %add3A_1213 : vector<64x128xf32>
    %add3A_1255 = arith.addf %mul3A_1253, %mul3A_1254 : vector<64x128xf32>
    %add3A_1256 = arith.addf %add3A_1214, %add3A_1255 : vector<64x128xf32>
    %slice3A_1257 = vector.extract_strided_slice %reshape3A_37 {offsets = [29, 0, 0], sizes = [1, 64, 384], strides = [1, 1, 1]} : vector<32x64x384xf32> to vector<1x64x384xf32>
    %squeeze3A_1258 = vector.shape_cast %slice3A_1257 : vector<1x64x384xf32> to vector<64x384xf32>
    %get3A_1259 = arith.constant 0 : index
    %get3A_1260 = arith.constant 0 : index
    %get3A_1261 = vector.load %arg9[%get3A_1259, %get3A_1260] : memref<128x384xf32, #tpu.memory_space<vmem>>, vector<128x384xf32>
    %dot_general3A_1262 = arith.constant dense<0.000000e+00> : vector<64x384xf32>
    %dot_general3A_1263 = tpu.matmul %add3A_1255, %get3A_1261, %dot_general3A_1262 {dimension_numbers = #tpu.dot_dimension_numbers<[1], [0], [0], [1], [0, 0, 1, 1], [], []>, transpose_lhs_hint = false} : vector<64x128xf32>, vector<128x384xf32>, vector<64x384xf32> -> vector<64x384xf32>
    %get3A_1264 = arith.constant 0 : index
    %get3A_1265 = arith.constant 0 : index
    %get3A_1266 = vector.load %arg10[%get3A_1264, %get3A_1265] : memref<1x384xf32, #tpu.memory_space<vmem>>, vector<1x384xf32>
    %add3A_1267 = vector.broadcast %get3A_1266 : vector<1x384xf32> to vector<64x384xf32>
    %add3A_1268 = arith.addf %dot_general3A_1263, %add3A_1267 : vector<64x384xf32>
    %slice3A_1269 = vector.extract_strided_slice %squeeze3A_1258 {offsets = [0, 0], sizes = [64, 128], strides = [1, 1]} : vector<64x384xf32> to vector<64x128xf32>
    %slice3A_1270 = vector.extract_strided_slice %squeeze3A_1258 {offsets = [0, 128], sizes = [64, 128], strides = [1, 1]} : vector<64x384xf32> to vector<64x128xf32>
    %slice3A_1271 = vector.extract_strided_slice %squeeze3A_1258 {offsets = [0, 256], sizes = [64, 128], strides = [1, 1]} : vector<64x384xf32> to vector<64x128xf32>
    %slice3A_1272 = vector.extract_strided_slice %add3A_1268 {offsets = [0, 0], sizes = [64, 128], strides = [1, 1]} : vector<64x384xf32> to vector<64x128xf32>
    %slice3A_1273 = vector.extract_strided_slice %add3A_1268 {offsets = [0, 128], sizes = [64, 128], strides = [1, 1]} : vector<64x384xf32> to vector<64x128xf32>
    %slice3A_1274 = vector.extract_strided_slice %add3A_1268 {offsets = [0, 256], sizes = [64, 128], strides = [1, 1]} : vector<64x384xf32> to vector<64x128xf32>
    %add3A_1275 = arith.addf %slice3A_1269, %slice3A_1272 : vector<64x128xf32>
    %logistic3A_1276 = arith.negf %add3A_1275 : vector<64x128xf32>
    %logistic3A_1277 = math.exp %logistic3A_1276 : vector<64x128xf32>
    %logistic3A_1278 = arith.constant 1.000000e+00 : f32
    %logistic3A_1279 = vector.broadcast %logistic3A_1278 : f32 to vector<64x128xf32>
    %logistic3A_1280 = arith.addf %logistic3A_1279, %logistic3A_1277 : vector<64x128xf32>
    %logistic3A_1281 = arith.divf %logistic3A_1279, %logistic3A_1280 : vector<64x128xf32>
    %add3A_1282 = arith.addf %slice3A_1270, %slice3A_1273 : vector<64x128xf32>
    %logistic3A_1283 = arith.negf %add3A_1282 : vector<64x128xf32>
    %logistic3A_1284 = math.exp %logistic3A_1283 : vector<64x128xf32>
    %logistic3A_1285 = arith.constant 1.000000e+00 : f32
    %logistic3A_1286 = vector.broadcast %logistic3A_1285 : f32 to vector<64x128xf32>
    %logistic3A_1287 = arith.addf %logistic3A_1286, %logistic3A_1284 : vector<64x128xf32>
    %logistic3A_1288 = arith.divf %logistic3A_1286, %logistic3A_1287 : vector<64x128xf32>
    %mul3A_1289 = arith.mulf %logistic3A_1281, %slice3A_1274 : vector<64x128xf32>
    %add3A_1290 = arith.addf %slice3A_1271, %mul3A_1289 : vector<64x128xf32>
    %tanh3A_1291 = math.tanh %add3A_1290 : vector<64x128xf32>
    %sub3A_1292 = arith.constant 1.000000e+00 : f32
    %sub3A_1293 = vector.broadcast %sub3A_1292 : f32 to vector<64x128xf32>
    %sub3A_1294 = arith.subf %sub3A_1293, %logistic3A_1288 : vector<64x128xf32>
    %mul3A_1295 = arith.mulf %sub3A_1294, %tanh3A_1291 : vector<64x128xf32>
    %mul3A_1296 = arith.mulf %logistic3A_1288, %add3A_1255 : vector<64x128xf32>
    %add3A_1297 = arith.addf %mul3A_1295, %mul3A_1296 : vector<64x128xf32>
    %add3A_1298 = arith.addf %add3A_1256, %add3A_1297 : vector<64x128xf32>
    %slice3A_1299 = vector.extract_strided_slice %reshape3A_37 {offsets = [30, 0, 0], sizes = [1, 64, 384], strides = [1, 1, 1]} : vector<32x64x384xf32> to vector<1x64x384xf32>
    %squeeze3A_1300 = vector.shape_cast %slice3A_1299 : vector<1x64x384xf32> to vector<64x384xf32>
    %get3A_1301 = arith.constant 0 : index
    %get3A_1302 = arith.constant 0 : index
    %get3A_1303 = vector.load %arg9[%get3A_1301, %get3A_1302] : memref<128x384xf32, #tpu.memory_space<vmem>>, vector<128x384xf32>
    %dot_general3A_1304 = arith.constant dense<0.000000e+00> : vector<64x384xf32>
    %dot_general3A_1305 = tpu.matmul %add3A_1297, %get3A_1303, %dot_general3A_1304 {dimension_numbers = #tpu.dot_dimension_numbers<[1], [0], [0], [1], [0, 0, 1, 1], [], []>, transpose_lhs_hint = false} : vector<64x128xf32>, vector<128x384xf32>, vector<64x384xf32> -> vector<64x384xf32>
    %get3A_1306 = arith.constant 0 : index
    %get3A_1307 = arith.constant 0 : index
    %get3A_1308 = vector.load %arg10[%get3A_1306, %get3A_1307] : memref<1x384xf32, #tpu.memory_space<vmem>>, vector<1x384xf32>
    %add3A_1309 = vector.broadcast %get3A_1308 : vector<1x384xf32> to vector<64x384xf32>
    %add3A_1310 = arith.addf %dot_general3A_1305, %add3A_1309 : vector<64x384xf32>
    %slice3A_1311 = vector.extract_strided_slice %squeeze3A_1300 {offsets = [0, 0], sizes = [64, 128], strides = [1, 1]} : vector<64x384xf32> to vector<64x128xf32>
    %slice3A_1312 = vector.extract_strided_slice %squeeze3A_1300 {offsets = [0, 128], sizes = [64, 128], strides = [1, 1]} : vector<64x384xf32> to vector<64x128xf32>
    %slice3A_1313 = vector.extract_strided_slice %squeeze3A_1300 {offsets = [0, 256], sizes = [64, 128], strides = [1, 1]} : vector<64x384xf32> to vector<64x128xf32>
    %slice3A_1314 = vector.extract_strided_slice %add3A_1310 {offsets = [0, 0], sizes = [64, 128], strides = [1, 1]} : vector<64x384xf32> to vector<64x128xf32>
    %slice3A_1315 = vector.extract_strided_slice %add3A_1310 {offsets = [0, 128], sizes = [64, 128], strides = [1, 1]} : vector<64x384xf32> to vector<64x128xf32>
    %slice3A_1316 = vector.extract_strided_slice %add3A_1310 {offsets = [0, 256], sizes = [64, 128], strides = [1, 1]} : vector<64x384xf32> to vector<64x128xf32>
    %add3A_1317 = arith.addf %slice3A_1311, %slice3A_1314 : vector<64x128xf32>
    %logistic3A_1318 = arith.negf %add3A_1317 : vector<64x128xf32>
    %logistic3A_1319 = math.exp %logistic3A_1318 : vector<64x128xf32>
    %logistic3A_1320 = arith.constant 1.000000e+00 : f32
    %logistic3A_1321 = vector.broadcast %logistic3A_1320 : f32 to vector<64x128xf32>
    %logistic3A_1322 = arith.addf %logistic3A_1321, %logistic3A_1319 : vector<64x128xf32>
    %logistic3A_1323 = arith.divf %logistic3A_1321, %logistic3A_1322 : vector<64x128xf32>
    %add3A_1324 = arith.addf %slice3A_1312, %slice3A_1315 : vector<64x128xf32>
    %logistic3A_1325 = arith.negf %add3A_1324 : vector<64x128xf32>
    %logistic3A_1326 = math.exp %logistic3A_1325 : vector<64x128xf32>
    %logistic3A_1327 = arith.constant 1.000000e+00 : f32
    %logistic3A_1328 = vector.broadcast %logistic3A_1327 : f32 to vector<64x128xf32>
    %logistic3A_1329 = arith.addf %logistic3A_1328, %logistic3A_1326 : vector<64x128xf32>
    %logistic3A_1330 = arith.divf %logistic3A_1328, %logistic3A_1329 : vector<64x128xf32>
    %mul3A_1331 = arith.mulf %logistic3A_1323, %slice3A_1316 : vector<64x128xf32>
    %add3A_1332 = arith.addf %slice3A_1313, %mul3A_1331 : vector<64x128xf32>
    %tanh3A_1333 = math.tanh %add3A_1332 : vector<64x128xf32>
    %sub3A_1334 = arith.constant 1.000000e+00 : f32
    %sub3A_1335 = vector.broadcast %sub3A_1334 : f32 to vector<64x128xf32>
    %sub3A_1336 = arith.subf %sub3A_1335, %logistic3A_1330 : vector<64x128xf32>
    %mul3A_1337 = arith.mulf %sub3A_1336, %tanh3A_1333 : vector<64x128xf32>
    %mul3A_1338 = arith.mulf %logistic3A_1330, %add3A_1297 : vector<64x128xf32>
    %add3A_1339 = arith.addf %mul3A_1337, %mul3A_1338 : vector<64x128xf32>
    %add3A_1340 = arith.addf %add3A_1298, %add3A_1339 : vector<64x128xf32>
    %slice3A_1341 = vector.extract_strided_slice %reshape3A_37 {offsets = [31, 0, 0], sizes = [1, 64, 384], strides = [1, 1, 1]} : vector<32x64x384xf32> to vector<1x64x384xf32>
    %squeeze3A_1342 = vector.shape_cast %slice3A_1341 : vector<1x64x384xf32> to vector<64x384xf32>
    %get3A_1343 = arith.constant 0 : index
    %get3A_1344 = arith.constant 0 : index
    %get3A_1345 = vector.load %arg9[%get3A_1343, %get3A_1344] : memref<128x384xf32, #tpu.memory_space<vmem>>, vector<128x384xf32>
    %dot_general3A_1346 = arith.constant dense<0.000000e+00> : vector<64x384xf32>
    %dot_general3A_1347 = tpu.matmul %add3A_1339, %get3A_1345, %dot_general3A_1346 {dimension_numbers = #tpu.dot_dimension_numbers<[1], [0], [0], [1], [0, 0, 1, 1], [], []>, transpose_lhs_hint = false} : vector<64x128xf32>, vector<128x384xf32>, vector<64x384xf32> -> vector<64x384xf32>
    %get3A_1348 = arith.constant 0 : index
    %get3A_1349 = arith.constant 0 : index
    %get3A_1350 = vector.load %arg10[%get3A_1348, %get3A_1349] : memref<1x384xf32, #tpu.memory_space<vmem>>, vector<1x384xf32>
    %add3A_1351 = vector.broadcast %get3A_1350 : vector<1x384xf32> to vector<64x384xf32>
    %add3A_1352 = arith.addf %dot_general3A_1347, %add3A_1351 : vector<64x384xf32>
    %slice3A_1353 = vector.extract_strided_slice %squeeze3A_1342 {offsets = [0, 0], sizes = [64, 128], strides = [1, 1]} : vector<64x384xf32> to vector<64x128xf32>
    %slice3A_1354 = vector.extract_strided_slice %squeeze3A_1342 {offsets = [0, 128], sizes = [64, 128], strides = [1, 1]} : vector<64x384xf32> to vector<64x128xf32>
    %slice3A_1355 = vector.extract_strided_slice %squeeze3A_1342 {offsets = [0, 256], sizes = [64, 128], strides = [1, 1]} : vector<64x384xf32> to vector<64x128xf32>
    %slice3A_1356 = vector.extract_strided_slice %add3A_1352 {offsets = [0, 0], sizes = [64, 128], strides = [1, 1]} : vector<64x384xf32> to vector<64x128xf32>
    %slice3A_1357 = vector.extract_strided_slice %add3A_1352 {offsets = [0, 128], sizes = [64, 128], strides = [1, 1]} : vector<64x384xf32> to vector<64x128xf32>
    %slice3A_1358 = vector.extract_strided_slice %add3A_1352 {offsets = [0, 256], sizes = [64, 128], strides = [1, 1]} : vector<64x384xf32> to vector<64x128xf32>
    %add3A_1359 = arith.addf %slice3A_1353, %slice3A_1356 : vector<64x128xf32>
    %logistic3A_1360 = arith.negf %add3A_1359 : vector<64x128xf32>
    %logistic3A_1361 = math.exp %logistic3A_1360 : vector<64x128xf32>
    %logistic3A_1362 = arith.constant 1.000000e+00 : f32
    %logistic3A_1363 = vector.broadcast %logistic3A_1362 : f32 to vector<64x128xf32>
    %logistic3A_1364 = arith.addf %logistic3A_1363, %logistic3A_1361 : vector<64x128xf32>
    %logistic3A_1365 = arith.divf %logistic3A_1363, %logistic3A_1364 : vector<64x128xf32>
    %add3A_1366 = arith.addf %slice3A_1354, %slice3A_1357 : vector<64x128xf32>
    %logistic3A_1367 = arith.negf %add3A_1366 : vector<64x128xf32>
    %logistic3A_1368 = math.exp %logistic3A_1367 : vector<64x128xf32>
    %logistic3A_1369 = arith.constant 1.000000e+00 : f32
    %logistic3A_1370 = vector.broadcast %logistic3A_1369 : f32 to vector<64x128xf32>
    %logistic3A_1371 = arith.addf %logistic3A_1370, %logistic3A_1368 : vector<64x128xf32>
    %logistic3A_1372 = arith.divf %logistic3A_1370, %logistic3A_1371 : vector<64x128xf32>
    %mul3A_1373 = arith.mulf %logistic3A_1365, %slice3A_1358 : vector<64x128xf32>
    %add3A_1374 = arith.addf %slice3A_1355, %mul3A_1373 : vector<64x128xf32>
    %tanh3A_1375 = math.tanh %add3A_1374 : vector<64x128xf32>
    %sub3A_1376 = arith.constant 1.000000e+00 : f32
    %sub3A_1377 = vector.broadcast %sub3A_1376 : f32 to vector<64x128xf32>
    %sub3A_1378 = arith.subf %sub3A_1377, %logistic3A_1372 : vector<64x128xf32>
    %mul3A_1379 = arith.mulf %sub3A_1378, %tanh3A_1375 : vector<64x128xf32>
    %mul3A_1380 = arith.mulf %logistic3A_1372, %add3A_1339 : vector<64x128xf32>
    %add3A_1381 = arith.addf %mul3A_1379, %mul3A_1380 : vector<64x128xf32>
    %add3A_1382 = arith.addf %add3A_1340, %add3A_1381 : vector<64x128xf32>
    %swap3A = arith.constant 0 : index
    %swap3A_1383 = arith.constant 0 : index
    %swap3A_1384 = vector.load %arg20[%swap3A, %swap3A_1383] : memref<64x128xf32, #tpu.memory_space<vmem>>, vector<64x128xf32>
    tpu.vector_store %arg20[%swap3A, %swap3A_1383], %add3A_1381 {strides = array<i32>} : memref<64x128xf32, #tpu.memory_space<vmem>>, vector<64x128xf32>,
    %swap3A_1385 = arith.constant 0 : index
    %swap3A_1386 = arith.constant 0 : index
    %swap3A_1387 = vector.load %arg21[%swap3A_1385, %swap3A_1386] : memref<64x128xf32, #tpu.memory_space<vmem>>, vector<64x128xf32>
    tpu.vector_store %arg21[%swap3A_1385, %swap3A_1386], %add3A_1382 {strides = array<i32>} : memref<64x128xf32, #tpu.memory_space<vmem>>, vector<64x128xf32>,
    %eq3A_1388 = arith.constant 7 : i32
    %eq3A_1389 = arith.cmpi eq, %arg0, %eq3A_1388 : i32
    %convert_element_type3A_1390 = arith.extui %eq3A_1389 : i1 to i32
    %cond3A_1391 = arith.constant 0 : i32
    %cond3A_1392 = arith.cmpi ne, %convert_element_type3A_1390, %cond3A_1391 : i32
    scf.if %cond3A_1392 {
      %get3A_1393 = arith.constant 0 : index
      %get3A_1394 = arith.constant 0 : index
      %get3A_1395 = vector.load %arg21[%get3A_1393, %get3A_1394] : memref<64x128xf32, #tpu.memory_space<vmem>>, vector<64x128xf32>
      %mul3A_1396 = arith.constant 3.906250e-03 : f32
      %mul3A_1397 = vector.broadcast %mul3A_1396 : f32 to vector<64x128xf32>
      %mul3A_1398 = arith.mulf %get3A_1395, %mul3A_1397 : vector<64x128xf32>
      %get3A_1399 = arith.constant 0 : index
      %get3A_1400 = arith.constant 0 : index
      %get3A_1401 = vector.load %arg11[%get3A_1399, %get3A_1400] : memref<128x64xf32, #tpu.memory_space<vmem>>, vector<128x64xf32>
      %dot_general3A_1402 = arith.constant dense<0.000000e+00> : vector<64x64xf32>
      %dot_general3A_1403 = tpu.matmul %mul3A_1398, %get3A_1401, %dot_general3A_1402 {dimension_numbers = #tpu.dot_dimension_numbers<[1], [0], [0], [1], [0, 0, 1, 1], [], []>, transpose_lhs_hint = false} : vector<64x128xf32>, vector<128x64xf32>, vector<64x64xf32> -> vector<64x64xf32>
      %get3A_1404 = arith.constant 0 : index
      %get3A_1405 = arith.constant 0 : index
      %get3A_1406 = vector.load %arg12[%get3A_1404, %get3A_1405] : memref<1x64xf32, #tpu.memory_space<vmem>>, vector<1x64xf32>
      %add3A_1407 = vector.broadcast %get3A_1406 : vector<1x64xf32> to vector<64x64xf32>
      %add3A_1408 = arith.addf %dot_general3A_1403, %add3A_1407 : vector<64x64xf32>
      %max3A = arith.constant 0.000000e+00 : f32
      %max3A_1409 = vector.broadcast %max3A : f32 to vector<64x64xf32>
      %max3A_1410 = arith.maximumf %add3A_1408, %max3A_1409 : vector<64x64xf32>
      %get3A_1411 = arith.constant 0 : index
      %get3A_1412 = arith.constant 0 : index
      %get3A_1413 = vector.load %arg13[%get3A_1411, %get3A_1412] : memref<64x32xf32, #tpu.memory_space<vmem>>, vector<64x32xf32>
      %dot_general3A_1414 = arith.constant dense<0.000000e+00> : vector<64x32xf32>
      %dot_general3A_1415 = tpu.matmul %max3A_1410, %get3A_1413, %dot_general3A_1414 {dimension_numbers = #tpu.dot_dimension_numbers<[1], [0], [0], [1], [0, 0, 1, 1], [], []>, transpose_lhs_hint = false} : vector<64x64xf32>, vector<64x32xf32>, vector<64x32xf32> -> vector<64x32xf32>
      %get3A_1416 = arith.constant 0 : index
      %get3A_1417 = arith.constant 0 : index
      %get3A_1418 = vector.load %arg14[%get3A_1416, %get3A_1417] : memref<1x32xf32, #tpu.memory_space<vmem>>, vector<1x32xf32>
      %add3A_1419 = vector.broadcast %get3A_1418 : vector<1x32xf32> to vector<64x32xf32>
      %add3A_1420 = arith.addf %dot_general3A_1415, %add3A_1419 : vector<64x32xf32>
      %max3A_1421 = arith.constant 0.000000e+00 : f32
      %max3A_1422 = vector.broadcast %max3A_1421 : f32 to vector<64x32xf32>
      %max3A_1423 = arith.maximumf %add3A_1420, %max3A_1422 : vector<64x32xf32>
      %get3A_1424 = arith.constant 0 : index
      %get3A_1425 = arith.constant 0 : index
      %get3A_1426 = vector.load %arg15[%get3A_1424, %get3A_1425] : memref<32x16xf32, #tpu.memory_space<vmem>>, vector<32x16xf32>
      %dot_general3A_1427 = arith.constant dense<0.000000e+00> : vector<64x16xf32>
      %dot_general3A_1428 = tpu.matmul %max3A_1423, %get3A_1426, %dot_general3A_1427 {dimension_numbers = #tpu.dot_dimension_numbers<[1], [0], [0], [1], [0, 0, 1, 1], [], []>, transpose_lhs_hint = false} : vector<64x32xf32>, vector<32x16xf32>, vector<64x16xf32> -> vector<64x16xf32>
      %get3A_1429 = arith.constant 0 : index
      %get3A_1430 = arith.constant 0 : index
      %get3A_1431 = vector.load %arg16[%get3A_1429, %get3A_1430] : memref<1x16xf32, #tpu.memory_space<vmem>>, vector<1x16xf32>
      %add3A_1432 = vector.broadcast %get3A_1431 : vector<1x16xf32> to vector<64x16xf32>
      %add3A_1433 = arith.addf %dot_general3A_1428, %add3A_1432 : vector<64x16xf32>
      %max3A_1434 = arith.constant 0.000000e+00 : f32
      %max3A_1435 = vector.broadcast %max3A_1434 : f32 to vector<64x16xf32>
      %max3A_1436 = arith.maximumf %add3A_1433, %max3A_1435 : vector<64x16xf32>
      %get3A_1437 = arith.constant 0 : index
      %get3A_1438 = arith.constant 0 : index
      %get3A_1439 = vector.load %arg17[%get3A_1437, %get3A_1438] : memref<16x8xf32, #tpu.memory_space<vmem>>, vector<16x8xf32>
      %dot_general3A_1440 = arith.constant dense<0.000000e+00> : vector<64x8xf32>
      %dot_general3A_1441 = tpu.matmul %max3A_1436, %get3A_1439, %dot_general3A_1440 {dimension_numbers = #tpu.dot_dimension_numbers<[1], [0], [0], [1], [0, 0, 1, 1], [], []>, transpose_lhs_hint = false} : vector<64x16xf32>, vector<16x8xf32>, vector<64x8xf32> -> vector<64x8xf32>
      %get3A_1442 = arith.constant 0 : index
      %get3A_1443 = arith.constant 0 : index
      %get3A_1444 = vector.load %arg18[%get3A_1442, %get3A_1443] : memref<1x8xf32, #tpu.memory_space<vmem>>, vector<1x8xf32>
      %add3A_1445 = vector.broadcast %get3A_1444 : vector<1x8xf32> to vector<64x8xf32>
      %add3A_1446 = arith.addf %dot_general3A_1441, %add3A_1445 : vector<64x8xf32>
      %swap3A_1447 = arith.constant 0 : index
      %swap3A_1448 = arith.constant 0 : index
      %swap3A_1449 = vector.load %arg19[%swap3A_1447, %swap3A_1448] : memref<64x8xf32, #tpu.memory_space<vmem>>, vector<64x8xf32>
      tpu.vector_store %arg19[%swap3A_1447, %swap3A_1448], %add3A_1446 {strides = array<i32>} : memref<64x8xf32, #tpu.memory_space<vmem>>, vector<64x8xf32>,
    } else {
    }
    return
  }
  func.func @transform_0(%arg0: i32) -> (i32, i32, i32) {
    %c0_i32 = arith.constant 0 : i32
    %c0_i32_0 = arith.constant 0 : i32
    %c0_i32_1 = arith.constant 0 : i32
    return %c0_i32, %arg0, %c0_i32_0 : i32, i32, i32
  }
  func.func @transform_1(%arg0: i32) -> (i32, i32, i32) {
    %c0_i32 = arith.constant 0 : i32
    %c0_i32_0 = arith.constant 0 : i32
    %c0_i32_1 = arith.constant 0 : i32
    return %c0_i32, %arg0, %c0_i32_0 : i32, i32, i32
  }
  func.func @transform_2(%arg0: i32) -> (i32, i32, i32) {
    %c0_i32 = arith.constant 0 : i32
    %c0_i32_0 = arith.constant 0 : i32
    %c0_i32_1 = arith.constant 0 : i32
    return %c0_i32, %arg0, %c0_i32_0 : i32, i32, i32
  }
  func.func @transform_3(%arg0: i32) -> (i32, i32, i32) {
    %c0_i32 = arith.constant 0 : i32
    %c0_i32_0 = arith.constant 0 : i32
    %c0_i32_1 = arith.constant 0 : i32
    return %c0_i32, %arg0, %c0_i32_0 : i32, i32, i32
  }
  func.func @transform_4(%arg0: i32) -> (i32, i32, i32) {
    %c0_i32 = arith.constant 0 : i32
    %c0_i32_0 = arith.constant 0 : i32
    %c0_i32_1 = arith.constant 0 : i32
    return %c0_i32, %arg0, %c0_i32_0 : i32, i32, i32
  }
  func.func @transform_5(%arg0: i32) -> (i32, i32) {
    %c0_i32 = arith.constant 0 : i32
    %c0_i32_0 = arith.constant 0 : i32
    %c0_i32_1 = arith.constant 0 : i32
    return %c0_i32, %c0_i32_0 : i32, i32
  }
  func.func @transform_6(%arg0: i32) -> (i32, i32) {
    %c0_i32 = arith.constant 0 : i32
    %c0_i32_0 = arith.constant 0 : i32
    %c0_i32_1 = arith.constant 0 : i32
    return %c0_i32, %c0_i32_0 : i32, i32
  }
  func.func @transform_7(%arg0: i32) -> (i32, i32) {
    %c0_i32 = arith.constant 0 : i32
    %c0_i32_0 = arith.constant 0 : i32
    %c0_i32_1 = arith.constant 0 : i32
    return %c0_i32, %c0_i32_0 : i32, i32
  }
  func.func @transform_8(%arg0: i32) -> (i32, i32) {
    %c0_i32 = arith.constant 0 : i32
    %c0_i32_0 = arith.constant 0 : i32
    %c0_i32_1 = arith.constant 0 : i32
    return %c0_i32, %c0_i32_0 : i32, i32
  }
  func.func @transform_9(%arg0: i32) -> (i32, i32) {
    %c0_i32 = arith.constant 0 : i32
    %c0_i32_0 = arith.constant 0 : i32
    %c0_i32_1 = arith.constant 0 : i32
    return %c0_i32, %c0_i32_0 : i32, i32
  }
  func.func @transform_10(%arg0: i32) -> (i32, i32) {
    %c0_i32 = arith.constant 0 : i32
    %c0_i32_0 = arith.constant 0 : i32
    %c0_i32_1 = arith.constant 0 : i32
    return %c0_i32, %c0_i32_0 : i32, i32
  }
  func.func @transform_11(%arg0: i32) -> (i32, i32) {
    %c0_i32 = arith.constant 0 : i32
    %c0_i32_0 = arith.constant 0 : i32
    %c0_i32_1 = arith.constant 0 : i32
    return %c0_i32, %c0_i32_0 : i32, i32
  }
  func.func @transform_12(%arg0: i32) -> (i32, i32) {
    %c0_i32 = arith.constant 0 : i32
    %c0_i32_0 = arith.constant 0 : i32
    %c0_i32_1 = arith.constant 0 : i32
    return %c0_i32, %c0_i32_0 : i32, i32
  }
  func.func @transform_13(%arg0: i32) -> (i32, i32) {
    %c0_i32 = arith.constant 0 : i32
    %c0_i32_0 = arith.constant 0 : i32
    %c0_i32_1 = arith.constant 0 : i32
    return %c0_i32, %c0_i32_0 : i32, i32
  }
  func.func @transform_14(%arg0: i32) -> (i32, i32) {
    %c0_i32 = arith.constant 0 : i32
    %c0_i32_0 = arith.constant 0 : i32
    %c0_i32_1 = arith.constant 0 : i32
    return %c0_i32, %c0_i32_0 : i32, i32
  }
  func.func @transform_15(%arg0: i32) -> (i32, i32) {
    %c0_i32 = arith.constant 0 : i32
    %c0_i32_0 = arith.constant 0 : i32
    %c0_i32_1 = arith.constant 0 : i32
    return %c0_i32, %c0_i32_0 : i32, i32
  }
  func.func @transform_16(%arg0: i32) -> (i32, i32) {
    %c0_i32 = arith.constant 0 : i32
    %c0_i32_0 = arith.constant 0 : i32
    %c0_i32_1 = arith.constant 0 : i32
    return %c0_i32, %c0_i32_0 : i32, i32
  }
  func.func @transform_17(%arg0: i32) -> (i32, i32) {
    %c0_i32 = arith.constant 0 : i32
    %c0_i32_0 = arith.constant 0 : i32
    %c0_i32_1 = arith.constant 0 : i32
    return %c0_i32, %c0_i32_0 : i32, i32
  }
  func.func @transform_18(%arg0: i32) -> (i32, i32) {
    %c0_i32 = arith.constant 0 : i32
    %c0_i32_0 = arith.constant 0 : i32
    %c0_i32_1 = arith.constant 0 : i32
    return %c0_i32, %c0_i32_0 : i32, i32
  }
}

</mosaic_0001>

<sc_bundles>
// kernel: kernel.6.cloned.1.call-start
scs
__scs_entry_jumppad:
0x0: {  	(pc) =	sbr.rel $0x88, $3  }
0x1: {  	(tag) =	ssettag $0x0;
	lr =	simm.s32 $0x1  }
0x2: {  	[smem:$0x3F91] =	sst lr;
	_ =	strace $0xD0000000  }
0x3: {  	_ = 	snop  }
0x4: {  	_ = 	snop  }
0x5: {  	_ = 	snop  }
0x6: {  	_ = 	snop  }
0x7: {  	_ = 	snop  }
__scs_overlays_trampoline_lowered:
0x8: {  	[smem:$0x3FA0] =	sst s0  }
0x9: {  	[smem:$0x3FA1] =	sst s1  }
0xa: {  	[smem:$0x3FA2] =	sst s2  }
0xb: {  	[smem:$0x3FA3] =	sst s3  }
0xc: {  	[smem:$0x3FA4] =	sst s4  }
0xd: {  	[smem:$0x3FA5] =	sst s5  }
0xe: {  	[smem:$0x3FA6] =	sst s6  }
0xf: {  	[smem:$0x3FA7] =	sst s7  }
0x10: {  	[smem:$0x3FA8] =	sst s8  }
0x11: {  	[smem:$0x3FA9] =	sst s9;
	s0 =	simm.s32 @!p0 $0x0  }
0x12: {  	s1 =	sld [smem:$0x3F8F];
	s0 =	simm.s32 @p0 $0x1  }
0x13: {  	[smem:$0x3FAA] =	sst s0;
	s0 =	simm.s32 @!p1 $0x0  }
0x14: {  	s2 =	sld [smem:$0x3F8E];
	s0 =	simm.s32 @p1 $0x1  }
0x15: {  	[smem:$0x3FAB] =	sst s0;
	s0 =	simm.s32 @!p2 $0x0  }
0x16: {  	s3 =	sld [smem:$0x3FDB];
	s0 =	simm.s32 @p2 $0x1  }
0x17: {  	s4 =	simm.s32 $0x1BF5;
	[smem:$0x3FAD] =	sst s0  }
0x18: {  	s0 =	sld [smem:$0x3F90];
	_ =	swait.ge [sflag:s4], $0x0  }
0x19: {  	s7 =	sld [smem:$0x3F91]  }
0x1a: {  	s8 =	sadd.s32 $0xFFFFE003, lr  }
0x1b: {  	s9 =	sadd.s32 $0xFFFFFEF7, lr;
	s5 =	simm.s32 $0xFFFFFFFF;
	p2 =	slt.u32 s8, $0xFFFFF086  }
0x1c: {  	p1 =	slt.u32 s9, $0xF7A;
	s5 =	simm.s32 @!p2 $0x0  }
0x1d: {  	s5 =	simm.s32 @p1 $0x1;
	p0 =	seq.s32 s7, s2  }
0x1e: {  	s7 =	smul.u32 @!p0 $0xF7A, s2;
	p2 =	seq.s32 @!p0 s5, $0x0  }
0x1f: {  	s9 =	smul.u32 $0xF7A, s1;
	s8 =	simm.s32 @!p0 $0x1BF5;
	p2 =	por !p2, p0  }
0x20: {  	[sflag:s8] =	ssyncset.s32 @!p0 $0xFFFFF086;
	s6 =	sadd.s32 @!p0 s3, s7;
	s7 =	simm.s32 @!p0 $0x108  }
0x21: {  	s3 =	sadd.s32 s3, s9;
	s6 =	sadd.s32 @!p0 $0x88, s6;
	s7 =	simm.s32 @p2 $0x1082  }
0x22: {  	[simem:s7], [sflag:s8] =	dma.local @!p0 [hbm:s6], $0xF7A  }
0x23: {  	s9 =	sor.u32 $0xD0000000, s2;
	s6 =	simm.s32 $0x108;
	_ =	swait.ge @!p0 [sflag:s8], $0x0  }
0x24: {  	s3 =	sadd.s32 $0x88, s3;
	s6 =	simm.s32 @!p1 $0x1082;
	[sflag:s4] =	ssyncset.s32 $0xFFFFF086  }
0x25: {  	[simem:s6], [sflag:s4] =	dma.local [hbm:s3], $0xF7A  }
0x26: {  	[smem:$0x3F91] =	sst s1;
	(tag) =	ssettag s2;
	_ =	strace s9  }
0x27: {  	s1 =	sld [smem:$0x3FA1]  }
0x28: {  	s2 =	sld [smem:$0x3FA2]  }
0x29: {  	s4 =	sld [smem:$0x3FA4]  }
0x2a: {  	p0 =	seq.s32 s5, $0x0;
	s5 =	sld [smem:$0x3FA5]  }
0x2b: {  	s6 =	sld [smem:$0x3FA6]  }
0x2c: {  	s7 =	sld [smem:$0x3FA7]  }
0x2d: {  	s3 =	simm.s32 $0x108;
	s8 =	sld [smem:$0x3FA8]  }
0x2e: {  	s3 =	simm.s32 @!p0 $0x1082;
	s9 =	sld [smem:$0x3FA9]  }
0x2f: {  	lr =	sadd.s32 s0, s3;
	s0 =	sld [smem:$0x3FA0]  }
0x30: {  	s3 =	sld [smem:$0x3FA3]  }
0x31: {  	[smem:$0x3FAC] =	sst s10  }
0x32: {  	s10 =	sld [smem:$0x3FAA];
	_ =	sdelay $0x3  }
0x33: {  	p0 =	seq.s32 s10, $0x1;
	s10 =	sld [smem:$0x3FAC];
	_ =	sdelay $0x3  }
0x34: {  	[smem:$0x3FAC] =	sst s10  }
0x35: {  	s10 =	sld [smem:$0x3FAB];
	_ =	sdelay $0x3  }
0x36: {  	p1 =	seq.s32 s10, $0x1;
	s10 =	sld [smem:$0x3FAC];
	_ =	sdelay $0x3  }
0x37: {  	[smem:$0x3FAC] =	sst s10  }
0x38: {  	s10 =	sld [smem:$0x3FAD]  }
0x39: {  	_ = 	snop;
	(pc) =	sbr.ind lr, $3  }
0x3a: {  	_ = 	snop  }
0x3b: {  	_ = 	snop  }
0x3c: {  	p2 =	seq.s32 s10, $0x1;
	s10 =	sld [smem:$0x3FAC]  }
0x3d: {  	_ =	shalt  }
0x3e: {  	_ =	shalt  }
0x3f: {  	_ =	shalt  }
0x40: {  	_ =	shalt  }
0x41: {  	_ =	shalt  }
0x42: {  	_ =	shalt  }
0x43: {  	_ =	shalt  }
0x44: {  	_ =	shalt  }
0x45: {  	_ =	shalt  }
0x46: {  	_ =	shalt  }
0x47: {  	_ =	shalt  }
0x48: {  	_ =	shalt  }
0x49: {  	_ =	shalt  }
0x4a: {  	_ =	shalt  }
0x4b: {  	_ =	shalt  }
0x4c: {  	_ =	shalt  }
0x4d: {  	_ =	shalt  }
0x4e: {  	_ =	shalt  }
0x4f: {  	_ =	shalt  }
0x50: {  	_ =	shalt  }
0x51: {  	_ =	shalt  }
0x52: {  	_ =	shalt  }
0x53: {  	_ =	shalt  }
0x54: {  	_ =	shalt  }
0x55: {  	_ =	shalt  }
0x56: {  	_ =	shalt  }
0x57: {  	_ =	shalt  }
0x58: {  	_ =	shalt  }
0x59: {  	_ =	shalt  }
0x5a: {  	_ =	shalt  }
0x5b: {  	_ =	shalt  }
0x5c: {  	_ =	shalt  }
0x5d: {  	_ =	shalt  }
0x5e: {  	_ =	shalt  }
0x5f: {  	_ =	shalt  }
0x60: {  	_ =	shalt  }
0x61: {  	_ =	shalt  }
0x62: {  	_ =	shalt  }
0x63: {  	_ =	shalt  }
0x64: {  	_ =	shalt  }
0x65: {  	_ =	shalt  }
0x66: {  	_ =	shalt  }
0x67: {  	_ =	shalt  }
0x68: {  	_ =	shalt  }
0x69: {  	_ =	shalt  }
0x6a: {  	_ =	shalt  }
0x6b: {  	_ =	shalt  }
0x6c: {  	_ =	shalt  }
0x6d: {  	_ =	shalt  }
0x6e: {  	_ =	shalt  }
0x6f: {  	_ =	shalt  }
0x70: {  	_ =	shalt  }
0x71: {  	_ =	shalt  }
0x72: {  	_ =	shalt  }
0x73: {  	_ =	shalt  }
0x74: {  	_ =	shalt  }
0x75: {  	_ =	shalt  }
0x76: {  	_ =	shalt  }
0x77: {  	_ =	shalt  }
0x78: {  	_ =	shalt  }
0x79: {  	_ =	shalt  }
0x7a: {  	_ =	shalt  }
0x7b: {  	_ =	shalt  }
0x7c: {  	_ =	shalt  }
0x7d: {  	_ =	shalt  }
0x7e: {  	_ =	shalt  }
0x7f: {  	_ =	shalt  }
0x80: {  	_ =	shalt  }
0x81: {  	_ =	shalt  }
0x82: {  	_ =	shalt  }
0x83: {  	_ =	shalt  }
0x84: {  	_ =	shalt  }
0x85: {  	_ =	shalt  }
0x86: {  	_ =	shalt  }
0x87: {  	_ =	shalt  }
.Lfunc_end0:
.L_simem_size_0:
called_computation_lowered:
.L_overlay_start_0:
0x88: {  	s2 =	sld [smem:$0x3FD9]  }
0x89: {  	s3 =	sld [smem:$0x3FFE];
	_ =	sdelay $0x1  }
0x8a: {  	s1 =	srdreg.scid  }
0x8b: {  	s0 =	sand.u32 $0x1, s1  }
0x8c: {  	s16 =	sshll.u32 s0, $0xA;
	s2 =	sadd.s32 s3, s2  }
0x8d: {  	s2 =	sadd.s32 s2, s16  }
0x8e: {  	[smem:$0x3FB8] =	sst s2  }
0x8f: {  	_ = 	snop  }
0x90: {  	(tm) =	ssettm $0x1  }
0x91: {  	s17 =	sld [smem:$0x3FFB];
	_ =	sdelay $0x3  }
0x92: {  	_ =	strace s17  }
0x93: {  	s2 =	sld [smem:$0x3FFC];
	_ =	sdelay $0x3  }
0x94: {  	_ =	strace s2  }
0x95: {  	s2 =	sld [smem:$0x3FFD];
	_ =	sdelay $0x3  }
0x96: {  	_ =	strace s2  }
0x97: {  	_ =	strace $0x8FFFFFFF  }
0x98: {  	s18 =	sld [smem:$0x3FDB];
	_ =	sdelay $0x1  }
0x99: {  	s19 =	simm.s32 $_scs_section_size  }
0x9a: {  	s4 =	simm.s32 $_size__tile_overlayer_lowered;
	s5 =	simm.s32 $_tile_overlayer_lowered  }
0x9b: {  	s22 =	simm.s32 $0x1BFF;
	s21 =	sshll.u32 s5, $0x1;
	s2 =	sadd.s32 s19, s18  }
0x9c: {  	s6 =	simm.s32 $0x0;
	s20 =	sshll.u32 s4, $0x1;
	s4 =	sadd.s32 s21, s2  }
0x9d: {  	[timem:s6], [sflag:s22] =	dma.local [hbm:s4], s20  }
0x9e: {  	_ =	swait.ge [sflag:s22], s20  }
0x9f: {  	s3 =	ssub.s32 $0x0, s20;
	[sflag:s22] =	ssyncset.done $0x0  }
0xa0: {  	[sflag:s22] =	ssyncadd.s32 s3;
	_ =	sdelay $0x1  }
0xa1: {  	s23 =	simm.s32 $0x1B8B  }
0xa2: {  	_ =	swait.ge [sflag:s23], $0x1  }
0xa3: {  	[sflag:s23] =	ssyncset.done $0x0  }
0xa4: {  	s25 =	simm.s32 $0x1B8E;
	s24 =	sld [smem:$0x3FFE];
	[sflag:s23] =	ssyncadd.s32 $0xFFFFFFFF  }
0xa5: {  	s26 =	simm.s32 $execute0_lowered;
	[smem:$0x3FD2] =	sst s25  }
0xa6: {  	s4 =	sshll.u32 s26, $0x1;
	_ =	strace $0x80000046;
	[dreg:$0x1] =	wrdreg $0xFFFFFFFF  }
0xa7: {  	s28 =	simm.s32 $_size_execute0_lowered;
	s2 =	sadd.s32 s2, s4;
	[dreg:$0x0] =	wrdreg $0x0  }
0xa8: {  	s4 =	sshll.u32 s28, $0x1;
	[dreg:$0x2] =	wrdreg s2  }
0xa9: {  	[dreg:$0x3] =	wrdreg s4  }
0xaa: {  	[dreg:$0x4] =	wrdreg $0xC0  }
0xab: {  	_ =	task [dreg:s6], $0x5FFFF  }
0xac: {  	[dreg:$0x1] =	wrdreg $0xFFFFFFFF  }
0xad: {  	[dreg:$0x0] =	wrdreg $0x60  }
0xae: {  	[dreg:$0x2] =	wrdreg s24  }
0xaf: {  	[dreg:$0x3] =	wrdreg $0x24000  }
0xb0: {  	[dreg:$0x4] =	wrdreg $0x9  }
0xb1: {  	_ =	task.clear_ibuf [dreg:s6], $0x5FFFF;
	_ =	strace $0x90000046  }
0xb2: {  	s29 =	simm.s32 $0x9;
	_ =	strace $0x80000048  }
0xb3: {  	_ =	swait.ge [sflag:s29], $0x1  }
0xb4: {  	[sflag:s29] =	ssyncadd.s32 $0xFFFFFFFF  }
0xb5: {  	_ =	strace $0x90000048  }
0xb6: {  	_ =	sfence  }
0xb7: {  	s30 =	sld [smem:$0x0];
	_ =	sdelay $0x2  }
0xb8: {  	s31 =	sshll.u32 s1, $0xD;
	s1 =	sshrl.u32 s1, $0x2  }
0xb9: {  	s3 =	sand.u32 $0x4000, s31;
	s1 =	sadd.s32 s1, s30  }
0xba: {  	s0 =	sor.u32 s3, s0;
	s1 =	sshll.u32 s1, $0x11  }
0xbb: {  	s0 =	sor.u32 s1, s0  }
0xbc: {  	s0 =	sadd.s32 $0x8F2B, s0  }
0xbd: {  	[sflag:s0] =	ssyncadd.remote.s32 $0x1  }
0xbe: {  	_ =	sfence.sel $0xFFFF  }
0xbf: {  	[dreg:$0x0] =	wrdreg $0xFFFFFFFF;
	(pc) =	sbr.abs _section_cstart, $3  }
0xc0: {  	[dreg:$0x1] =	wrdreg $0xFFFFFFFF  }
0xc1: {  	_ =	task.clear_ibuf [dreg:s6], $0x2FFFF;
	_ =	strace $0x9FFFFFFF  }
0xc2: {  	(tm) =	ssettm $0x7FFFFFFF  }
0xc3: {  	_ =	shalt  }
tec
execute0_lowered:
.L_overlay_start_1:
0x0: {  	(tag) =	ssettag $0x1  }
0x1: {  	s6 =	rddreg [dreg:$0x0]  }
0x2: {  	s2 =	rddreg [dreg:$0x1]  }
0x3: {  	s0 =	rddreg [dreg:$0x2];
	s4 =	srdreg.scid  }
0x4: {  	s3 =	simm.s32 $0x0;
	s1 =	stileid.u32;
	s13 =	simm.s32 $0x80  }
0x5: {  	s14 =	simm.s32 $0x1;
	s15 =	simm.s32 $0x0;
	s7 =	sand.u32 $0x1, s4  }
0x6: {  	[smem:$0x7FF] =	sst s3;
	s5 =	sshll.u32 s1, $0xA;
	s4 =	sadd.s32 $0x13800, s6  }
0x7: {  	s9 =	sshll.u32 s1, $0xD;
	s10 =	sshll.u32 s1, $0x6;
	s8 =	sshll.u32 s7, $0xE  }
0x8: {  	_ =	strace $0x80000047;
	s31 =	ssub.s32 $0x2, s7;
	s12 =	sadd.s32 s9, s2  }
0x9: {  	s8 =	sor.u32 s5, s8;
	s5 =	sadd.s32 $0x13A00, s6;
	s7 =	sshrl.u32 s31, $0x1  }
0xa: {  	s8 =	sadd.s32 s8, s6;
	s11 =	ssub.s32 s31, s7;
	s6 =	sor.u32 $0x1C02, s10  }
0xb: {  	s10 =	sshrl.u32 s12, $0x3;
	s12 =	simm.s32 $0x2000;
	s7 =	sadd.s32 $0x3800, s8  }
0xc: {  	s8 =	sadd.s32 $0x13E00, s8;
	s9 =	smax.u32 s11, $0x1;
	s11 =	simm.s32 $0x2  }
.LBB2_1:
0xd: {  	[spmem:s10], [sflag:s6] =	dma.local [hbm:s5], $0x400  }
0xe: {  	_ =	swait.ge [sflag:s11], $0x400  }
0xf: {  	[sflag:s11] =	ssyncset.done $0x0  }
0x10: {  	[sflag:s11] =	ssyncadd.s32 $0xFFFFFC00  }
0x11: {  	[tilespmem:s3], [sflag:$0x2] =	stream.linear.gather [hbm4b:s7+s3], $0x2000, $0x38;
	[tilespmem:$0x4400] =	vst v63  }
0x12: {  	_ =	swait.ge [sflag:s11], $0x2000  }
0x13: {  	[sflag:s11] =	ssyncset.done $0x0  }
0x14: {  	[sflag:s11] =	ssyncadd.s32 $0xFFFFE000  }
0x15: {  	[tilespmem:s12], [sflag:$0x2] =	stream.linear.gather [hbm4b:s4+s3], $0x400, $0x38;
	[tilespmem:$0x4400] =	vst v63  }
0x16: {  	_ =	swait.ge [sflag:s11], $0x400  }
0x17: {  	[sflag:s11] =	ssyncset.done $0x0  }
0x18: {  	[sflag:s11] =	ssyncadd.s32 $0xFFFFFC00  }
0x19: {  	s16 =	simm.s32 $0x0;
	[bflag:$0x0] =	sbarrier.arrive $0xFFFF  }
.LBB2_2:
0x1a: {  	p0 =	sne.s32 s16, $0x7E00  }
.Ltmp0:
0x1b: {  	_ = 	snop;
	(pc) =	sbr.rel @p0 .LBB2_2-.Ltmp0, $3  }
0x1c: {  	_ =	sdelay $0x1  }
0x1d: {  	s17 =	sshra.s32 s16, $0x2;
	s16 =	sadd.s32 $0x200, s16  }
0x1e: {  	[spmem:s2] =	stream.indirect.scatter.add.f32 [tilespmem:s12], [sflag:$0x1], $0x8, s17, s13, $0xb8;
	[tilespmem:$0x4400] =	vst v63  }
0x1f: {  	_ =	swait.ge [sflag:s14], $0x400  }
0x20: {  	s16 =	simm.s32 $0x3F;
	[sflag:s14] =	ssyncset.done $0x0  }
.LBB2_4:
0x21: {  	p0 =	sne.s32 s16, $0x1;
	s16 =	sadd.s32 $0xFFFFFFFF, s16;
	[sflag:s14] =	ssyncadd.s32 $0xFFFFFC00  }
.Ltmp1:
0x22: {  	(pc) =	sbr.rel @p0 .LBB2_4-.Ltmp1, $3  }
0x23: {  	_ =	sdelay $0x1  }
0x24: {  	_ =	swait.ge [sflag:s14], $0x400  }
0x25: {  	[sflag:s14] =	ssyncset.done $0x0  }
0x26: {  	s15 =	sadd.s32 $0x1, s15  }
0x27: {  	[sflag:s14] =	ssyncadd.s32 $0xFFFFFC00;
	p0 =	sne.s32 s15, s9  }
.Ltmp2:
0x28: {  	[bflag:$0x0] =	sbarrier.arrive $0xFFFF;
	(pc) =	sbr.rel @p0 .LBB2_1-.Ltmp2, $4  }
0x29: {  	[hbm:s8], [sflag:s6] =	dma.local [spmem:s10], $0x400  }
0x2a: {  	_ =	swait.ge [sflag:s11], $0x400  }
0x2b: {  	[sflag:s11] =	ssyncset.done $0x0  }
0x2c: {  	[sflag:s11] =	ssyncadd.s32 $0xFFFFFC00  }
0x2d: {  	_ =	sfence.sel $0x180000  }
0x2e: {  	[bflag:$0x0] =	sbarrier.arrive $0xFFFF  }
0x2f: {  	p0 =	sne.s32 s1, $0x0;
	_ =	strace $0x90000047  }
0x30: {  	s0 =	sadd.s32 @!p0 $0x100000, s0;
	[bflag:$0x2] =	sbarrier.arrive $0xFFFF  }
0x31: {  	[sflag:s0] =	ssyncadd.tile.s32 @!p0 $0x1;
	_ =	shalt  }
.Lfunc_end2:
_tile_overlayer_lowered:
.L_overlay_start_2:
0x32: {  	(tag) =	ssettag $0x2  }
0x33: {  	s0 =	rddreg [dreg:$0x0];
	s2 =	stileid.u32  }
0x34: {  	s1 =	rddreg [dreg:$0x1];
	p0 =	sne.s32 s2, $0x0  }
0x35: {  	s3 =	rddreg [dreg:$0x2];
	[bflag:$0x3] =	sbarrier.arrive $0xFFFF;
	s2 =	simm.s32 @!p0 $0x1C02  }
0x36: {  	[timem:s3], [sflag:s2] =	dma.local @!p0 [hbm:s0], s1  }
0x37: {  	s0 =	simm.s32 @!p0 $0x2  }
0x38: {  	_ =	swait.ge @!p0 [sflag:s0], s1  }
0x39: {  	s1 =	ssub.s32 @!p0 $0x0, s1;
	[sflag:s0] =	ssyncset.done @!p0 $0x0  }
0x3a: {  	[sflag:s0] =	ssyncadd.s32 @!p0 s1  }
0x3b: {  	[bflag:$0x3] =	sbarrier.arrive $0xFFFF  }
0x3c: {  	_ =	shalt  }

// kernel: kernel.9.cloned.1.call-start
scs
__scs_entry_jumppad:
0x0: {  	(pc) =	sbr.rel $0x88, $3  }
0x1: {  	(tag) =	ssettag $0x0;
	lr =	simm.s32 $0x1  }
0x2: {  	[smem:$0x3F91] =	sst lr;
	_ =	strace $0xD0000000  }
0x3: {  	_ = 	snop  }
0x4: {  	_ = 	snop  }
0x5: {  	_ = 	snop  }
0x6: {  	_ = 	snop  }
0x7: {  	_ = 	snop  }
__scs_overlays_trampoline_lowered:
0x8: {  	[smem:$0x3FA0] =	sst s0  }
0x9: {  	[smem:$0x3FA1] =	sst s1  }
0xa: {  	[smem:$0x3FA2] =	sst s2  }
0xb: {  	[smem:$0x3FA3] =	sst s3  }
0xc: {  	[smem:$0x3FA4] =	sst s4  }
0xd: {  	[smem:$0x3FA5] =	sst s5  }
0xe: {  	[smem:$0x3FA6] =	sst s6  }
0xf: {  	[smem:$0x3FA7] =	sst s7  }
0x10: {  	[smem:$0x3FA8] =	sst s8  }
0x11: {  	[smem:$0x3FA9] =	sst s9;
	s0 =	simm.s32 @!p0 $0x0  }
0x12: {  	s1 =	sld [smem:$0x3F8F];
	s0 =	simm.s32 @p0 $0x1  }
0x13: {  	[smem:$0x3FAA] =	sst s0;
	s0 =	simm.s32 @!p1 $0x0  }
0x14: {  	s2 =	sld [smem:$0x3F8E];
	s0 =	simm.s32 @p1 $0x1  }
0x15: {  	[smem:$0x3FAB] =	sst s0;
	s0 =	simm.s32 @!p2 $0x0  }
0x16: {  	s3 =	sld [smem:$0x3FDB];
	s0 =	simm.s32 @p2 $0x1  }
0x17: {  	s4 =	simm.s32 $0x1BF5;
	[smem:$0x3FAD] =	sst s0  }
0x18: {  	s0 =	sld [smem:$0x3F90];
	_ =	swait.ge [sflag:s4], $0x0  }
0x19: {  	s7 =	sld [smem:$0x3F91]  }
0x1a: {  	s8 =	sadd.s32 $0xFFFFE003, lr  }
0x1b: {  	s9 =	sadd.s32 $0xFFFFFEF7, lr;
	s5 =	simm.s32 $0xFFFFFFFF;
	p2 =	slt.u32 s8, $0xFFFFF086  }
0x1c: {  	p1 =	slt.u32 s9, $0xF7A;
	s5 =	simm.s32 @!p2 $0x0  }
0x1d: {  	s5 =	simm.s32 @p1 $0x1;
	p0 =	seq.s32 s7, s2  }
0x1e: {  	s7 =	smul.u32 @!p0 $0xF7A, s2;
	p2 =	seq.s32 @!p0 s5, $0x0  }
0x1f: {  	s9 =	smul.u32 $0xF7A, s1;
	s8 =	simm.s32 @!p0 $0x1BF5;
	p2 =	por !p2, p0  }
0x20: {  	[sflag:s8] =	ssyncset.s32 @!p0 $0xFFFFF086;
	s6 =	sadd.s32 @!p0 s3, s7;
	s7 =	simm.s32 @!p0 $0x108  }
0x21: {  	s3 =	sadd.s32 s3, s9;
	s6 =	sadd.s32 @!p0 $0x88, s6;
	s7 =	simm.s32 @p2 $0x1082  }
0x22: {  	[simem:s7], [sflag:s8] =	dma.local @!p0 [hbm:s6], $0xF7A  }
0x23: {  	s9 =	sor.u32 $0xD0000000, s2;
	s6 =	simm.s32 $0x108;
	_ =	swait.ge @!p0 [sflag:s8], $0x0  }
0x24: {  	s3 =	sadd.s32 $0x88, s3;
	s6 =	simm.s32 @!p1 $0x1082;
	[sflag:s4] =	ssyncset.s32 $0xFFFFF086  }
0x25: {  	[simem:s6], [sflag:s4] =	dma.local [hbm:s3], $0xF7A  }
0x26: {  	[smem:$0x3F91] =	sst s1;
	(tag) =	ssettag s2;
	_ =	strace s9  }
0x27: {  	s1 =	sld [smem:$0x3FA1]  }
0x28: {  	s2 =	sld [smem:$0x3FA2]  }
0x29: {  	s4 =	sld [smem:$0x3FA4]  }
0x2a: {  	p0 =	seq.s32 s5, $0x0;
	s5 =	sld [smem:$0x3FA5]  }
0x2b: {  	s6 =	sld [smem:$0x3FA6]  }
0x2c: {  	s7 =	sld [smem:$0x3FA7]  }
0x2d: {  	s3 =	simm.s32 $0x108;
	s8 =	sld [smem:$0x3FA8]  }
0x2e: {  	s3 =	simm.s32 @!p0 $0x1082;
	s9 =	sld [smem:$0x3FA9]  }
0x2f: {  	lr =	sadd.s32 s0, s3;
	s0 =	sld [smem:$0x3FA0]  }
0x30: {  	s3 =	sld [smem:$0x3FA3]  }
0x31: {  	[smem:$0x3FAC] =	sst s10  }
0x32: {  	s10 =	sld [smem:$0x3FAA];
	_ =	sdelay $0x3  }
0x33: {  	p0 =	seq.s32 s10, $0x1;
	s10 =	sld [smem:$0x3FAC];
	_ =	sdelay $0x3  }
0x34: {  	[smem:$0x3FAC] =	sst s10  }
0x35: {  	s10 =	sld [smem:$0x3FAB];
	_ =	sdelay $0x3  }
0x36: {  	p1 =	seq.s32 s10, $0x1;
	s10 =	sld [smem:$0x3FAC];
	_ =	sdelay $0x3  }
0x37: {  	[smem:$0x3FAC] =	sst s10  }
0x38: {  	s10 =	sld [smem:$0x3FAD]  }
0x39: {  	_ = 	snop;
	(pc) =	sbr.ind lr, $3  }
0x3a: {  	_ = 	snop  }
0x3b: {  	_ = 	snop  }
0x3c: {  	p2 =	seq.s32 s10, $0x1;
	s10 =	sld [smem:$0x3FAC]  }
0x3d: {  	_ =	shalt  }
0x3e: {  	_ =	shalt  }
0x3f: {  	_ =	shalt  }
0x40: {  	_ =	shalt  }
0x41: {  	_ =	shalt  }
0x42: {  	_ =	shalt  }
0x43: {  	_ =	shalt  }
0x44: {  	_ =	shalt  }
0x45: {  	_ =	shalt  }
0x46: {  	_ =	shalt  }
0x47: {  	_ =	shalt  }
0x48: {  	_ =	shalt  }
0x49: {  	_ =	shalt  }
0x4a: {  	_ =	shalt  }
0x4b: {  	_ =	shalt  }
0x4c: {  	_ =	shalt  }
0x4d: {  	_ =	shalt  }
0x4e: {  	_ =	shalt  }
0x4f: {  	_ =	shalt  }
0x50: {  	_ =	shalt  }
0x51: {  	_ =	shalt  }
0x52: {  	_ =	shalt  }
0x53: {  	_ =	shalt  }
0x54: {  	_ =	shalt  }
0x55: {  	_ =	shalt  }
0x56: {  	_ =	shalt  }
0x57: {  	_ =	shalt  }
0x58: {  	_ =	shalt  }
0x59: {  	_ =	shalt  }
0x5a: {  	_ =	shalt  }
0x5b: {  	_ =	shalt  }
0x5c: {  	_ =	shalt  }
0x5d: {  	_ =	shalt  }
0x5e: {  	_ =	shalt  }
0x5f: {  	_ =	shalt  }
0x60: {  	_ =	shalt  }
0x61: {  	_ =	shalt  }
0x62: {  	_ =	shalt  }
0x63: {  	_ =	shalt  }
0x64: {  	_ =	shalt  }
0x65: {  	_ =	shalt  }
0x66: {  	_ =	shalt  }
0x67: {  	_ =	shalt  }
0x68: {  	_ =	shalt  }
0x69: {  	_ =	shalt  }
0x6a: {  	_ =	shalt  }
0x6b: {  	_ =	shalt  }
0x6c: {  	_ =	shalt  }
0x6d: {  	_ =	shalt  }
0x6e: {  	_ =	shalt  }
0x6f: {  	_ =	shalt  }
0x70: {  	_ =	shalt  }
0x71: {  	_ =	shalt  }
0x72: {  	_ =	shalt  }
0x73: {  	_ =	shalt  }
0x74: {  	_ =	shalt  }
0x75: {  	_ =	shalt  }
0x76: {  	_ =	shalt  }
0x77: {  	_ =	shalt  }
0x78: {  	_ =	shalt  }
0x79: {  	_ =	shalt  }
0x7a: {  	_ =	shalt  }
0x7b: {  	_ =	shalt  }
0x7c: {  	_ =	shalt  }
0x7d: {  	_ =	shalt  }
0x7e: {  	_ =	shalt  }
0x7f: {  	_ =	shalt  }
0x80: {  	_ =	shalt  }
0x81: {  	_ =	shalt  }
0x82: {  	_ =	shalt  }
0x83: {  	_ =	shalt  }
0x84: {  	_ =	shalt  }
0x85: {  	_ =	shalt  }
0x86: {  	_ =	shalt  }
0x87: {  	_ =	shalt  }
.Lfunc_end0:
.L_simem_size_0:
called_computation.1_lowered:
.L_overlay_start_0:
0x88: {  	s2 =	sld [smem:$0x3FD9]  }
0x89: {  	s3 =	sld [smem:$0x3FFE];
	_ =	sdelay $0x1  }
0x8a: {  	s1 =	srdreg.scid  }
0x8b: {  	s0 =	sand.u32 $0x1, s1  }
0x8c: {  	s16 =	sshll.u32 s0, $0xA;
	s2 =	sadd.s32 s3, s2  }
0x8d: {  	s2 =	sadd.s32 s2, s16  }
0x8e: {  	[smem:$0x3FB8] =	sst s2  }
0x8f: {  	_ = 	snop  }
0x90: {  	(tm) =	ssettm $0x1  }
0x91: {  	s17 =	sld [smem:$0x3FFB];
	_ =	sdelay $0x3  }
0x92: {  	_ =	strace s17  }
0x93: {  	s2 =	sld [smem:$0x3FFC];
	_ =	sdelay $0x3  }
0x94: {  	_ =	strace s2  }
0x95: {  	s2 =	sld [smem:$0x3FFD];
	_ =	sdelay $0x3  }
0x96: {  	_ =	strace s2  }
0x97: {  	_ =	strace $0x8FFFFFFF  }
0x98: {  	s18 =	sld [smem:$0x3FDB];
	_ =	sdelay $0x1  }
0x99: {  	s19 =	simm.s32 $_scs_section_size  }
0x9a: {  	s4 =	simm.s32 $_size__tile_overlayer_lowered;
	s5 =	simm.s32 $_tile_overlayer_lowered  }
0x9b: {  	s22 =	simm.s32 $0x1BFF;
	s21 =	sshll.u32 s5, $0x1;
	s2 =	sadd.s32 s19, s18  }
0x9c: {  	s6 =	simm.s32 $0x0;
	s20 =	sshll.u32 s4, $0x1;
	s4 =	sadd.s32 s21, s2  }
0x9d: {  	[timem:s6], [sflag:s22] =	dma.local [hbm:s4], s20  }
0x9e: {  	_ =	swait.ge [sflag:s22], s20  }
0x9f: {  	s3 =	ssub.s32 $0x0, s20;
	[sflag:s22] =	ssyncset.done $0x0  }
0xa0: {  	[sflag:s22] =	ssyncadd.s32 s3;
	_ =	sdelay $0x1  }
0xa1: {  	s23 =	simm.s32 $0x1B8B  }
0xa2: {  	_ =	swait.ge [sflag:s23], $0x1  }
0xa3: {  	[sflag:s23] =	ssyncset.done $0x0  }
0xa4: {  	s25 =	simm.s32 $0x1B8E;
	s24 =	sld [smem:$0x3FFE];
	[sflag:s23] =	ssyncadd.s32 $0xFFFFFFFF  }
0xa5: {  	s26 =	simm.s32 $execute0_lowered;
	[smem:$0x3FD2] =	sst s25  }
0xa6: {  	s4 =	sshll.u32 s26, $0x1;
	_ =	strace $0x80000049;
	[dreg:$0x1] =	wrdreg $0xFFFFFFFF  }
0xa7: {  	s28 =	simm.s32 $_size_execute0_lowered;
	s2 =	sadd.s32 s2, s4;
	[dreg:$0x0] =	wrdreg $0x0  }
0xa8: {  	s4 =	sshll.u32 s28, $0x1;
	[dreg:$0x2] =	wrdreg s2  }
0xa9: {  	[dreg:$0x3] =	wrdreg s4  }
0xaa: {  	[dreg:$0x4] =	wrdreg $0xC0  }
0xab: {  	_ =	task [dreg:s6], $0x5FFFF  }
0xac: {  	[dreg:$0x1] =	wrdreg $0xFFFFFFFF  }
0xad: {  	[dreg:$0x0] =	wrdreg $0x60  }
0xae: {  	[dreg:$0x2] =	wrdreg s24  }
0xaf: {  	[dreg:$0x3] =	wrdreg $0x100000  }
0xb0: {  	[dreg:$0x4] =	wrdreg $0x9  }
0xb1: {  	_ =	task.clear_ibuf [dreg:s6], $0x5FFFF;
	_ =	strace $0x90000049  }
0xb2: {  	s29 =	simm.s32 $0x9;
	_ =	strace $0x8000004B  }
0xb3: {  	_ =	swait.ge [sflag:s29], $0x1  }
0xb4: {  	[sflag:s29] =	ssyncadd.s32 $0xFFFFFFFF  }
0xb5: {  	_ =	strace $0x9000004B  }
0xb6: {  	_ =	sfence  }
0xb7: {  	s30 =	sld [smem:$0x0];
	_ =	sdelay $0x2  }
0xb8: {  	s31 =	sshll.u32 s1, $0xD;
	s1 =	sshrl.u32 s1, $0x2  }
0xb9: {  	s3 =	sand.u32 $0x4000, s31;
	s1 =	sadd.s32 s1, s30  }
0xba: {  	s0 =	sor.u32 s3, s0;
	s1 =	sshll.u32 s1, $0x11  }
0xbb: {  	s0 =	sor.u32 s1, s0  }
0xbc: {  	s0 =	sadd.s32 $0x8F2B, s0  }
0xbd: {  	[sflag:s0] =	ssyncadd.remote.s32 $0x1  }
0xbe: {  	_ =	sfence.sel $0xFFFF  }
0xbf: {  	[dreg:$0x0] =	wrdreg $0xFFFFFFFF;
	(pc) =	sbr.abs _section_cstart, $3  }
0xc0: {  	[dreg:$0x1] =	wrdreg $0xFFFFFFFF  }
0xc1: {  	_ =	task.clear_ibuf [dreg:s6], $0x2FFFF;
	_ =	strace $0x9FFFFFFF  }
0xc2: {  	(tm) =	ssettm $0x7FFFFFFF  }
0xc3: {  	_ =	shalt  }
tec
execute0_lowered:
.L_overlay_start_1:
0x0: {  	(tag) =	ssettag $0x1  }
0x1: {  	s6 =	rddreg [dreg:$0x0]  }
0x2: {  	s2 =	rddreg [dreg:$0x1]  }
0x3: {  	s0 =	rddreg [dreg:$0x2]  }
0x4: {  	s3 =	simm.s32 $0x0;
	s1 =	stileid.u32;
	s5 =	srdreg.scid  }
0x5: {  	s14 =	simm.s32 $0x80;
	s15 =	simm.s32 $0x8000;
	s16 =	simm.s32 $0xA000  }
0x6: {  	s17 =	simm.s32 $0x100;
	s18 =	simm.s32 $0xC000;
	s19 =	simm.s32 $0x180  }
0x7: {  	s20 =	simm.s32 $0xE000;
	s22 =	simm.s32 $0x2;
	s23 =	simm.s32 $0x0  }
0x8: {  	[smem:$0x7FF] =	sst s3;
	s4 =	sshll.u32 s1, $0xB;
	s9 =	sand.u32 $0x1, s5  }
0x9: {  	s5 =	sadd.s32 $0x93800, s6;
	s29 =	sshll.u32 s1, $0x10;
	s30 =	sshll.u32 s1, $0x6  }
0xa: {  	s13 =	sshll.u32 s1, $0xD;
	_ =	strace $0x8000004A;
	s8 =	sadd.s32 s4, s6  }
0xb: {  	s4 =	sadd.s32 $0x53800, s6;
	s7 =	sshll.u32 s9, $0x11;
	s10 =	ssub.s32 $0x2, s9  }
0xc: {  	s12 =	sadd.s32 s29, s2;
	s21 =	sshll.u32 s9, $0xE;
	s11 =	sadd.s32 s7, s6  }
0xd: {  	s28 =	sshrl.u32 s10, $0x1;
	s6 =	sor.u32 $0x1C03, s30;
	s7 =	sadd.s32 $0xB800, s8  }
0xe: {  	s8 =	sadd.s32 $0x3800, s8;
	v0 =	vmov s21;
	s21 =	simm.s32 $0x1;
	s10 =	ssub.s32 s10, s28  }
0xf: {  	s31 =	sadd.s32 s13, s11;
	s11 =	sshrl.u32 s12, $0x3;
	s12 =	simm.s32 $0x3  }
0x10: {  	s13 =	simm.s32 $0x4000;
	s9 =	sadd.s32 $0x95800, s31;
	s10 =	smax.u32 s10, $0x1  }
.LBB2_1:
0x11: {  	[spmem:s11], [sflag:s6] =	dma.local [hbm:s5], $0x2000  }
0x12: {  	_ =	swait.ge [sflag:s12], $0x2000  }
0x13: {  	[sflag:s12] =	ssyncset.done $0x0  }
0x14: {  	[sflag:s12] =	ssyncadd.s32 $0xFFFFE000  }
0x15: {  	[tilespmem:s3], [sflag:$0x3] =	stream.linear.gather [hbm4b:s7+s3], $0x4000, $0x38;
	v63 =	vld [tilespmem:$0x0]  }
0x16: {  	_ =	swait.ge [sflag:s12], $0x4000  }
0x17: {  	[sflag:s12] =	ssyncset.done $0x0  }
0x18: {  	[sflag:s12] =	ssyncadd.s32 $0xFFFFC000  }
0x19: {  	[tilespmem:s13], [sflag:$0x3] =	stream.linear.gather [hbm4b:s8+s3], $0x4000, $0x38;
	v63 =	vld [tilespmem:$0x0]  }
0x1a: {  	_ =	swait.ge [sflag:s12], $0x4000  }
0x1b: {  	[sflag:s12] =	ssyncset.done $0x0  }
0x1c: {  	s24 =	simm.s32 $0x0;
	[sflag:s12] =	ssyncadd.s32 $0xFFFFC000  }
0x1d: {  	v3 =	vld [tilespmem:s24+$0x0]  }
0x1e: {  	v5 =	vld [tilespmem:s24+$0x10]  }
0x1f: {  	v4 =	vld [tilespmem:s24+$0x20]  }
0x20: {  	v2 =	vld [tilespmem:s24+$0x30]  }
0x21: {  	v1 =	vld [tilespmem:s24+$0x40]  }
0x22: {  	v6 =	vadd.s32 v0, v3;
	v3 =	vld [tilespmem:s24+$0x50]  }
0x23: {  	s25 =	simm.s32 $0x200;
	[tilespmem:s24+$0x0] =	vst v6;
	v6 =	vadd.s32 v0, v5;
	v5 =	vld [tilespmem:s24+$0x60]  }
.LBB2_2:
0x24: {  	s26 =	sshra.s32 s25, $0x2;
	p0 =	sne.s32 s25, $0xFE00;
	[tilespmem:s24+$0x10] =	vst v6;
	v4 =	vadd.s32 v0, v4;
	v6 =	vld [tilespmem:s24+$0x70]  }
0x25: {  	v7 =	vld [tilespmem:s26+$0x0];
	[tilespmem:s24+$0x20] =	vst v4;
	v2 =	vadd.s32 v0, v2  }
0x26: {  	v8 =	vld [tilespmem:s26+$0x10];
	[tilespmem:s24+$0x30] =	vst v2;
	v1 =	vadd.s32 v0, v1  }
.Ltmp0:
0x27: {  	v4 =	vld [tilespmem:s26+$0x20];
	[tilespmem:s24+$0x40] =	vst v1;
	v1 =	vadd.s32 v0, v3;
	(pc) =	sbr.rel @p0 .LBB2_2-.Ltmp0, $4  }
0x28: {  	v2 =	vld [tilespmem:s26+$0x30];
	[tilespmem:s24+$0x50] =	vst v1;
	v3 =	vadd.s32 v0, v5  }
0x29: {  	v1 =	vld [tilespmem:s26+$0x40];
	[tilespmem:s24+$0x60] =	vst v3;
	v5 =	vadd.s32 v0, v6  }
0x2a: {  	v6 =	vadd.s32 v0, v7;
	v3 =	vld [tilespmem:s26+$0x50];
	[tilespmem:s24+$0x70] =	vst v5;
	s24 =	smov.u32 s26  }
0x2b: {  	s25 =	sadd.s32 $0x200, s25;
	[tilespmem:s24+$0x0] =	vst v6;
	v6 =	vadd.s32 v0, v8;
	v5 =	vld [tilespmem:s24+$0x60]  }
0x2c: {  	[tilespmem:s24+$0x10] =	vst v6;
	v4 =	vadd.s32 v0, v4;
	v62 =	vld [tilespmem:s24+$0x70]  }
0x2d: {  	[tilespmem:s24+$0x20] =	vst v4;
	v2 =	vadd.s32 v0, v2  }
0x2e: {  	[tilespmem:s24+$0x30] =	vst v2;
	v1 =	vadd.s32 v0, v1  }
0x2f: {  	[tilespmem:s24+$0x40] =	vst v1;
	v1 =	vadd.s32 v0, v3  }
0x30: {  	[tilespmem:s24+$0x50] =	vst v1;
	v1 =	vadd.s32 v0, v5  }
0x31: {  	[tilespmem:s24+$0x60] =	vst v1;
	v1 =	vadd.s32 v0, v62  }
0x32: {  	[tilespmem:s24+$0x70] =	vst v1  }
0x33: {  	[bflag:$0x0] =	sbarrier.arrive $0xFFFF  }
0x34: {  	[tilespmem:s15], [sflag:$0x1] =	stream.indirect.gather [hbm4b:s4+s14], $0x40, s3, s14, $0xb8;
	v63 =	vld [tilespmem:$0x0]  }
0x35: {  	_ = 	snop  }
0x36: {  	[tilespmem:s16], [sflag:$0x1] =	stream.indirect.gather [hbm4b:s4+s14], $0x40, s14, s14, $0xb8;
	v63 =	vld [tilespmem:$0x0]  }
0x37: {  	s26 =	simm.s32 $0x1  }
0x38: {  	[tilespmem:s18], [sflag:$0x1] =	stream.indirect.gather [hbm4b:s4+s14], $0x40, s17, s14, $0xb8;
	v63 =	vld [tilespmem:$0x0]  }
0x39: {  	_ =	swait.ge [sflag:s26], $0x2000  }
0x3a: {  	[sflag:s26] =	ssyncset.done $0x0  }
0x3b: {  	s28 =	simm.s32 $0x4080;
	[sflag:s26] =	ssyncadd.s32 $0xFFFFE000  }
0x3c: {  	[spmem:s2] =	stream.indirect.scatter.add.f32 [tilespmem:s15], [sflag:$0x2], $0x40, s13, s14, $0xb8;
	v63 =	vld [tilespmem:$0x0]  }
0x3d: {  	s29 =	simm.s32 $0x20000;
	s25 =	simm.s32 $0x8000;
	p0 =	por $0x0, $0x0  }
0x3e: {  	[tilespmem:s20], [sflag:$0x1] =	stream.indirect.gather [hbm4b:s4+s14], $0x40, s19, s14, $0xb8;
	v63 =	vld [tilespmem:$0x0]  }
0x3f: {  	s29 =	sand.u32 @!p0 $0x18000, s29;
	s26 =	sand.u32 $0x18000, s25;
	_ =	swait.ge [sflag:s21], $0x2000  }
0x40: {  	s31 =	simm.s32 @!p0 $0x80;
	s30 =	sshrl.u32 s26, $0x2;
	[sflag:s21] =	ssyncset.done $0x0  }
0x41: {  	s24 =	simm.s32 $0x200;
	s30 =	sor.u32 $0x8000, s30;
	[sflag:s21] =	ssyncadd.s32 $0xFFFFE000  }
0x42: {  	[spmem:s2] =	stream.indirect.scatter.add.f32 [tilespmem:s30], [sflag:$0x2], $0x40, s28, s14, $0xb8;
	v63 =	vld [tilespmem:$0x0]  }
0x43: {  	s25 =	simm.s32 $0x2;
	s26 =	simm.s32 $0x280;
	_ =	swait.ge [sflag:s22], $0x2000  }
0x44: {  	s28 =	simm.s32 $0x28000;
	s30 =	sshrl.u32 @!p0 s29, $0x2;
	[sflag:s22] =	ssyncset.done $0x0  }
0x45: {  	s29 =	simm.s32 $0x4100;
	s30 =	sor.u32 @!p0 $0x8000, s30;
	[sflag:s22] =	ssyncadd.s32 $0xFFFFE000  }
.LBB2_4:
0x46: {  	[tilespmem:s30], [sflag:$0x1] =	stream.indirect.gather @!p0 [hbm4b:s4+s31], $0x40, s24, s31, $0xb8;
	v63 =	vld [tilespmem:$0x0]  }
0x47: {  	s30 =	smov.u32 s25;
	s24 =	smov.u32 s26  }
0x48: {  	s31 =	sadd.s32 $0xFFFE8000, s28;
	s25 =	sadd.s32 $0x1, s25;
	_ =	swait.ge [sflag:s21], $0x2000  }
0x49: {  	s31 =	sand.u32 $0x18000, s31;
	p1 =	sne.s32 s25, $0x80;
	[sflag:s21] =	ssyncset.done $0x0  }
0x4a: {  	s26 =	sadd.s32 $0x80, s26;
	s31 =	sshrl.u32 s31, $0x2;
	[sflag:s21] =	ssyncadd.s32 $0xFFFFE000  }
.Ltmp1:
0x4b: {  	p0 =	sgt.u32 s30, $0x7C;
	s31 =	sor.u32 $0x8000, s31;
	(pc) =	sbr.rel @p1 .LBB2_4-.Ltmp1, $4  }
0x4c: {  	[spmem:s2] =	stream.indirect.scatter.add.f32 [tilespmem:s31], [sflag:$0x2], $0x40, s29, s14, $0xb8;
	v63 =	vld [tilespmem:$0x0]  }
0x4d: {  	s30 =	sand.u32 @!p0 $0x18000, s28;
	s28 =	sadd.s32 $0x8000, s28;
	_ =	swait.ge [sflag:s22], $0x2000  }
0x4e: {  	s30 =	sshrl.u32 @!p0 s30, $0x2;
	s29 =	sadd.s32 $0x80, s29;
	[sflag:s22] =	ssyncset.done $0x0  }
0x4f: {  	s30 =	sor.u32 @!p0 $0x8000, s30;
	s31 =	simm.s32 @!p0 $0x80;
	[sflag:s22] =	ssyncadd.s32 $0xFFFFE000  }
0x50: {  	[tilespmem:s30], [sflag:$0x1] =	stream.indirect.gather @!p0 [hbm4b:s4+s31], $0x40, s24, s31, $0xb8;
	v63 =	vld [tilespmem:$0x0]  }
0x51: {  	_ =	swait.ge [sflag:s22], $0x2000  }
0x52: {  	s23 =	sadd.s32 $0x1, s23;
	[sflag:s22] =	ssyncset.done $0x0  }
0x53: {  	p0 =	sne.s32 s23, s10;
	[sflag:s22] =	ssyncadd.s32 $0xFFFFE000  }
.Ltmp2:
0x54: {  	[bflag:$0x0] =	sbarrier.arrive $0xFFFF;
	(pc) =	sbr.rel @p0 .LBB2_1-.Ltmp2, $4  }
0x55: {  	[hbm:s9], [sflag:s6] =	dma.local [spmem:s11], $0x2000  }
0x56: {  	_ =	swait.ge [sflag:s12], $0x2000  }
0x57: {  	[sflag:s12] =	ssyncset.done $0x0  }
0x58: {  	[sflag:s12] =	ssyncadd.s32 $0xFFFFE000  }
0x59: {  	_ =	sfence.sel $0x180000  }
0x5a: {  	[bflag:$0x0] =	sbarrier.arrive $0xFFFF  }
0x5b: {  	p0 =	sne.s32 s1, $0x0;
	_ =	strace $0x9000004A  }
0x5c: {  	s0 =	sadd.s32 @!p0 $0x100000, s0;
	[bflag:$0x2] =	sbarrier.arrive $0xFFFF  }
0x5d: {  	[sflag:s0] =	ssyncadd.tile.s32 @!p0 $0x1;
	_ =	shalt  }
.Lfunc_end2:
_tile_overlayer_lowered:
.L_overlay_start_2:
0x5e: {  	(tag) =	ssettag $0x2  }
0x5f: {  	s0 =	rddreg [dreg:$0x0];
	s2 =	stileid.u32  }
0x60: {  	s1 =	rddreg [dreg:$0x1];
	p0 =	sne.s32 s2, $0x0  }
0x61: {  	s3 =	rddreg [dreg:$0x2];
	[bflag:$0x3] =	sbarrier.arrive $0xFFFF;
	s2 =	simm.s32 @!p0 $0x1C03  }
0x62: {  	[timem:s3], [sflag:s2] =	dma.local @!p0 [hbm:s0], s1  }
0x63: {  	s0 =	simm.s32 @!p0 $0x3  }
0x64: {  	_ =	swait.ge @!p0 [sflag:s0], s1  }
0x65: {  	s1 =	ssub.s32 @!p0 $0x0, s1;
	[sflag:s0] =	ssyncset.done @!p0 $0x0  }
0x66: {  	[sflag:s0] =	ssyncadd.s32 @!p0 s1  }
0x67: {  	[bflag:$0x3] =	sbarrier.arrive $0xFFFF  }
0x68: {  	_ =	shalt  }

</sc_bundles>
